<compile_context>
chip_gen: v7x
topology: tpu7x:2x2x1
jax: 0.10.2.dev20260603
libtpu: 0.0.44.dev20260713+nightly
codegen_flags: <defaults>
</compile_context>

<pallas_src>
import functools

import jax
import jax.numpy as jnp
from jax import lax
from jax.experimental import pallas as pl
from jax.experimental.pallas import tpu as pltpu
from jax.experimental.pallas import tpu_sc as plsc

_DIM = 128
_CHUNK = 128


@functools.lru_cache(maxsize=None)
def _make_gather(n_pos: int, vocab: int):
    info = plsc.get_sparse_core_info()
    nc, ns = info.num_cores, info.num_subcores
    nw = nc * ns
    pos_per_w = n_pos // nw
    assert pos_per_w % _CHUNK == 0
    chunks_per_w = pos_per_w // _CHUNK
    n_items = 3 * chunks_per_w

    mesh = plsc.VectorSubcoreMesh(core_axis_name="c", subcore_axis_name="s")

    @functools.partial(
        pl.kernel,
        mesh=mesh,
        out_type=jax.ShapeDtypeStruct((n_pos, 3 * _DIM), jnp.float32),
        scratch_types=[
            pltpu.VMEM((chunks_per_w, _CHUNK), jnp.int32),
            pltpu.VMEM((chunks_per_w, _CHUNK), jnp.int32),
            pltpu.VMEM((chunks_per_w, _CHUNK), jnp.int32),
            pltpu.VMEM((_CHUNK, _DIM), jnp.float32),
            pltpu.VMEM((_CHUNK, _DIM), jnp.float32),
            pltpu.VMEM((_CHUNK, _DIM), jnp.float32),
            pltpu.VMEM((_CHUNK, _DIM), jnp.float32),
            pltpu.VMEM_SHARED((vocab, _DIM), jnp.float32),
            pltpu.VMEM_SHARED((vocab, _DIM), jnp.float32),
            pltpu.VMEM_SHARED((vocab, _DIM), jnp.float32),
            pltpu.SemaphoreType.DMA,
            pltpu.SemaphoreType.DMA,
            pltpu.SemaphoreType.DMA,
            pltpu.SemaphoreType.DMA,
            pltpu.SemaphoreType.DMA,
            pltpu.SemaphoreType.DMA,
            pltpu.SemaphoreType.DMA,
            pltpu.SemaphoreType.DMA,
        ],
    )
    def gather(rt, gt, bt, idx_hbm, out_hbm,
               idx0, idx1, idx2, rows0, rows1, rows2, rows3,
               tab0, tab1, tab2,
               gsem0, gsem1, gsem2, gsem3, ssem0, ssem1, ssem2, ssem3):
        sid = lax.axis_index("s")
        wid = sid * nc + lax.axis_index("c")
        tables = (tab0, tab1, tab2)
        idxs = (idx0, idx1, idx2)
        rows_per_sub = vocab // ns
        stage = pl.ds(sid * rows_per_sub, rows_per_sub)
        pltpu.sync_copy(rt.at[stage], tab0.at[stage])
        pltpu.sync_copy(gt.at[stage], tab1.at[stage])
        pltpu.sync_copy(bt.at[stage], tab2.at[stage])
        for k in range(3):
            pltpu.sync_copy(idx_hbm.at[k, wid], idxs[k])
        plsc.subcore_barrier()

        bufs = ((rows0, gsem0, ssem0), (rows1, gsem1, ssem1),
                (rows2, gsem2, ssem2), (rows3, gsem3, ssem3))
        nbuf = 4

        def gstart(t, k, b):
            rows, gsem, _ = bufs[b]
            pltpu.async_copy(tables[k].at[idxs[k].at[t]], rows, gsem)

        def gwait(t, k, b):
            rows, gsem, _ = bufs[b]
            pltpu.make_async_copy(tables[k].at[idxs[k].at[t]], rows,
                                  gsem).wait()

        def _store_dst(t, k):
            return out_hbm.at[pl.ds((wid * chunks_per_w + t) * _CHUNK,
                                    _CHUNK), pl.ds(k * _DIM, _DIM)]

        def sstart(t, k, b):
            rows, _, ssem = bufs[b]
            pltpu.async_copy(rows, _store_dst(t, k), ssem)

        def swait(t, k, b):
            rows, _, ssem = bufs[b]
            pltpu.make_async_copy(rows, _store_dst(t, k), ssem).wait()

        gstart(0, 0, 0)
        gstart(0, 1, 1)
        gstart(0, 2, 2)

        def full_item(j, i, first_group=False, last_group=False):
            c_t = 4 * j + i // 3
            k, b = i % 3, i % 4
            gwait(c_t, k, b)
            sstart(c_t, k, b)
            if not (first_group and i == 0):
                ip = i - 1 if i >= 1 else 11
                jp = j if i >= 1 else j - 1
                swait(4 * jp + ip // 3, ip % 3, ip % 4)
            if not (last_group and i >= 9):
                i3, j3 = (i + 3) % 12, j + (i + 3) // 12
                gstart(4 * j3 + i3 // 3, i3 % 3, i3 % 4)

        for i in range(12):
            full_item(0, i, first_group=True)

        def group_body(j, carry):
            for i in range(12):
                full_item(j, i)
            return carry

        n_groups = n_items // 12
        lax.fori_loop(1, n_groups - 1, group_body, 0)
        for i in range(12):
            full_item(n_groups - 1, i, last_group=True)
        c = n_items - 1
        swait(c // 3, c % 3, c % 4)

    return gather


def kernel(input_ids, r_table, g_table, b_table):
    assert input_ids.ndim == 3 and input_ids.shape[-1] == 3
    b, s, _ = input_ids.shape
    v = r_table.shape[0]
    n_pos = b * s
    nw = 32
    chunks = n_pos // (nw * _CHUNK)
    ids3 = (input_ids.astype(jnp.int32)
            .transpose(2, 0, 1)
            .reshape(3, nw, chunks, _CHUNK))
    out = _make_gather(n_pos, v)(r_table, g_table, b_table, ids3)
    return out.reshape(b, s, 3 * _DIM)

# --- scband reference (transcript-rebuilt; emitter-appended) ---
"""Pipeline reference for scband-embedding-17635135717417 (READ-ONLY COPY).

The authoritative reference and input builder live on the scoring server;
editing this copy changes nothing except your own understanding.
"""

import jax, jax.numpy as jnp
import numpy as np

VOCAB = 256 * 2
DIM = 128

def setup_inputs(seed: int = 0) -> dict:
    key = jax.random.key(seed)
    k_ids, k_r, k_g, k_b = jax.random.split(key, 4)
    input_ids = jax.random.randint(k_ids, (64, 4096, 3), 0, VOCAB, dtype=jnp.int64 if jax.config.jax_enable_x64 else jnp.int32)
    # nn.Embedding default init: N(0, 1)
    r_table = jax.random.normal(k_r, (VOCAB, DIM), dtype=jnp.float32)
    g_table = jax.random.normal(k_g, (VOCAB, DIM), dtype=jnp.float32)
    b_table = jax.random.normal(k_b, (VOCAB, DIM), dtype=jnp.float32)
    return {"input_ids": input_ids, "r_table": r_table, "g_table": g_table, "b_table": b_table}

def reference(input_ids, r_table, g_table, b_table):
    assert input_ids.ndim == 3
    assert input_ids.shape[-1] == 3
    r = jnp.take(r_table, input_ids[:, :, 0], axis=0)
    g = jnp.take(g_table, input_ids[:, :, 1], axis=0)
    b = jnp.take(b_table, input_ids[:, :, 2], axis=0)
    return jnp.concatenate([r, g, b], axis=-1)

if __name__ == "__main__":
    import jax
    _d = setup_inputs()
    print(jax.jit(kernel)(*tuple(_d.values())))

</pallas_src>

<mosaic_0001>
#map = affine_map<(d0, d1) -> (0, 0)>
#map1 = affine_map<(d0, d1) -> (0, 0, 0, 0)>
module attributes {stable_mosaic.version = 14 : i64} {
  func.func @gather(%arg0: i32, %arg1: i32, %arg2: memref<512x128xf32, #tpu.memory_space<hbm>>, %arg3: memref<512x128xf32, #tpu.memory_space<hbm>>, %arg4: memref<512x128xf32, #tpu.memory_space<hbm>>, %arg5: memref<3x32x64x128xi32, #tpu.memory_space<hbm>>, %arg6: memref<262144x384xf32, #tpu.memory_space<hbm>>, %arg7: memref<64x128xi32, #tpu.memory_space<vmem>>, %arg8: memref<64x128xi32, #tpu.memory_space<vmem>>, %arg9: memref<64x128xi32, #tpu.memory_space<vmem>>, %arg10: memref<128x128xf32, #tpu.memory_space<vmem>>, %arg11: memref<128x128xf32, #tpu.memory_space<vmem>>, %arg12: memref<128x128xf32, #tpu.memory_space<vmem>>, %arg13: memref<128x128xf32, #tpu.memory_space<vmem>>, %arg14: memref<512x128xf32, #tpu.memory_space<vmem_shared>>, %arg15: memref<512x128xf32, #tpu.memory_space<vmem_shared>>, %arg16: memref<512x128xf32, #tpu.memory_space<vmem_shared>>, %arg17: memref<!tpu.dma_semaphore, #tpu.memory_space<semaphore_mem>>, %arg18: memref<!tpu.dma_semaphore, #tpu.memory_space<semaphore_mem>>, %arg19: memref<!tpu.dma_semaphore, #tpu.memory_space<semaphore_mem>>, %arg20: memref<!tpu.dma_semaphore, #tpu.memory_space<semaphore_mem>>, %arg21: memref<!tpu.dma_semaphore, #tpu.memory_space<semaphore_mem>>, %arg22: memref<!tpu.dma_semaphore, #tpu.memory_space<semaphore_mem>>, %arg23: memref<!tpu.dma_semaphore, #tpu.memory_space<semaphore_mem>>, %arg24: memref<!tpu.dma_semaphore, #tpu.memory_space<semaphore_mem>>) attributes {dimension_semantics = [#tpu.dimension_semantics<core_parallel>, #tpu.dimension_semantics<subcore_parallel>], iteration_bounds = array<i64: 2, 16>, scalar_prefetch = 0 : i64, scratch_operands = 18 : i64, tpu.core_type = #tpu.core_type<sc_vector_subcore>, window_params = [{transform_indices = #map}, {transform_indices = #map}, {transform_indices = #map}, {transform_indices = #map1}, {transform_indices = #map}]} {
    %mul3A = arith.constant 2 : i32
    %mul3A_0 = arith.muli %arg1, %mul3A : i32
    %add3A = arith.addi %mul3A_0, %arg0 : i32
    %mul3A_1 = arith.constant 32 : i32
    %mul3A_2 = arith.muli %arg1, %mul3A_1 : i32
    "tpu.region"() ({
      %run_scoped3A_824 = tpu.sem_alloc : memref<!tpu.dma_semaphore, #tpu.memory_space<semaphore_mem>>
      %dma_start3A_825 = arith.constant 0 : i32
      %dma_start3A_826 = tpu.memref_slice %arg14[%mul3A_2, %dma_start3A_825] : memref<512x128xf32, #tpu.memory_space<vmem_shared>> -> memref<32x128xf32, #tpu.memory_space<vmem_shared>>
      %dma_start3A_827 = arith.constant 0 : i32
      %dma_start3A_828 = tpu.memref_slice %arg2[%mul3A_2, %dma_start3A_827] : memref<512x128xf32, #tpu.memory_space<hbm>> -> memref<32x128xf32, #tpu.memory_space<hbm>>
      tpu.enqueue_dma source(%dma_start3A_828 : memref<32x128xf32, #tpu.memory_space<hbm>>) target(%dma_start3A_826 : memref<32x128xf32, #tpu.memory_space<vmem_shared>>) target_semaphore(%run_scoped3A_824 : memref<!tpu.dma_semaphore, #tpu.memory_space<semaphore_mem>>)
      %dma_wait3A_829 = arith.constant 0 : i32
      %dma_wait3A_830 = tpu.memref_slice %arg14[%mul3A_2, %dma_wait3A_829] : memref<512x128xf32, #tpu.memory_space<vmem_shared>> -> memref<32x128xf32, #tpu.memory_space<vmem_shared>>
      %dma_wait3A_831 = arith.constant 0 : i32
      %dma_wait3A_832 = tpu.memref_slice %arg2[%mul3A_2, %dma_wait3A_831] : memref<512x128xf32, #tpu.memory_space<hbm>> -> memref<32x128xf32, #tpu.memory_space<hbm>>
      tpu.wait_dma2 semaphore(%run_scoped3A_824 : memref<!tpu.dma_semaphore, #tpu.memory_space<semaphore_mem>>) src(%dma_wait3A_832 : memref<32x128xf32, #tpu.memory_space<hbm>>) dst(%dma_wait3A_830 : memref<32x128xf32, #tpu.memory_space<vmem_shared>>)
      tpu.yield
    }) : () -> ()
    "tpu.region"() ({
      %run_scoped3A_824 = tpu.sem_alloc : memref<!tpu.dma_semaphore, #tpu.memory_space<semaphore_mem>>
      %dma_start3A_825 = arith.constant 0 : i32
      %dma_start3A_826 = tpu.memref_slice %arg15[%mul3A_2, %dma_start3A_825] : memref<512x128xf32, #tpu.memory_space<vmem_shared>> -> memref<32x128xf32, #tpu.memory_space<vmem_shared>>
      %dma_start3A_827 = arith.constant 0 : i32
      %dma_start3A_828 = tpu.memref_slice %arg3[%mul3A_2, %dma_start3A_827] : memref<512x128xf32, #tpu.memory_space<hbm>> -> memref<32x128xf32, #tpu.memory_space<hbm>>
      tpu.enqueue_dma source(%dma_start3A_828 : memref<32x128xf32, #tpu.memory_space<hbm>>) target(%dma_start3A_826 : memref<32x128xf32, #tpu.memory_space<vmem_shared>>) target_semaphore(%run_scoped3A_824 : memref<!tpu.dma_semaphore, #tpu.memory_space<semaphore_mem>>)
      %dma_wait3A_829 = arith.constant 0 : i32
      %dma_wait3A_830 = tpu.memref_slice %arg15[%mul3A_2, %dma_wait3A_829] : memref<512x128xf32, #tpu.memory_space<vmem_shared>> -> memref<32x128xf32, #tpu.memory_space<vmem_shared>>
      %dma_wait3A_831 = arith.constant 0 : i32
      %dma_wait3A_832 = tpu.memref_slice %arg3[%mul3A_2, %dma_wait3A_831] : memref<512x128xf32, #tpu.memory_space<hbm>> -> memref<32x128xf32, #tpu.memory_space<hbm>>
      tpu.wait_dma2 semaphore(%run_scoped3A_824 : memref<!tpu.dma_semaphore, #tpu.memory_space<semaphore_mem>>) src(%dma_wait3A_832 : memref<32x128xf32, #tpu.memory_space<hbm>>) dst(%dma_wait3A_830 : memref<32x128xf32, #tpu.memory_space<vmem_shared>>)
      tpu.yield
    }) : () -> ()
    "tpu.region"() ({
      %run_scoped3A_824 = tpu.sem_alloc : memref<!tpu.dma_semaphore, #tpu.memory_space<semaphore_mem>>
      %dma_start3A_825 = arith.constant 0 : i32
      %dma_start3A_826 = tpu.memref_slice %arg16[%mul3A_2, %dma_start3A_825] : memref<512x128xf32, #tpu.memory_space<vmem_shared>> -> memref<32x128xf32, #tpu.memory_space<vmem_shared>>
      %dma_start3A_827 = arith.constant 0 : i32
      %dma_start3A_828 = tpu.memref_slice %arg4[%mul3A_2, %dma_start3A_827] : memref<512x128xf32, #tpu.memory_space<hbm>> -> memref<32x128xf32, #tpu.memory_space<hbm>>
      tpu.enqueue_dma source(%dma_start3A_828 : memref<32x128xf32, #tpu.memory_space<hbm>>) target(%dma_start3A_826 : memref<32x128xf32, #tpu.memory_space<vmem_shared>>) target_semaphore(%run_scoped3A_824 : memref<!tpu.dma_semaphore, #tpu.memory_space<semaphore_mem>>)
      %dma_wait3A_829 = arith.constant 0 : i32
      %dma_wait3A_830 = tpu.memref_slice %arg16[%mul3A_2, %dma_wait3A_829] : memref<512x128xf32, #tpu.memory_space<vmem_shared>> -> memref<32x128xf32, #tpu.memory_space<vmem_shared>>
      %dma_wait3A_831 = arith.constant 0 : i32
      %dma_wait3A_832 = tpu.memref_slice %arg4[%mul3A_2, %dma_wait3A_831] : memref<512x128xf32, #tpu.memory_space<hbm>> -> memref<32x128xf32, #tpu.memory_space<hbm>>
      tpu.wait_dma2 semaphore(%run_scoped3A_824 : memref<!tpu.dma_semaphore, #tpu.memory_space<semaphore_mem>>) src(%dma_wait3A_832 : memref<32x128xf32, #tpu.memory_space<hbm>>) dst(%dma_wait3A_830 : memref<32x128xf32, #tpu.memory_space<vmem_shared>>)
      tpu.yield
    }) : () -> ()
    %run_scoped3A = arith.constant 0 : i32
    "tpu.region"() ({
      %run_scoped3A_824 = tpu.sem_alloc : memref<!tpu.dma_semaphore, #tpu.memory_space<semaphore_mem>>
      %dma_start3A_825 = arith.constant 0 : i32
      %dma_start3A_826 = arith.constant 0 : i32
      %dma_start3A_827 = tpu.memref_slice %arg5[%run_scoped3A, %add3A, %dma_start3A_825, %dma_start3A_826] : memref<3x32x64x128xi32, #tpu.memory_space<hbm>> -> memref<1x1x64x128xi32, #tpu.memory_space<hbm>>
      %dma_start3A_828 = tpu.memref_squeeze %dma_start3A_827 : memref<1x1x64x128xi32, #tpu.memory_space<hbm>> -> memref<64x128xi32, #tpu.memory_space<hbm>>
      %dma_start3A_829 = arith.constant 0 : i32
      %dma_start3A_830 = arith.constant 0 : i32
      %dma_start3A_831 = tpu.memref_slice %arg5[%run_scoped3A, %add3A, %dma_start3A_829, %dma_start3A_830] : memref<3x32x64x128xi32, #tpu.memory_space<hbm>> -> memref<1x1x64x128xi32, #tpu.memory_space<hbm>>
      %dma_start3A_832 = tpu.memref_squeeze %dma_start3A_831 : memref<1x1x64x128xi32, #tpu.memory_space<hbm>> -> memref<64x128xi32, #tpu.memory_space<hbm>>
      tpu.enqueue_dma source(%dma_start3A_832 : memref<64x128xi32, #tpu.memory_space<hbm>>) target(%arg7 : memref<64x128xi32, #tpu.memory_space<vmem>>) target_semaphore(%run_scoped3A_824 : memref<!tpu.dma_semaphore, #tpu.memory_space<semaphore_mem>>)
      %dma_wait3A_833 = arith.constant 0 : i32
      %dma_wait3A_834 = arith.constant 0 : i32
      %dma_wait3A_835 = tpu.memref_slice %arg5[%run_scoped3A, %add3A, %dma_wait3A_833, %dma_wait3A_834] : memref<3x32x64x128xi32, #tpu.memory_space<hbm>> -> memref<1x1x64x128xi32, #tpu.memory_space<hbm>>
      %dma_wait3A_836 = tpu.memref_squeeze %dma_wait3A_835 : memref<1x1x64x128xi32, #tpu.memory_space<hbm>> -> memref<64x128xi32, #tpu.memory_space<hbm>>
      %dma_wait3A_837 = arith.constant 0 : i32
      %dma_wait3A_838 = arith.constant 0 : i32
      %dma_wait3A_839 = tpu.memref_slice %arg5[%run_scoped3A, %add3A, %dma_wait3A_837, %dma_wait3A_838] : memref<3x32x64x128xi32, #tpu.memory_space<hbm>> -> memref<1x1x64x128xi32, #tpu.memory_space<hbm>>
      %dma_wait3A_840 = tpu.memref_squeeze %dma_wait3A_839 : memref<1x1x64x128xi32, #tpu.memory_space<hbm>> -> memref<64x128xi32, #tpu.memory_space<hbm>>
      tpu.wait_dma2 semaphore(%run_scoped3A_824 : memref<!tpu.dma_semaphore, #tpu.memory_space<semaphore_mem>>) src(%dma_wait3A_840 : memref<64x128xi32, #tpu.memory_space<hbm>>) dst(%arg7 : memref<64x128xi32, #tpu.memory_space<vmem>>)
      tpu.yield
    }) : () -> ()
    %run_scoped3A_3 = arith.constant 1 : i32
    "tpu.region"() ({
      %run_scoped3A_824 = tpu.sem_alloc : memref<!tpu.dma_semaphore, #tpu.memory_space<semaphore_mem>>
      %dma_start3A_825 = arith.constant 0 : i32
      %dma_start3A_826 = arith.constant 0 : i32
      %dma_start3A_827 = tpu.memref_slice %arg5[%run_scoped3A_3, %add3A, %dma_start3A_825, %dma_start3A_826] : memref<3x32x64x128xi32, #tpu.memory_space<hbm>> -> memref<1x1x64x128xi32, #tpu.memory_space<hbm>>
      %dma_start3A_828 = tpu.memref_squeeze %dma_start3A_827 : memref<1x1x64x128xi32, #tpu.memory_space<hbm>> -> memref<64x128xi32, #tpu.memory_space<hbm>>
      %dma_start3A_829 = arith.constant 0 : i32
      %dma_start3A_830 = arith.constant 0 : i32
      %dma_start3A_831 = tpu.memref_slice %arg5[%run_scoped3A_3, %add3A, %dma_start3A_829, %dma_start3A_830] : memref<3x32x64x128xi32, #tpu.memory_space<hbm>> -> memref<1x1x64x128xi32, #tpu.memory_space<hbm>>
      %dma_start3A_832 = tpu.memref_squeeze %dma_start3A_831 : memref<1x1x64x128xi32, #tpu.memory_space<hbm>> -> memref<64x128xi32, #tpu.memory_space<hbm>>
      tpu.enqueue_dma source(%dma_start3A_832 : memref<64x128xi32, #tpu.memory_space<hbm>>) target(%arg8 : memref<64x128xi32, #tpu.memory_space<vmem>>) target_semaphore(%run_scoped3A_824 : memref<!tpu.dma_semaphore, #tpu.memory_space<semaphore_mem>>)
      %dma_wait3A_833 = arith.constant 0 : i32
      %dma_wait3A_834 = arith.constant 0 : i32
      %dma_wait3A_835 = tpu.memref_slice %arg5[%run_scoped3A_3, %add3A, %dma_wait3A_833, %dma_wait3A_834] : memref<3x32x64x128xi32, #tpu.memory_space<hbm>> -> memref<1x1x64x128xi32, #tpu.memory_space<hbm>>
      %dma_wait3A_836 = tpu.memref_squeeze %dma_wait3A_835 : memref<1x1x64x128xi32, #tpu.memory_space<hbm>> -> memref<64x128xi32, #tpu.memory_space<hbm>>
      %dma_wait3A_837 = arith.constant 0 : i32
      %dma_wait3A_838 = arith.constant 0 : i32
      %dma_wait3A_839 = tpu.memref_slice %arg5[%run_scoped3A_3, %add3A, %dma_wait3A_837, %dma_wait3A_838] : memref<3x32x64x128xi32, #tpu.memory_space<hbm>> -> memref<1x1x64x128xi32, #tpu.memory_space<hbm>>
      %dma_wait3A_840 = tpu.memref_squeeze %dma_wait3A_839 : memref<1x1x64x128xi32, #tpu.memory_space<hbm>> -> memref<64x128xi32, #tpu.memory_space<hbm>>
      tpu.wait_dma2 semaphore(%run_scoped3A_824 : memref<!tpu.dma_semaphore, #tpu.memory_space<semaphore_mem>>) src(%dma_wait3A_840 : memref<64x128xi32, #tpu.memory_space<hbm>>) dst(%arg8 : memref<64x128xi32, #tpu.memory_space<vmem>>)
      tpu.yield
    }) : () -> ()
    %run_scoped3A_4 = arith.constant 2 : i32
    "tpu.region"() ({
      %run_scoped3A_824 = tpu.sem_alloc : memref<!tpu.dma_semaphore, #tpu.memory_space<semaphore_mem>>
      %dma_start3A_825 = arith.constant 0 : i32
      %dma_start3A_826 = arith.constant 0 : i32
      %dma_start3A_827 = tpu.memref_slice %arg5[%run_scoped3A_4, %add3A, %dma_start3A_825, %dma_start3A_826] : memref<3x32x64x128xi32, #tpu.memory_space<hbm>> -> memref<1x1x64x128xi32, #tpu.memory_space<hbm>>
      %dma_start3A_828 = tpu.memref_squeeze %dma_start3A_827 : memref<1x1x64x128xi32, #tpu.memory_space<hbm>> -> memref<64x128xi32, #tpu.memory_space<hbm>>
      %dma_start3A_829 = arith.constant 0 : i32
      %dma_start3A_830 = arith.constant 0 : i32
      %dma_start3A_831 = tpu.memref_slice %arg5[%run_scoped3A_4, %add3A, %dma_start3A_829, %dma_start3A_830] : memref<3x32x64x128xi32, #tpu.memory_space<hbm>> -> memref<1x1x64x128xi32, #tpu.memory_space<hbm>>
      %dma_start3A_832 = tpu.memref_squeeze %dma_start3A_831 : memref<1x1x64x128xi32, #tpu.memory_space<hbm>> -> memref<64x128xi32, #tpu.memory_space<hbm>>
      tpu.enqueue_dma source(%dma_start3A_832 : memref<64x128xi32, #tpu.memory_space<hbm>>) target(%arg9 : memref<64x128xi32, #tpu.memory_space<vmem>>) target_semaphore(%run_scoped3A_824 : memref<!tpu.dma_semaphore, #tpu.memory_space<semaphore_mem>>)
      %dma_wait3A_833 = arith.constant 0 : i32
      %dma_wait3A_834 = arith.constant 0 : i32
      %dma_wait3A_835 = tpu.memref_slice %arg5[%run_scoped3A_4, %add3A, %dma_wait3A_833, %dma_wait3A_834] : memref<3x32x64x128xi32, #tpu.memory_space<hbm>> -> memref<1x1x64x128xi32, #tpu.memory_space<hbm>>
      %dma_wait3A_836 = tpu.memref_squeeze %dma_wait3A_835 : memref<1x1x64x128xi32, #tpu.memory_space<hbm>> -> memref<64x128xi32, #tpu.memory_space<hbm>>
      %dma_wait3A_837 = arith.constant 0 : i32
      %dma_wait3A_838 = arith.constant 0 : i32
      %dma_wait3A_839 = tpu.memref_slice %arg5[%run_scoped3A_4, %add3A, %dma_wait3A_837, %dma_wait3A_838] : memref<3x32x64x128xi32, #tpu.memory_space<hbm>> -> memref<1x1x64x128xi32, #tpu.memory_space<hbm>>
      %dma_wait3A_840 = tpu.memref_squeeze %dma_wait3A_839 : memref<1x1x64x128xi32, #tpu.memory_space<hbm>> -> memref<64x128xi32, #tpu.memory_space<hbm>>
      tpu.wait_dma2 semaphore(%run_scoped3A_824 : memref<!tpu.dma_semaphore, #tpu.memory_space<semaphore_mem>>) src(%dma_wait3A_840 : memref<64x128xi32, #tpu.memory_space<hbm>>) dst(%arg9 : memref<64x128xi32, #tpu.memory_space<vmem>>)
      tpu.yield
    }) : () -> ()
    %barrier3A = arith.constant 0 : index
    tpu.barrier barrier_id(%barrier3A)
    %dma_start3A = arith.constant 0 : i32
    %dma_start3A_5 = arith.constant 0 : i32
    %dma_start3A_6 = tpu.memref_slice %arg7[%dma_start3A, %dma_start3A_5] : memref<64x128xi32, #tpu.memory_space<vmem>> -> memref<1x128xi32, #tpu.memory_space<vmem>>
    %dma_start3A_7 = tpu.memref_squeeze %dma_start3A_6 : memref<1x128xi32, #tpu.memory_space<vmem>> -> memref<128xi32, #tpu.memory_space<vmem>>
    %dma_start3A_8 = arith.constant 0 : i32
    %dma_start3A_9 = arith.constant 0 : i32
    %dma_start3A_10 = tpu.memref_slice %arg14[%dma_start3A_8, %dma_start3A_9] : memref<512x128xf32, #tpu.memory_space<vmem_shared>> -> memref<512x128xf32, #tpu.memory_space<vmem_shared>>
    tpu.enqueue_indirect_dma source(%dma_start3A_10 : memref<512x128xf32, #tpu.memory_space<vmem_shared>>) target(%arg10 : memref<128x128xf32, #tpu.memory_space<vmem>>) offsets(%dma_start3A_7 : memref<128xi32, #tpu.memory_space<vmem>>) semaphore(%arg17 : memref<!tpu.dma_semaphore, #tpu.memory_space<semaphore_mem>>)
    %dma_start3A_11 = arith.constant 0 : i32
    %dma_start3A_12 = arith.constant 0 : i32
    %dma_start3A_13 = tpu.memref_slice %arg8[%dma_start3A_11, %dma_start3A_12] : memref<64x128xi32, #tpu.memory_space<vmem>> -> memref<1x128xi32, #tpu.memory_space<vmem>>
    %dma_start3A_14 = tpu.memref_squeeze %dma_start3A_13 : memref<1x128xi32, #tpu.memory_space<vmem>> -> memref<128xi32, #tpu.memory_space<vmem>>
    %dma_start3A_15 = arith.constant 0 : i32
    %dma_start3A_16 = arith.constant 0 : i32
    %dma_start3A_17 = tpu.memref_slice %arg15[%dma_start3A_15, %dma_start3A_16] : memref<512x128xf32, #tpu.memory_space<vmem_shared>> -> memref<512x128xf32, #tpu.memory_space<vmem_shared>>
    tpu.enqueue_indirect_dma source(%dma_start3A_17 : memref<512x128xf32, #tpu.memory_space<vmem_shared>>) target(%arg11 : memref<128x128xf32, #tpu.memory_space<vmem>>) offsets(%dma_start3A_14 : memref<128xi32, #tpu.memory_space<vmem>>) semaphore(%arg18 : memref<!tpu.dma_semaphore, #tpu.memory_space<semaphore_mem>>)
    %dma_start3A_18 = arith.constant 0 : i32
    %dma_start3A_19 = arith.constant 0 : i32
    %dma_start3A_20 = tpu.memref_slice %arg9[%dma_start3A_18, %dma_start3A_19] : memref<64x128xi32, #tpu.memory_space<vmem>> -> memref<1x128xi32, #tpu.memory_space<vmem>>
    %dma_start3A_21 = tpu.memref_squeeze %dma_start3A_20 : memref<1x128xi32, #tpu.memory_space<vmem>> -> memref<128xi32, #tpu.memory_space<vmem>>
    %dma_start3A_22 = arith.constant 0 : i32
    %dma_start3A_23 = arith.constant 0 : i32
    %dma_start3A_24 = tpu.memref_slice %arg16[%dma_start3A_22, %dma_start3A_23] : memref<512x128xf32, #tpu.memory_space<vmem_shared>> -> memref<512x128xf32, #tpu.memory_space<vmem_shared>>
    tpu.enqueue_indirect_dma source(%dma_start3A_24 : memref<512x128xf32, #tpu.memory_space<vmem_shared>>) target(%arg12 : memref<128x128xf32, #tpu.memory_space<vmem>>) offsets(%dma_start3A_21 : memref<128xi32, #tpu.memory_space<vmem>>) semaphore(%arg19 : memref<!tpu.dma_semaphore, #tpu.memory_space<semaphore_mem>>)
    %dma_wait3A = arith.constant 0 : i32
    %dma_wait3A_25 = arith.constant 0 : i32
    %dma_wait3A_26 = tpu.memref_slice %arg7[%dma_wait3A, %dma_wait3A_25] : memref<64x128xi32, #tpu.memory_space<vmem>> -> memref<1x128xi32, #tpu.memory_space<vmem>>
    %dma_wait3A_27 = tpu.memref_squeeze %dma_wait3A_26 : memref<1x128xi32, #tpu.memory_space<vmem>> -> memref<128xi32, #tpu.memory_space<vmem>>
    %dma_wait3A_28 = arith.constant 0 : i32
    %dma_wait3A_29 = arith.constant 0 : i32
    %dma_wait3A_30 = tpu.memref_slice %arg14[%dma_wait3A_28, %dma_wait3A_29] : memref<512x128xf32, #tpu.memory_space<vmem_shared>> -> memref<512x128xf32, #tpu.memory_space<vmem_shared>>
    tpu.wait_indirect_dma semaphore(%arg17 : memref<!tpu.dma_semaphore, #tpu.memory_space<semaphore_mem>>) src(%dma_wait3A_30 : memref<512x128xf32, #tpu.memory_space<vmem_shared>>) dst(%arg10 : memref<128x128xf32, #tpu.memory_space<vmem>>)
    %mul3A_31 = arith.constant 64 : i32
    %mul3A_32 = arith.muli %add3A, %mul3A_31 : i32
    %add3A_33 = arith.constant 0 : i32
    %add3A_34 = arith.addi %mul3A_32, %add3A_33 : i32
    %mul3A_35 = arith.constant 128 : i32
    %mul3A_36 = arith.muli %add3A_34, %mul3A_35 : i32
    %dma_start3A_37 = arith.constant 0 : i32
    %dma_start3A_38 = tpu.memref_slice %arg6[%mul3A_36, %dma_start3A_37] : memref<262144x384xf32, #tpu.memory_space<hbm>> -> memref<128x128xf32, #tpu.memory_space<hbm>>
    %dma_start3A_39 = arith.constant 0 : i32
    %dma_start3A_40 = tpu.memref_slice %arg6[%mul3A_36, %dma_start3A_39] : memref<262144x384xf32, #tpu.memory_space<hbm>> -> memref<128x128xf32, #tpu.memory_space<hbm>>
    tpu.enqueue_dma source(%arg10 : memref<128x128xf32, #tpu.memory_space<vmem>>) target(%dma_start3A_40 : memref<128x128xf32, #tpu.memory_space<hbm>>) target_semaphore(%arg21 : memref<!tpu.dma_semaphore, #tpu.memory_space<semaphore_mem>>)
    %dma_start3A_41 = arith.constant 1 : i32
    %dma_start3A_42 = arith.constant 0 : i32
    %dma_start3A_43 = tpu.memref_slice %arg7[%dma_start3A_41, %dma_start3A_42] : memref<64x128xi32, #tpu.memory_space<vmem>> -> memref<1x128xi32, #tpu.memory_space<vmem>>
    %dma_start3A_44 = tpu.memref_squeeze %dma_start3A_43 : memref<1x128xi32, #tpu.memory_space<vmem>> -> memref<128xi32, #tpu.memory_space<vmem>>
    %dma_start3A_45 = arith.constant 0 : i32
    %dma_start3A_46 = arith.constant 0 : i32
    %dma_start3A_47 = tpu.memref_slice %arg14[%dma_start3A_45, %dma_start3A_46] : memref<512x128xf32, #tpu.memory_space<vmem_shared>> -> memref<512x128xf32, #tpu.memory_space<vmem_shared>>
    tpu.enqueue_indirect_dma source(%dma_start3A_47 : memref<512x128xf32, #tpu.memory_space<vmem_shared>>) target(%arg13 : memref<128x128xf32, #tpu.memory_space<vmem>>) offsets(%dma_start3A_44 : memref<128xi32, #tpu.memory_space<vmem>>) semaphore(%arg20 : memref<!tpu.dma_semaphore, #tpu.memory_space<semaphore_mem>>)
    %dma_wait3A_48 = arith.constant 0 : i32
    %dma_wait3A_49 = arith.constant 0 : i32
    %dma_wait3A_50 = tpu.memref_slice %arg8[%dma_wait3A_48, %dma_wait3A_49] : memref<64x128xi32, #tpu.memory_space<vmem>> -> memref<1x128xi32, #tpu.memory_space<vmem>>
    %dma_wait3A_51 = tpu.memref_squeeze %dma_wait3A_50 : memref<1x128xi32, #tpu.memory_space<vmem>> -> memref<128xi32, #tpu.memory_space<vmem>>
    %dma_wait3A_52 = arith.constant 0 : i32
    %dma_wait3A_53 = arith.constant 0 : i32
    %dma_wait3A_54 = tpu.memref_slice %arg15[%dma_wait3A_52, %dma_wait3A_53] : memref<512x128xf32, #tpu.memory_space<vmem_shared>> -> memref<512x128xf32, #tpu.memory_space<vmem_shared>>
    tpu.wait_indirect_dma semaphore(%arg18 : memref<!tpu.dma_semaphore, #tpu.memory_space<semaphore_mem>>) src(%dma_wait3A_54 : memref<512x128xf32, #tpu.memory_space<vmem_shared>>) dst(%arg11 : memref<128x128xf32, #tpu.memory_space<vmem>>)
    %mul3A_55 = arith.constant 64 : i32
    %mul3A_56 = arith.muli %add3A, %mul3A_55 : i32
    %add3A_57 = arith.constant 0 : i32
    %add3A_58 = arith.addi %mul3A_56, %add3A_57 : i32
    %mul3A_59 = arith.constant 128 : i32
    %mul3A_60 = arith.muli %add3A_58, %mul3A_59 : i32
    %dma_start3A_61 = arith.constant 128 : i32
    %dma_start3A_62 = tpu.memref_slice %arg6[%mul3A_60, %dma_start3A_61] : memref<262144x384xf32, #tpu.memory_space<hbm>> -> memref<128x128xf32, #tpu.memory_space<hbm>>
    %dma_start3A_63 = arith.constant 128 : i32
    %dma_start3A_64 = tpu.memref_slice %arg6[%mul3A_60, %dma_start3A_63] : memref<262144x384xf32, #tpu.memory_space<hbm>> -> memref<128x128xf32, #tpu.memory_space<hbm>>
    tpu.enqueue_dma source(%arg11 : memref<128x128xf32, #tpu.memory_space<vmem>>) target(%dma_start3A_64 : memref<128x128xf32, #tpu.memory_space<hbm>>) target_semaphore(%arg22 : memref<!tpu.dma_semaphore, #tpu.memory_space<semaphore_mem>>)
    %mul3A_65 = arith.constant 64 : i32
    %mul3A_66 = arith.muli %add3A, %mul3A_65 : i32
    %add3A_67 = arith.constant 0 : i32
    %add3A_68 = arith.addi %mul3A_66, %add3A_67 : i32
    %mul3A_69 = arith.constant 128 : i32
    %mul3A_70 = arith.muli %add3A_68, %mul3A_69 : i32
    %dma_wait3A_71 = arith.constant 0 : i32
    %dma_wait3A_72 = tpu.memref_slice %arg6[%mul3A_70, %dma_wait3A_71] : memref<262144x384xf32, #tpu.memory_space<hbm>> -> memref<128x128xf32, #tpu.memory_space<hbm>>
    %dma_wait3A_73 = arith.constant 0 : i32
    %dma_wait3A_74 = tpu.memref_slice %arg6[%mul3A_70, %dma_wait3A_73] : memref<262144x384xf32, #tpu.memory_space<hbm>> -> memref<128x128xf32, #tpu.memory_space<hbm>>
    tpu.wait_dma2 semaphore(%arg21 : memref<!tpu.dma_semaphore, #tpu.memory_space<semaphore_mem>>) src(%arg10 : memref<128x128xf32, #tpu.memory_space<vmem>>) dst(%dma_wait3A_74 : memref<128x128xf32, #tpu.memory_space<hbm>>)
    %dma_start3A_75 = arith.constant 1 : i32
    %dma_start3A_76 = arith.constant 0 : i32
    %dma_start3A_77 = tpu.memref_slice %arg8[%dma_start3A_75, %dma_start3A_76] : memref<64x128xi32, #tpu.memory_space<vmem>> -> memref<1x128xi32, #tpu.memory_space<vmem>>
    %dma_start3A_78 = tpu.memref_squeeze %dma_start3A_77 : memref<1x128xi32, #tpu.memory_space<vmem>> -> memref<128xi32, #tpu.memory_space<vmem>>
    %dma_start3A_79 = arith.constant 0 : i32
    %dma_start3A_80 = arith.constant 0 : i32
    %dma_start3A_81 = tpu.memref_slice %arg15[%dma_start3A_79, %dma_start3A_80] : memref<512x128xf32, #tpu.memory_space<vmem_shared>> -> memref<512x128xf32, #tpu.memory_space<vmem_shared>>
    tpu.enqueue_indirect_dma source(%dma_start3A_81 : memref<512x128xf32, #tpu.memory_space<vmem_shared>>) target(%arg10 : memref<128x128xf32, #tpu.memory_space<vmem>>) offsets(%dma_start3A_78 : memref<128xi32, #tpu.memory_space<vmem>>) semaphore(%arg17 : memref<!tpu.dma_semaphore, #tpu.memory_space<semaphore_mem>>)
    %dma_wait3A_82 = arith.constant 0 : i32
    %dma_wait3A_83 = arith.constant 0 : i32
    %dma_wait3A_84 = tpu.memref_slice %arg9[%dma_wait3A_82, %dma_wait3A_83] : memref<64x128xi32, #tpu.memory_space<vmem>> -> memref<1x128xi32, #tpu.memory_space<vmem>>
    %dma_wait3A_85 = tpu.memref_squeeze %dma_wait3A_84 : memref<1x128xi32, #tpu.memory_space<vmem>> -> memref<128xi32, #tpu.memory_space<vmem>>
    %dma_wait3A_86 = arith.constant 0 : i32
    %dma_wait3A_87 = arith.constant 0 : i32
    %dma_wait3A_88 = tpu.memref_slice %arg16[%dma_wait3A_86, %dma_wait3A_87] : memref<512x128xf32, #tpu.memory_space<vmem_shared>> -> memref<512x128xf32, #tpu.memory_space<vmem_shared>>
    tpu.wait_indirect_dma semaphore(%arg19 : memref<!tpu.dma_semaphore, #tpu.memory_space<semaphore_mem>>) src(%dma_wait3A_88 : memref<512x128xf32, #tpu.memory_space<vmem_shared>>) dst(%arg12 : memref<128x128xf32, #tpu.memory_space<vmem>>)
    %mul3A_89 = arith.constant 64 : i32
    %mul3A_90 = arith.muli %add3A, %mul3A_89 : i32
    %add3A_91 = arith.constant 0 : i32
    %add3A_92 = arith.addi %mul3A_90, %add3A_91 : i32
    %mul3A_93 = arith.constant 128 : i32
    %mul3A_94 = arith.muli %add3A_92, %mul3A_93 : i32
    %dma_start3A_95 = arith.constant 256 : i32
    %dma_start3A_96 = tpu.memref_slice %arg6[%mul3A_94, %dma_start3A_95] : memref<262144x384xf32, #tpu.memory_space<hbm>> -> memref<128x128xf32, #tpu.memory_space<hbm>>
    %dma_start3A_97 = arith.constant 256 : i32
    %dma_start3A_98 = tpu.memref_slice %arg6[%mul3A_94, %dma_start3A_97] : memref<262144x384xf32, #tpu.memory_space<hbm>> -> memref<128x128xf32, #tpu.memory_space<hbm>>
    tpu.enqueue_dma source(%arg12 : memref<128x128xf32, #tpu.memory_space<vmem>>) target(%dma_start3A_98 : memref<128x128xf32, #tpu.memory_space<hbm>>) target_semaphore(%arg23 : memref<!tpu.dma_semaphore, #tpu.memory_space<semaphore_mem>>)
    %mul3A_99 = arith.constant 64 : i32
    %mul3A_100 = arith.muli %add3A, %mul3A_99 : i32
    %add3A_101 = arith.constant 0 : i32
    %add3A_102 = arith.addi %mul3A_100, %add3A_101 : i32
    %mul3A_103 = arith.constant 128 : i32
    %mul3A_104 = arith.muli %add3A_102, %mul3A_103 : i32
    %dma_wait3A_105 = arith.constant 128 : i32
    %dma_wait3A_106 = tpu.memref_slice %arg6[%mul3A_104, %dma_wait3A_105] : memref<262144x384xf32, #tpu.memory_space<hbm>> -> memref<128x128xf32, #tpu.memory_space<hbm>>
    %dma_wait3A_107 = arith.constant 128 : i32
    %dma_wait3A_108 = tpu.memref_slice %arg6[%mul3A_104, %dma_wait3A_107] : memref<262144x384xf32, #tpu.memory_space<hbm>> -> memref<128x128xf32, #tpu.memory_space<hbm>>
    tpu.wait_dma2 semaphore(%arg22 : memref<!tpu.dma_semaphore, #tpu.memory_space<semaphore_mem>>) src(%arg11 : memref<128x128xf32, #tpu.memory_space<vmem>>) dst(%dma_wait3A_108 : memref<128x128xf32, #tpu.memory_space<hbm>>)
    %dma_start3A_109 = arith.constant 1 : i32
    %dma_start3A_110 = arith.constant 0 : i32
    %dma_start3A_111 = tpu.memref_slice %arg9[%dma_start3A_109, %dma_start3A_110] : memref<64x128xi32, #tpu.memory_space<vmem>> -> memref<1x128xi32, #tpu.memory_space<vmem>>
    %dma_start3A_112 = tpu.memref_squeeze %dma_start3A_111 : memref<1x128xi32, #tpu.memory_space<vmem>> -> memref<128xi32, #tpu.memory_space<vmem>>
    %dma_start3A_113 = arith.constant 0 : i32
    %dma_start3A_114 = arith.constant 0 : i32
    %dma_start3A_115 = tpu.memref_slice %arg16[%dma_start3A_113, %dma_start3A_114] : memref<512x128xf32, #tpu.memory_space<vmem_shared>> -> memref<512x128xf32, #tpu.memory_space<vmem_shared>>
    tpu.enqueue_indirect_dma source(%dma_start3A_115 : memref<512x128xf32, #tpu.memory_space<vmem_shared>>) target(%arg11 : memref<128x128xf32, #tpu.memory_space<vmem>>) offsets(%dma_start3A_112 : memref<128xi32, #tpu.memory_space<vmem>>) semaphore(%arg18 : memref<!tpu.dma_semaphore, #tpu.memory_space<semaphore_mem>>)
    %dma_wait3A_116 = arith.constant 1 : i32
    %dma_wait3A_117 = arith.constant 0 : i32
    %dma_wait3A_118 = tpu.memref_slice %arg7[%dma_wait3A_116, %dma_wait3A_117] : memref<64x128xi32, #tpu.memory_space<vmem>> -> memref<1x128xi32, #tpu.memory_space<vmem>>
    %dma_wait3A_119 = tpu.memref_squeeze %dma_wait3A_118 : memref<1x128xi32, #tpu.memory_space<vmem>> -> memref<128xi32, #tpu.memory_space<vmem>>
    %dma_wait3A_120 = arith.constant 0 : i32
    %dma_wait3A_121 = arith.constant 0 : i32
    %dma_wait3A_122 = tpu.memref_slice %arg14[%dma_wait3A_120, %dma_wait3A_121] : memref<512x128xf32, #tpu.memory_space<vmem_shared>> -> memref<512x128xf32, #tpu.memory_space<vmem_shared>>
    tpu.wait_indirect_dma semaphore(%arg20 : memref<!tpu.dma_semaphore, #tpu.memory_space<semaphore_mem>>) src(%dma_wait3A_122 : memref<512x128xf32, #tpu.memory_space<vmem_shared>>) dst(%arg13 : memref<128x128xf32, #tpu.memory_space<vmem>>)
    %mul3A_123 = arith.constant 64 : i32
    %mul3A_124 = arith.muli %add3A, %mul3A_123 : i32
    %add3A_125 = arith.constant 1 : i32
    %add3A_126 = arith.addi %mul3A_124, %add3A_125 : i32
    %mul3A_127 = arith.constant 128 : i32
    %mul3A_128 = arith.muli %add3A_126, %mul3A_127 : i32
    %dma_start3A_129 = arith.constant 0 : i32
    %dma_start3A_130 = tpu.memref_slice %arg6[%mul3A_128, %dma_start3A_129] : memref<262144x384xf32, #tpu.memory_space<hbm>> -> memref<128x128xf32, #tpu.memory_space<hbm>>
    %dma_start3A_131 = arith.constant 0 : i32
    %dma_start3A_132 = tpu.memref_slice %arg6[%mul3A_128, %dma_start3A_131] : memref<262144x384xf32, #tpu.memory_space<hbm>> -> memref<128x128xf32, #tpu.memory_space<hbm>>
    tpu.enqueue_dma source(%arg13 : memref<128x128xf32, #tpu.memory_space<vmem>>) target(%dma_start3A_132 : memref<128x128xf32, #tpu.memory_space<hbm>>) target_semaphore(%arg24 : memref<!tpu.dma_semaphore, #tpu.memory_space<semaphore_mem>>)
    %mul3A_133 = arith.constant 64 : i32
    %mul3A_134 = arith.muli %add3A, %mul3A_133 : i32
    %add3A_135 = arith.constant 0 : i32
    %add3A_136 = arith.addi %mul3A_134, %add3A_135 : i32
    %mul3A_137 = arith.constant 128 : i32
    %mul3A_138 = arith.muli %add3A_136, %mul3A_137 : i32
    %dma_wait3A_139 = arith.constant 256 : i32
    %dma_wait3A_140 = tpu.memref_slice %arg6[%mul3A_138, %dma_wait3A_139] : memref<262144x384xf32, #tpu.memory_space<hbm>> -> memref<128x128xf32, #tpu.memory_space<hbm>>
    %dma_wait3A_141 = arith.constant 256 : i32
    %dma_wait3A_142 = tpu.memref_slice %arg6[%mul3A_138, %dma_wait3A_141] : memref<262144x384xf32, #tpu.memory_space<hbm>> -> memref<128x128xf32, #tpu.memory_space<hbm>>
    tpu.wait_dma2 semaphore(%arg23 : memref<!tpu.dma_semaphore, #tpu.memory_space<semaphore_mem>>) src(%arg12 : memref<128x128xf32, #tpu.memory_space<vmem>>) dst(%dma_wait3A_142 : memref<128x128xf32, #tpu.memory_space<hbm>>)
    %dma_start3A_143 = arith.constant 2 : i32
    %dma_start3A_144 = arith.constant 0 : i32
    %dma_start3A_145 = tpu.memref_slice %arg7[%dma_start3A_143, %dma_start3A_144] : memref<64x128xi32, #tpu.memory_space<vmem>> -> memref<1x128xi32, #tpu.memory_space<vmem>>
    %dma_start3A_146 = tpu.memref_squeeze %dma_start3A_145 : memref<1x128xi32, #tpu.memory_space<vmem>> -> memref<128xi32, #tpu.memory_space<vmem>>
    %dma_start3A_147 = arith.constant 0 : i32
    %dma_start3A_148 = arith.constant 0 : i32
    %dma_start3A_149 = tpu.memref_slice %arg14[%dma_start3A_147, %dma_start3A_148] : memref<512x128xf32, #tpu.memory_space<vmem_shared>> -> memref<512x128xf32, #tpu.memory_space<vmem_shared>>
    tpu.enqueue_indirect_dma source(%dma_start3A_149 : memref<512x128xf32, #tpu.memory_space<vmem_shared>>) target(%arg12 : memref<128x128xf32, #tpu.memory_space<vmem>>) offsets(%dma_start3A_146 : memref<128xi32, #tpu.memory_space<vmem>>) semaphore(%arg19 : memref<!tpu.dma_semaphore, #tpu.memory_space<semaphore_mem>>)
    %dma_wait3A_150 = arith.constant 1 : i32
    %dma_wait3A_151 = arith.constant 0 : i32
    %dma_wait3A_152 = tpu.memref_slice %arg8[%dma_wait3A_150, %dma_wait3A_151] : memref<64x128xi32, #tpu.memory_space<vmem>> -> memref<1x128xi32, #tpu.memory_space<vmem>>
    %dma_wait3A_153 = tpu.memref_squeeze %dma_wait3A_152 : memref<1x128xi32, #tpu.memory_space<vmem>> -> memref<128xi32, #tpu.memory_space<vmem>>
    %dma_wait3A_154 = arith.constant 0 : i32
    %dma_wait3A_155 = arith.constant 0 : i32
    %dma_wait3A_156 = tpu.memref_slice %arg15[%dma_wait3A_154, %dma_wait3A_155] : memref<512x128xf32, #tpu.memory_space<vmem_shared>> -> memref<512x128xf32, #tpu.memory_space<vmem_shared>>
    tpu.wait_indirect_dma semaphore(%arg17 : memref<!tpu.dma_semaphore, #tpu.memory_space<semaphore_mem>>) src(%dma_wait3A_156 : memref<512x128xf32, #tpu.memory_space<vmem_shared>>) dst(%arg10 : memref<128x128xf32, #tpu.memory_space<vmem>>)
    %mul3A_157 = arith.constant 64 : i32
    %mul3A_158 = arith.muli %add3A, %mul3A_157 : i32
    %add3A_159 = arith.constant 1 : i32
    %add3A_160 = arith.addi %mul3A_158, %add3A_159 : i32
    %mul3A_161 = arith.constant 128 : i32
    %mul3A_162 = arith.muli %add3A_160, %mul3A_161 : i32
    %dma_start3A_163 = arith.constant 128 : i32
    %dma_start3A_164 = tpu.memref_slice %arg6[%mul3A_162, %dma_start3A_163] : memref<262144x384xf32, #tpu.memory_space<hbm>> -> memref<128x128xf32, #tpu.memory_space<hbm>>
    %dma_start3A_165 = arith.constant 128 : i32
    %dma_start3A_166 = tpu.memref_slice %arg6[%mul3A_162, %dma_start3A_165] : memref<262144x384xf32, #tpu.memory_space<hbm>> -> memref<128x128xf32, #tpu.memory_space<hbm>>
    tpu.enqueue_dma source(%arg10 : memref<128x128xf32, #tpu.memory_space<vmem>>) target(%dma_start3A_166 : memref<128x128xf32, #tpu.memory_space<hbm>>) target_semaphore(%arg21 : memref<!tpu.dma_semaphore, #tpu.memory_space<semaphore_mem>>)
    %mul3A_167 = arith.constant 64 : i32
    %mul3A_168 = arith.muli %add3A, %mul3A_167 : i32
    %add3A_169 = arith.constant 1 : i32
    %add3A_170 = arith.addi %mul3A_168, %add3A_169 : i32
    %mul3A_171 = arith.constant 128 : i32
    %mul3A_172 = arith.muli %add3A_170, %mul3A_171 : i32
    %dma_wait3A_173 = arith.constant 0 : i32
    %dma_wait3A_174 = tpu.memref_slice %arg6[%mul3A_172, %dma_wait3A_173] : memref<262144x384xf32, #tpu.memory_space<hbm>> -> memref<128x128xf32, #tpu.memory_space<hbm>>
    %dma_wait3A_175 = arith.constant 0 : i32
    %dma_wait3A_176 = tpu.memref_slice %arg6[%mul3A_172, %dma_wait3A_175] : memref<262144x384xf32, #tpu.memory_space<hbm>> -> memref<128x128xf32, #tpu.memory_space<hbm>>
    tpu.wait_dma2 semaphore(%arg24 : memref<!tpu.dma_semaphore, #tpu.memory_space<semaphore_mem>>) src(%arg13 : memref<128x128xf32, #tpu.memory_space<vmem>>) dst(%dma_wait3A_176 : memref<128x128xf32, #tpu.memory_space<hbm>>)
    %dma_start3A_177 = arith.constant 2 : i32
    %dma_start3A_178 = arith.constant 0 : i32
    %dma_start3A_179 = tpu.memref_slice %arg8[%dma_start3A_177, %dma_start3A_178] : memref<64x128xi32, #tpu.memory_space<vmem>> -> memref<1x128xi32, #tpu.memory_space<vmem>>
    %dma_start3A_180 = tpu.memref_squeeze %dma_start3A_179 : memref<1x128xi32, #tpu.memory_space<vmem>> -> memref<128xi32, #tpu.memory_space<vmem>>
    %dma_start3A_181 = arith.constant 0 : i32
    %dma_start3A_182 = arith.constant 0 : i32
    %dma_start3A_183 = tpu.memref_slice %arg15[%dma_start3A_181, %dma_start3A_182] : memref<512x128xf32, #tpu.memory_space<vmem_shared>> -> memref<512x128xf32, #tpu.memory_space<vmem_shared>>
    tpu.enqueue_indirect_dma source(%dma_start3A_183 : memref<512x128xf32, #tpu.memory_space<vmem_shared>>) target(%arg13 : memref<128x128xf32, #tpu.memory_space<vmem>>) offsets(%dma_start3A_180 : memref<128xi32, #tpu.memory_space<vmem>>) semaphore(%arg20 : memref<!tpu.dma_semaphore, #tpu.memory_space<semaphore_mem>>)
    %dma_wait3A_184 = arith.constant 1 : i32
    %dma_wait3A_185 = arith.constant 0 : i32
    %dma_wait3A_186 = tpu.memref_slice %arg9[%dma_wait3A_184, %dma_wait3A_185] : memref<64x128xi32, #tpu.memory_space<vmem>> -> memref<1x128xi32, #tpu.memory_space<vmem>>
    %dma_wait3A_187 = tpu.memref_squeeze %dma_wait3A_186 : memref<1x128xi32, #tpu.memory_space<vmem>> -> memref<128xi32, #tpu.memory_space<vmem>>
    %dma_wait3A_188 = arith.constant 0 : i32
    %dma_wait3A_189 = arith.constant 0 : i32
    %dma_wait3A_190 = tpu.memref_slice %arg16[%dma_wait3A_188, %dma_wait3A_189] : memref<512x128xf32, #tpu.memory_space<vmem_shared>> -> memref<512x128xf32, #tpu.memory_space<vmem_shared>>
    tpu.wait_indirect_dma semaphore(%arg18 : memref<!tpu.dma_semaphore, #tpu.memory_space<semaphore_mem>>) src(%dma_wait3A_190 : memref<512x128xf32, #tpu.memory_space<vmem_shared>>) dst(%arg11 : memref<128x128xf32, #tpu.memory_space<vmem>>)
    %mul3A_191 = arith.constant 64 : i32
    %mul3A_192 = arith.muli %add3A, %mul3A_191 : i32
    %add3A_193 = arith.constant 1 : i32
    %add3A_194 = arith.addi %mul3A_192, %add3A_193 : i32
    %mul3A_195 = arith.constant 128 : i32
    %mul3A_196 = arith.muli %add3A_194, %mul3A_195 : i32
    %dma_start3A_197 = arith.constant 256 : i32
    %dma_start3A_198 = tpu.memref_slice %arg6[%mul3A_196, %dma_start3A_197] : memref<262144x384xf32, #tpu.memory_space<hbm>> -> memref<128x128xf32, #tpu.memory_space<hbm>>
    %dma_start3A_199 = arith.constant 256 : i32
    %dma_start3A_200 = tpu.memref_slice %arg6[%mul3A_196, %dma_start3A_199] : memref<262144x384xf32, #tpu.memory_space<hbm>> -> memref<128x128xf32, #tpu.memory_space<hbm>>
    tpu.enqueue_dma source(%arg11 : memref<128x128xf32, #tpu.memory_space<vmem>>) target(%dma_start3A_200 : memref<128x128xf32, #tpu.memory_space<hbm>>) target_semaphore(%arg22 : memref<!tpu.dma_semaphore, #tpu.memory_space<semaphore_mem>>)
    %mul3A_201 = arith.constant 64 : i32
    %mul3A_202 = arith.muli %add3A, %mul3A_201 : i32
    %add3A_203 = arith.constant 1 : i32
    %add3A_204 = arith.addi %mul3A_202, %add3A_203 : i32
    %mul3A_205 = arith.constant 128 : i32
    %mul3A_206 = arith.muli %add3A_204, %mul3A_205 : i32
    %dma_wait3A_207 = arith.constant 128 : i32
    %dma_wait3A_208 = tpu.memref_slice %arg6[%mul3A_206, %dma_wait3A_207] : memref<262144x384xf32, #tpu.memory_space<hbm>> -> memref<128x128xf32, #tpu.memory_space<hbm>>
    %dma_wait3A_209 = arith.constant 128 : i32
    %dma_wait3A_210 = tpu.memref_slice %arg6[%mul3A_206, %dma_wait3A_209] : memref<262144x384xf32, #tpu.memory_space<hbm>> -> memref<128x128xf32, #tpu.memory_space<hbm>>
    tpu.wait_dma2 semaphore(%arg21 : memref<!tpu.dma_semaphore, #tpu.memory_space<semaphore_mem>>) src(%arg10 : memref<128x128xf32, #tpu.memory_space<vmem>>) dst(%dma_wait3A_210 : memref<128x128xf32, #tpu.memory_space<hbm>>)
    %dma_start3A_211 = arith.constant 2 : i32
    %dma_start3A_212 = arith.constant 0 : i32
    %dma_start3A_213 = tpu.memref_slice %arg9[%dma_start3A_211, %dma_start3A_212] : memref<64x128xi32, #tpu.memory_space<vmem>> -> memref<1x128xi32, #tpu.memory_space<vmem>>
    %dma_start3A_214 = tpu.memref_squeeze %dma_start3A_213 : memref<1x128xi32, #tpu.memory_space<vmem>> -> memref<128xi32, #tpu.memory_space<vmem>>
    %dma_start3A_215 = arith.constant 0 : i32
    %dma_start3A_216 = arith.constant 0 : i32
    %dma_start3A_217 = tpu.memref_slice %arg16[%dma_start3A_215, %dma_start3A_216] : memref<512x128xf32, #tpu.memory_space<vmem_shared>> -> memref<512x128xf32, #tpu.memory_space<vmem_shared>>
    tpu.enqueue_indirect_dma source(%dma_start3A_217 : memref<512x128xf32, #tpu.memory_space<vmem_shared>>) target(%arg10 : memref<128x128xf32, #tpu.memory_space<vmem>>) offsets(%dma_start3A_214 : memref<128xi32, #tpu.memory_space<vmem>>) semaphore(%arg17 : memref<!tpu.dma_semaphore, #tpu.memory_space<semaphore_mem>>)
    %dma_wait3A_218 = arith.constant 2 : i32
    %dma_wait3A_219 = arith.constant 0 : i32
    %dma_wait3A_220 = tpu.memref_slice %arg7[%dma_wait3A_218, %dma_wait3A_219] : memref<64x128xi32, #tpu.memory_space<vmem>> -> memref<1x128xi32, #tpu.memory_space<vmem>>
    %dma_wait3A_221 = tpu.memref_squeeze %dma_wait3A_220 : memref<1x128xi32, #tpu.memory_space<vmem>> -> memref<128xi32, #tpu.memory_space<vmem>>
    %dma_wait3A_222 = arith.constant 0 : i32
    %dma_wait3A_223 = arith.constant 0 : i32
    %dma_wait3A_224 = tpu.memref_slice %arg14[%dma_wait3A_222, %dma_wait3A_223] : memref<512x128xf32, #tpu.memory_space<vmem_shared>> -> memref<512x128xf32, #tpu.memory_space<vmem_shared>>
    tpu.wait_indirect_dma semaphore(%arg19 : memref<!tpu.dma_semaphore, #tpu.memory_space<semaphore_mem>>) src(%dma_wait3A_224 : memref<512x128xf32, #tpu.memory_space<vmem_shared>>) dst(%arg12 : memref<128x128xf32, #tpu.memory_space<vmem>>)
    %mul3A_225 = arith.constant 64 : i32
    %mul3A_226 = arith.muli %add3A, %mul3A_225 : i32
    %add3A_227 = arith.constant 2 : i32
    %add3A_228 = arith.addi %mul3A_226, %add3A_227 : i32
    %mul3A_229 = arith.constant 128 : i32
    %mul3A_230 = arith.muli %add3A_228, %mul3A_229 : i32
    %dma_start3A_231 = arith.constant 0 : i32
    %dma_start3A_232 = tpu.memref_slice %arg6[%mul3A_230, %dma_start3A_231] : memref<262144x384xf32, #tpu.memory_space<hbm>> -> memref<128x128xf32, #tpu.memory_space<hbm>>
    %dma_start3A_233 = arith.constant 0 : i32
    %dma_start3A_234 = tpu.memref_slice %arg6[%mul3A_230, %dma_start3A_233] : memref<262144x384xf32, #tpu.memory_space<hbm>> -> memref<128x128xf32, #tpu.memory_space<hbm>>
    tpu.enqueue_dma source(%arg12 : memref<128x128xf32, #tpu.memory_space<vmem>>) target(%dma_start3A_234 : memref<128x128xf32, #tpu.memory_space<hbm>>) target_semaphore(%arg23 : memref<!tpu.dma_semaphore, #tpu.memory_space<semaphore_mem>>)
    %mul3A_235 = arith.constant 64 : i32
    %mul3A_236 = arith.muli %add3A, %mul3A_235 : i32
    %add3A_237 = arith.constant 1 : i32
    %add3A_238 = arith.addi %mul3A_236, %add3A_237 : i32
    %mul3A_239 = arith.constant 128 : i32
    %mul3A_240 = arith.muli %add3A_238, %mul3A_239 : i32
    %dma_wait3A_241 = arith.constant 256 : i32
    %dma_wait3A_242 = tpu.memref_slice %arg6[%mul3A_240, %dma_wait3A_241] : memref<262144x384xf32, #tpu.memory_space<hbm>> -> memref<128x128xf32, #tpu.memory_space<hbm>>
    %dma_wait3A_243 = arith.constant 256 : i32
    %dma_wait3A_244 = tpu.memref_slice %arg6[%mul3A_240, %dma_wait3A_243] : memref<262144x384xf32, #tpu.memory_space<hbm>> -> memref<128x128xf32, #tpu.memory_space<hbm>>
    tpu.wait_dma2 semaphore(%arg22 : memref<!tpu.dma_semaphore, #tpu.memory_space<semaphore_mem>>) src(%arg11 : memref<128x128xf32, #tpu.memory_space<vmem>>) dst(%dma_wait3A_244 : memref<128x128xf32, #tpu.memory_space<hbm>>)
    %dma_start3A_245 = arith.constant 3 : i32
    %dma_start3A_246 = arith.constant 0 : i32
    %dma_start3A_247 = tpu.memref_slice %arg7[%dma_start3A_245, %dma_start3A_246] : memref<64x128xi32, #tpu.memory_space<vmem>> -> memref<1x128xi32, #tpu.memory_space<vmem>>
    %dma_start3A_248 = tpu.memref_squeeze %dma_start3A_247 : memref<1x128xi32, #tpu.memory_space<vmem>> -> memref<128xi32, #tpu.memory_space<vmem>>
    %dma_start3A_249 = arith.constant 0 : i32
    %dma_start3A_250 = arith.constant 0 : i32
    %dma_start3A_251 = tpu.memref_slice %arg14[%dma_start3A_249, %dma_start3A_250] : memref<512x128xf32, #tpu.memory_space<vmem_shared>> -> memref<512x128xf32, #tpu.memory_space<vmem_shared>>
    tpu.enqueue_indirect_dma source(%dma_start3A_251 : memref<512x128xf32, #tpu.memory_space<vmem_shared>>) target(%arg11 : memref<128x128xf32, #tpu.memory_space<vmem>>) offsets(%dma_start3A_248 : memref<128xi32, #tpu.memory_space<vmem>>) semaphore(%arg18 : memref<!tpu.dma_semaphore, #tpu.memory_space<semaphore_mem>>)
    %dma_wait3A_252 = arith.constant 2 : i32
    %dma_wait3A_253 = arith.constant 0 : i32
    %dma_wait3A_254 = tpu.memref_slice %arg8[%dma_wait3A_252, %dma_wait3A_253] : memref<64x128xi32, #tpu.memory_space<vmem>> -> memref<1x128xi32, #tpu.memory_space<vmem>>
    %dma_wait3A_255 = tpu.memref_squeeze %dma_wait3A_254 : memref<1x128xi32, #tpu.memory_space<vmem>> -> memref<128xi32, #tpu.memory_space<vmem>>
    %dma_wait3A_256 = arith.constant 0 : i32
    %dma_wait3A_257 = arith.constant 0 : i32
    %dma_wait3A_258 = tpu.memref_slice %arg15[%dma_wait3A_256, %dma_wait3A_257] : memref<512x128xf32, #tpu.memory_space<vmem_shared>> -> memref<512x128xf32, #tpu.memory_space<vmem_shared>>
    tpu.wait_indirect_dma semaphore(%arg20 : memref<!tpu.dma_semaphore, #tpu.memory_space<semaphore_mem>>) src(%dma_wait3A_258 : memref<512x128xf32, #tpu.memory_space<vmem_shared>>) dst(%arg13 : memref<128x128xf32, #tpu.memory_space<vmem>>)
    %mul3A_259 = arith.constant 64 : i32
    %mul3A_260 = arith.muli %add3A, %mul3A_259 : i32
    %add3A_261 = arith.constant 2 : i32
    %add3A_262 = arith.addi %mul3A_260, %add3A_261 : i32
    %mul3A_263 = arith.constant 128 : i32
    %mul3A_264 = arith.muli %add3A_262, %mul3A_263 : i32
    %dma_start3A_265 = arith.constant 128 : i32
    %dma_start3A_266 = tpu.memref_slice %arg6[%mul3A_264, %dma_start3A_265] : memref<262144x384xf32, #tpu.memory_space<hbm>> -> memref<128x128xf32, #tpu.memory_space<hbm>>
    %dma_start3A_267 = arith.constant 128 : i32
    %dma_start3A_268 = tpu.memref_slice %arg6[%mul3A_264, %dma_start3A_267] : memref<262144x384xf32, #tpu.memory_space<hbm>> -> memref<128x128xf32, #tpu.memory_space<hbm>>
    tpu.enqueue_dma source(%arg13 : memref<128x128xf32, #tpu.memory_space<vmem>>) target(%dma_start3A_268 : memref<128x128xf32, #tpu.memory_space<hbm>>) target_semaphore(%arg24 : memref<!tpu.dma_semaphore, #tpu.memory_space<semaphore_mem>>)
    %mul3A_269 = arith.constant 64 : i32
    %mul3A_270 = arith.muli %add3A, %mul3A_269 : i32
    %add3A_271 = arith.constant 2 : i32
    %add3A_272 = arith.addi %mul3A_270, %add3A_271 : i32
    %mul3A_273 = arith.constant 128 : i32
    %mul3A_274 = arith.muli %add3A_272, %mul3A_273 : i32
    %dma_wait3A_275 = arith.constant 0 : i32
    %dma_wait3A_276 = tpu.memref_slice %arg6[%mul3A_274, %dma_wait3A_275] : memref<262144x384xf32, #tpu.memory_space<hbm>> -> memref<128x128xf32, #tpu.memory_space<hbm>>
    %dma_wait3A_277 = arith.constant 0 : i32
    %dma_wait3A_278 = tpu.memref_slice %arg6[%mul3A_274, %dma_wait3A_277] : memref<262144x384xf32, #tpu.memory_space<hbm>> -> memref<128x128xf32, #tpu.memory_space<hbm>>
    tpu.wait_dma2 semaphore(%arg23 : memref<!tpu.dma_semaphore, #tpu.memory_space<semaphore_mem>>) src(%arg12 : memref<128x128xf32, #tpu.memory_space<vmem>>) dst(%dma_wait3A_278 : memref<128x128xf32, #tpu.memory_space<hbm>>)
    %dma_start3A_279 = arith.constant 3 : i32
    %dma_start3A_280 = arith.constant 0 : i32
    %dma_start3A_281 = tpu.memref_slice %arg8[%dma_start3A_279, %dma_start3A_280] : memref<64x128xi32, #tpu.memory_space<vmem>> -> memref<1x128xi32, #tpu.memory_space<vmem>>
    %dma_start3A_282 = tpu.memref_squeeze %dma_start3A_281 : memref<1x128xi32, #tpu.memory_space<vmem>> -> memref<128xi32, #tpu.memory_space<vmem>>
    %dma_start3A_283 = arith.constant 0 : i32
    %dma_start3A_284 = arith.constant 0 : i32
    %dma_start3A_285 = tpu.memref_slice %arg15[%dma_start3A_283, %dma_start3A_284] : memref<512x128xf32, #tpu.memory_space<vmem_shared>> -> memref<512x128xf32, #tpu.memory_space<vmem_shared>>
    tpu.enqueue_indirect_dma source(%dma_start3A_285 : memref<512x128xf32, #tpu.memory_space<vmem_shared>>) target(%arg12 : memref<128x128xf32, #tpu.memory_space<vmem>>) offsets(%dma_start3A_282 : memref<128xi32, #tpu.memory_space<vmem>>) semaphore(%arg19 : memref<!tpu.dma_semaphore, #tpu.memory_space<semaphore_mem>>)
    %dma_wait3A_286 = arith.constant 2 : i32
    %dma_wait3A_287 = arith.constant 0 : i32
    %dma_wait3A_288 = tpu.memref_slice %arg9[%dma_wait3A_286, %dma_wait3A_287] : memref<64x128xi32, #tpu.memory_space<vmem>> -> memref<1x128xi32, #tpu.memory_space<vmem>>
    %dma_wait3A_289 = tpu.memref_squeeze %dma_wait3A_288 : memref<1x128xi32, #tpu.memory_space<vmem>> -> memref<128xi32, #tpu.memory_space<vmem>>
    %dma_wait3A_290 = arith.constant 0 : i32
    %dma_wait3A_291 = arith.constant 0 : i32
    %dma_wait3A_292 = tpu.memref_slice %arg16[%dma_wait3A_290, %dma_wait3A_291] : memref<512x128xf32, #tpu.memory_space<vmem_shared>> -> memref<512x128xf32, #tpu.memory_space<vmem_shared>>
    tpu.wait_indirect_dma semaphore(%arg17 : memref<!tpu.dma_semaphore, #tpu.memory_space<semaphore_mem>>) src(%dma_wait3A_292 : memref<512x128xf32, #tpu.memory_space<vmem_shared>>) dst(%arg10 : memref<128x128xf32, #tpu.memory_space<vmem>>)
    %mul3A_293 = arith.constant 64 : i32
    %mul3A_294 = arith.muli %add3A, %mul3A_293 : i32
    %add3A_295 = arith.constant 2 : i32
    %add3A_296 = arith.addi %mul3A_294, %add3A_295 : i32
    %mul3A_297 = arith.constant 128 : i32
    %mul3A_298 = arith.muli %add3A_296, %mul3A_297 : i32
    %dma_start3A_299 = arith.constant 256 : i32
    %dma_start3A_300 = tpu.memref_slice %arg6[%mul3A_298, %dma_start3A_299] : memref<262144x384xf32, #tpu.memory_space<hbm>> -> memref<128x128xf32, #tpu.memory_space<hbm>>
    %dma_start3A_301 = arith.constant 256 : i32
    %dma_start3A_302 = tpu.memref_slice %arg6[%mul3A_298, %dma_start3A_301] : memref<262144x384xf32, #tpu.memory_space<hbm>> -> memref<128x128xf32, #tpu.memory_space<hbm>>
    tpu.enqueue_dma source(%arg10 : memref<128x128xf32, #tpu.memory_space<vmem>>) target(%dma_start3A_302 : memref<128x128xf32, #tpu.memory_space<hbm>>) target_semaphore(%arg21 : memref<!tpu.dma_semaphore, #tpu.memory_space<semaphore_mem>>)
    %mul3A_303 = arith.constant 64 : i32
    %mul3A_304 = arith.muli %add3A, %mul3A_303 : i32
    %add3A_305 = arith.constant 2 : i32
    %add3A_306 = arith.addi %mul3A_304, %add3A_305 : i32
    %mul3A_307 = arith.constant 128 : i32
    %mul3A_308 = arith.muli %add3A_306, %mul3A_307 : i32
    %dma_wait3A_309 = arith.constant 128 : i32
    %dma_wait3A_310 = tpu.memref_slice %arg6[%mul3A_308, %dma_wait3A_309] : memref<262144x384xf32, #tpu.memory_space<hbm>> -> memref<128x128xf32, #tpu.memory_space<hbm>>
    %dma_wait3A_311 = arith.constant 128 : i32
    %dma_wait3A_312 = tpu.memref_slice %arg6[%mul3A_308, %dma_wait3A_311] : memref<262144x384xf32, #tpu.memory_space<hbm>> -> memref<128x128xf32, #tpu.memory_space<hbm>>
    tpu.wait_dma2 semaphore(%arg24 : memref<!tpu.dma_semaphore, #tpu.memory_space<semaphore_mem>>) src(%arg13 : memref<128x128xf32, #tpu.memory_space<vmem>>) dst(%dma_wait3A_312 : memref<128x128xf32, #tpu.memory_space<hbm>>)
    %dma_start3A_313 = arith.constant 3 : i32
    %dma_start3A_314 = arith.constant 0 : i32
    %dma_start3A_315 = tpu.memref_slice %arg9[%dma_start3A_313, %dma_start3A_314] : memref<64x128xi32, #tpu.memory_space<vmem>> -> memref<1x128xi32, #tpu.memory_space<vmem>>
    %dma_start3A_316 = tpu.memref_squeeze %dma_start3A_315 : memref<1x128xi32, #tpu.memory_space<vmem>> -> memref<128xi32, #tpu.memory_space<vmem>>
    %dma_start3A_317 = arith.constant 0 : i32
    %dma_start3A_318 = arith.constant 0 : i32
    %dma_start3A_319 = tpu.memref_slice %arg16[%dma_start3A_317, %dma_start3A_318] : memref<512x128xf32, #tpu.memory_space<vmem_shared>> -> memref<512x128xf32, #tpu.memory_space<vmem_shared>>
    tpu.enqueue_indirect_dma source(%dma_start3A_319 : memref<512x128xf32, #tpu.memory_space<vmem_shared>>) target(%arg13 : memref<128x128xf32, #tpu.memory_space<vmem>>) offsets(%dma_start3A_316 : memref<128xi32, #tpu.memory_space<vmem>>) semaphore(%arg20 : memref<!tpu.dma_semaphore, #tpu.memory_space<semaphore_mem>>)
    %dma_wait3A_320 = arith.constant 3 : i32
    %dma_wait3A_321 = arith.constant 0 : i32
    %dma_wait3A_322 = tpu.memref_slice %arg7[%dma_wait3A_320, %dma_wait3A_321] : memref<64x128xi32, #tpu.memory_space<vmem>> -> memref<1x128xi32, #tpu.memory_space<vmem>>
    %dma_wait3A_323 = tpu.memref_squeeze %dma_wait3A_322 : memref<1x128xi32, #tpu.memory_space<vmem>> -> memref<128xi32, #tpu.memory_space<vmem>>
    %dma_wait3A_324 = arith.constant 0 : i32
    %dma_wait3A_325 = arith.constant 0 : i32
    %dma_wait3A_326 = tpu.memref_slice %arg14[%dma_wait3A_324, %dma_wait3A_325] : memref<512x128xf32, #tpu.memory_space<vmem_shared>> -> memref<512x128xf32, #tpu.memory_space<vmem_shared>>
    tpu.wait_indirect_dma semaphore(%arg18 : memref<!tpu.dma_semaphore, #tpu.memory_space<semaphore_mem>>) src(%dma_wait3A_326 : memref<512x128xf32, #tpu.memory_space<vmem_shared>>) dst(%arg11 : memref<128x128xf32, #tpu.memory_space<vmem>>)
    %mul3A_327 = arith.constant 64 : i32
    %mul3A_328 = arith.muli %add3A, %mul3A_327 : i32
    %add3A_329 = arith.constant 3 : i32
    %add3A_330 = arith.addi %mul3A_328, %add3A_329 : i32
    %mul3A_331 = arith.constant 128 : i32
    %mul3A_332 = arith.muli %add3A_330, %mul3A_331 : i32
    %dma_start3A_333 = arith.constant 0 : i32
    %dma_start3A_334 = tpu.memref_slice %arg6[%mul3A_332, %dma_start3A_333] : memref<262144x384xf32, #tpu.memory_space<hbm>> -> memref<128x128xf32, #tpu.memory_space<hbm>>
    %dma_start3A_335 = arith.constant 0 : i32
    %dma_start3A_336 = tpu.memref_slice %arg6[%mul3A_332, %dma_start3A_335] : memref<262144x384xf32, #tpu.memory_space<hbm>> -> memref<128x128xf32, #tpu.memory_space<hbm>>
    tpu.enqueue_dma source(%arg11 : memref<128x128xf32, #tpu.memory_space<vmem>>) target(%dma_start3A_336 : memref<128x128xf32, #tpu.memory_space<hbm>>) target_semaphore(%arg22 : memref<!tpu.dma_semaphore, #tpu.memory_space<semaphore_mem>>)
    %mul3A_337 = arith.constant 64 : i32
    %mul3A_338 = arith.muli %add3A, %mul3A_337 : i32
    %add3A_339 = arith.constant 2 : i32
    %add3A_340 = arith.addi %mul3A_338, %add3A_339 : i32
    %mul3A_341 = arith.constant 128 : i32
    %mul3A_342 = arith.muli %add3A_340, %mul3A_341 : i32
    %dma_wait3A_343 = arith.constant 256 : i32
    %dma_wait3A_344 = tpu.memref_slice %arg6[%mul3A_342, %dma_wait3A_343] : memref<262144x384xf32, #tpu.memory_space<hbm>> -> memref<128x128xf32, #tpu.memory_space<hbm>>
    %dma_wait3A_345 = arith.constant 256 : i32
    %dma_wait3A_346 = tpu.memref_slice %arg6[%mul3A_342, %dma_wait3A_345] : memref<262144x384xf32, #tpu.memory_space<hbm>> -> memref<128x128xf32, #tpu.memory_space<hbm>>
    tpu.wait_dma2 semaphore(%arg21 : memref<!tpu.dma_semaphore, #tpu.memory_space<semaphore_mem>>) src(%arg10 : memref<128x128xf32, #tpu.memory_space<vmem>>) dst(%dma_wait3A_346 : memref<128x128xf32, #tpu.memory_space<hbm>>)
    %dma_start3A_347 = arith.constant 4 : i32
    %dma_start3A_348 = arith.constant 0 : i32
    %dma_start3A_349 = tpu.memref_slice %arg7[%dma_start3A_347, %dma_start3A_348] : memref<64x128xi32, #tpu.memory_space<vmem>> -> memref<1x128xi32, #tpu.memory_space<vmem>>
    %dma_start3A_350 = tpu.memref_squeeze %dma_start3A_349 : memref<1x128xi32, #tpu.memory_space<vmem>> -> memref<128xi32, #tpu.memory_space<vmem>>
    %dma_start3A_351 = arith.constant 0 : i32
    %dma_start3A_352 = arith.constant 0 : i32
    %dma_start3A_353 = tpu.memref_slice %arg14[%dma_start3A_351, %dma_start3A_352] : memref<512x128xf32, #tpu.memory_space<vmem_shared>> -> memref<512x128xf32, #tpu.memory_space<vmem_shared>>
    tpu.enqueue_indirect_dma source(%dma_start3A_353 : memref<512x128xf32, #tpu.memory_space<vmem_shared>>) target(%arg10 : memref<128x128xf32, #tpu.memory_space<vmem>>) offsets(%dma_start3A_350 : memref<128xi32, #tpu.memory_space<vmem>>) semaphore(%arg17 : memref<!tpu.dma_semaphore, #tpu.memory_space<semaphore_mem>>)
    %dma_wait3A_354 = arith.constant 3 : i32
    %dma_wait3A_355 = arith.constant 0 : i32
    %dma_wait3A_356 = tpu.memref_slice %arg8[%dma_wait3A_354, %dma_wait3A_355] : memref<64x128xi32, #tpu.memory_space<vmem>> -> memref<1x128xi32, #tpu.memory_space<vmem>>
    %dma_wait3A_357 = tpu.memref_squeeze %dma_wait3A_356 : memref<1x128xi32, #tpu.memory_space<vmem>> -> memref<128xi32, #tpu.memory_space<vmem>>
    %dma_wait3A_358 = arith.constant 0 : i32
    %dma_wait3A_359 = arith.constant 0 : i32
    %dma_wait3A_360 = tpu.memref_slice %arg15[%dma_wait3A_358, %dma_wait3A_359] : memref<512x128xf32, #tpu.memory_space<vmem_shared>> -> memref<512x128xf32, #tpu.memory_space<vmem_shared>>
    tpu.wait_indirect_dma semaphore(%arg19 : memref<!tpu.dma_semaphore, #tpu.memory_space<semaphore_mem>>) src(%dma_wait3A_360 : memref<512x128xf32, #tpu.memory_space<vmem_shared>>) dst(%arg12 : memref<128x128xf32, #tpu.memory_space<vmem>>)
    %mul3A_361 = arith.constant 64 : i32
    %mul3A_362 = arith.muli %add3A, %mul3A_361 : i32
    %add3A_363 = arith.constant 3 : i32
    %add3A_364 = arith.addi %mul3A_362, %add3A_363 : i32
    %mul3A_365 = arith.constant 128 : i32
    %mul3A_366 = arith.muli %add3A_364, %mul3A_365 : i32
    %dma_start3A_367 = arith.constant 128 : i32
    %dma_start3A_368 = tpu.memref_slice %arg6[%mul3A_366, %dma_start3A_367] : memref<262144x384xf32, #tpu.memory_space<hbm>> -> memref<128x128xf32, #tpu.memory_space<hbm>>
    %dma_start3A_369 = arith.constant 128 : i32
    %dma_start3A_370 = tpu.memref_slice %arg6[%mul3A_366, %dma_start3A_369] : memref<262144x384xf32, #tpu.memory_space<hbm>> -> memref<128x128xf32, #tpu.memory_space<hbm>>
    tpu.enqueue_dma source(%arg12 : memref<128x128xf32, #tpu.memory_space<vmem>>) target(%dma_start3A_370 : memref<128x128xf32, #tpu.memory_space<hbm>>) target_semaphore(%arg23 : memref<!tpu.dma_semaphore, #tpu.memory_space<semaphore_mem>>)
    %mul3A_371 = arith.constant 64 : i32
    %mul3A_372 = arith.muli %add3A, %mul3A_371 : i32
    %add3A_373 = arith.constant 3 : i32
    %add3A_374 = arith.addi %mul3A_372, %add3A_373 : i32
    %mul3A_375 = arith.constant 128 : i32
    %mul3A_376 = arith.muli %add3A_374, %mul3A_375 : i32
    %dma_wait3A_377 = arith.constant 0 : i32
    %dma_wait3A_378 = tpu.memref_slice %arg6[%mul3A_376, %dma_wait3A_377] : memref<262144x384xf32, #tpu.memory_space<hbm>> -> memref<128x128xf32, #tpu.memory_space<hbm>>
    %dma_wait3A_379 = arith.constant 0 : i32
    %dma_wait3A_380 = tpu.memref_slice %arg6[%mul3A_376, %dma_wait3A_379] : memref<262144x384xf32, #tpu.memory_space<hbm>> -> memref<128x128xf32, #tpu.memory_space<hbm>>
    tpu.wait_dma2 semaphore(%arg22 : memref<!tpu.dma_semaphore, #tpu.memory_space<semaphore_mem>>) src(%arg11 : memref<128x128xf32, #tpu.memory_space<vmem>>) dst(%dma_wait3A_380 : memref<128x128xf32, #tpu.memory_space<hbm>>)
    %dma_start3A_381 = arith.constant 4 : i32
    %dma_start3A_382 = arith.constant 0 : i32
    %dma_start3A_383 = tpu.memref_slice %arg8[%dma_start3A_381, %dma_start3A_382] : memref<64x128xi32, #tpu.memory_space<vmem>> -> memref<1x128xi32, #tpu.memory_space<vmem>>
    %dma_start3A_384 = tpu.memref_squeeze %dma_start3A_383 : memref<1x128xi32, #tpu.memory_space<vmem>> -> memref<128xi32, #tpu.memory_space<vmem>>
    %dma_start3A_385 = arith.constant 0 : i32
    %dma_start3A_386 = arith.constant 0 : i32
    %dma_start3A_387 = tpu.memref_slice %arg15[%dma_start3A_385, %dma_start3A_386] : memref<512x128xf32, #tpu.memory_space<vmem_shared>> -> memref<512x128xf32, #tpu.memory_space<vmem_shared>>
    tpu.enqueue_indirect_dma source(%dma_start3A_387 : memref<512x128xf32, #tpu.memory_space<vmem_shared>>) target(%arg11 : memref<128x128xf32, #tpu.memory_space<vmem>>) offsets(%dma_start3A_384 : memref<128xi32, #tpu.memory_space<vmem>>) semaphore(%arg18 : memref<!tpu.dma_semaphore, #tpu.memory_space<semaphore_mem>>)
    %dma_wait3A_388 = arith.constant 3 : i32
    %dma_wait3A_389 = arith.constant 0 : i32
    %dma_wait3A_390 = tpu.memref_slice %arg9[%dma_wait3A_388, %dma_wait3A_389] : memref<64x128xi32, #tpu.memory_space<vmem>> -> memref<1x128xi32, #tpu.memory_space<vmem>>
    %dma_wait3A_391 = tpu.memref_squeeze %dma_wait3A_390 : memref<1x128xi32, #tpu.memory_space<vmem>> -> memref<128xi32, #tpu.memory_space<vmem>>
    %dma_wait3A_392 = arith.constant 0 : i32
    %dma_wait3A_393 = arith.constant 0 : i32
    %dma_wait3A_394 = tpu.memref_slice %arg16[%dma_wait3A_392, %dma_wait3A_393] : memref<512x128xf32, #tpu.memory_space<vmem_shared>> -> memref<512x128xf32, #tpu.memory_space<vmem_shared>>
    tpu.wait_indirect_dma semaphore(%arg20 : memref<!tpu.dma_semaphore, #tpu.memory_space<semaphore_mem>>) src(%dma_wait3A_394 : memref<512x128xf32, #tpu.memory_space<vmem_shared>>) dst(%arg13 : memref<128x128xf32, #tpu.memory_space<vmem>>)
    %mul3A_395 = arith.constant 64 : i32
    %mul3A_396 = arith.muli %add3A, %mul3A_395 : i32
    %add3A_397 = arith.constant 3 : i32
    %add3A_398 = arith.addi %mul3A_396, %add3A_397 : i32
    %mul3A_399 = arith.constant 128 : i32
    %mul3A_400 = arith.muli %add3A_398, %mul3A_399 : i32
    %dma_start3A_401 = arith.constant 256 : i32
    %dma_start3A_402 = tpu.memref_slice %arg6[%mul3A_400, %dma_start3A_401] : memref<262144x384xf32, #tpu.memory_space<hbm>> -> memref<128x128xf32, #tpu.memory_space<hbm>>
    %dma_start3A_403 = arith.constant 256 : i32
    %dma_start3A_404 = tpu.memref_slice %arg6[%mul3A_400, %dma_start3A_403] : memref<262144x384xf32, #tpu.memory_space<hbm>> -> memref<128x128xf32, #tpu.memory_space<hbm>>
    tpu.enqueue_dma source(%arg13 : memref<128x128xf32, #tpu.memory_space<vmem>>) target(%dma_start3A_404 : memref<128x128xf32, #tpu.memory_space<hbm>>) target_semaphore(%arg24 : memref<!tpu.dma_semaphore, #tpu.memory_space<semaphore_mem>>)
    %mul3A_405 = arith.constant 64 : i32
    %mul3A_406 = arith.muli %add3A, %mul3A_405 : i32
    %add3A_407 = arith.constant 3 : i32
    %add3A_408 = arith.addi %mul3A_406, %add3A_407 : i32
    %mul3A_409 = arith.constant 128 : i32
    %mul3A_410 = arith.muli %add3A_408, %mul3A_409 : i32
    %dma_wait3A_411 = arith.constant 128 : i32
    %dma_wait3A_412 = tpu.memref_slice %arg6[%mul3A_410, %dma_wait3A_411] : memref<262144x384xf32, #tpu.memory_space<hbm>> -> memref<128x128xf32, #tpu.memory_space<hbm>>
    %dma_wait3A_413 = arith.constant 128 : i32
    %dma_wait3A_414 = tpu.memref_slice %arg6[%mul3A_410, %dma_wait3A_413] : memref<262144x384xf32, #tpu.memory_space<hbm>> -> memref<128x128xf32, #tpu.memory_space<hbm>>
    tpu.wait_dma2 semaphore(%arg23 : memref<!tpu.dma_semaphore, #tpu.memory_space<semaphore_mem>>) src(%arg12 : memref<128x128xf32, #tpu.memory_space<vmem>>) dst(%dma_wait3A_414 : memref<128x128xf32, #tpu.memory_space<hbm>>)
    %dma_start3A_415 = arith.constant 4 : i32
    %dma_start3A_416 = arith.constant 0 : i32
    %dma_start3A_417 = tpu.memref_slice %arg9[%dma_start3A_415, %dma_start3A_416] : memref<64x128xi32, #tpu.memory_space<vmem>> -> memref<1x128xi32, #tpu.memory_space<vmem>>
    %dma_start3A_418 = tpu.memref_squeeze %dma_start3A_417 : memref<1x128xi32, #tpu.memory_space<vmem>> -> memref<128xi32, #tpu.memory_space<vmem>>
    %dma_start3A_419 = arith.constant 0 : i32
    %dma_start3A_420 = arith.constant 0 : i32
    %dma_start3A_421 = tpu.memref_slice %arg16[%dma_start3A_419, %dma_start3A_420] : memref<512x128xf32, #tpu.memory_space<vmem_shared>> -> memref<512x128xf32, #tpu.memory_space<vmem_shared>>
    tpu.enqueue_indirect_dma source(%dma_start3A_421 : memref<512x128xf32, #tpu.memory_space<vmem_shared>>) target(%arg12 : memref<128x128xf32, #tpu.memory_space<vmem>>) offsets(%dma_start3A_418 : memref<128xi32, #tpu.memory_space<vmem>>) semaphore(%arg19 : memref<!tpu.dma_semaphore, #tpu.memory_space<semaphore_mem>>)
    %scan3A = arith.constant 0 : i32
    %scan3A_422 = arith.constant 1 : i32
    %scan3A_423 = arith.constant 14 : i32
    %scan3A_424 = arith.addi %scan3A_422, %scan3A_423 : i32
    %scan3A_425 = arith.constant 1 : i32
    scf.for %scan3A_824 = %scan3A_422 to %scan3A_424 step %scan3A_425  : i32 {
      %mul3A_825 = arith.constant 4 : i32
      %mul3A_826 = arith.muli %mul3A_825, %scan3A_824 : i32
      %add3A_827 = arith.constant 0 : i32
      %add3A_828 = arith.addi %mul3A_826, %add3A_827 : i32
      %dma_wait3A_829 = arith.constant 0 : i32
      %dma_wait3A_830 = tpu.memref_slice %arg7[%add3A_828, %dma_wait3A_829] : memref<64x128xi32, #tpu.memory_space<vmem>> -> memref<1x128xi32, #tpu.memory_space<vmem>>
      %dma_wait3A_831 = tpu.memref_squeeze %dma_wait3A_830 : memref<1x128xi32, #tpu.memory_space<vmem>> -> memref<128xi32, #tpu.memory_space<vmem>>
      %dma_wait3A_832 = arith.constant 0 : i32
      %dma_wait3A_833 = arith.constant 0 : i32
      %dma_wait3A_834 = tpu.memref_slice %arg14[%dma_wait3A_832, %dma_wait3A_833] : memref<512x128xf32, #tpu.memory_space<vmem_shared>> -> memref<512x128xf32, #tpu.memory_space<vmem_shared>>
      tpu.wait_indirect_dma semaphore(%arg17 : memref<!tpu.dma_semaphore, #tpu.memory_space<semaphore_mem>>) src(%dma_wait3A_834 : memref<512x128xf32, #tpu.memory_space<vmem_shared>>) dst(%arg10 : memref<128x128xf32, #tpu.memory_space<vmem>>)
      %mul3A_835 = arith.constant 64 : i32
      %mul3A_836 = arith.muli %add3A, %mul3A_835 : i32
      %add3A_837 = arith.addi %mul3A_836, %add3A_828 : i32
      %mul3A_838 = arith.constant 128 : i32
      %mul3A_839 = arith.muli %add3A_837, %mul3A_838 : i32
      %dma_start3A_840 = arith.constant 0 : i32
      %dma_start3A_841 = tpu.memref_slice %arg6[%mul3A_839, %dma_start3A_840] : memref<262144x384xf32, #tpu.memory_space<hbm>> -> memref<128x128xf32, #tpu.memory_space<hbm>>
      %dma_start3A_842 = arith.constant 0 : i32
      %dma_start3A_843 = tpu.memref_slice %arg6[%mul3A_839, %dma_start3A_842] : memref<262144x384xf32, #tpu.memory_space<hbm>> -> memref<128x128xf32, #tpu.memory_space<hbm>>
      tpu.enqueue_dma source(%arg10 : memref<128x128xf32, #tpu.memory_space<vmem>>) target(%dma_start3A_843 : memref<128x128xf32, #tpu.memory_space<hbm>>) target_semaphore(%arg21 : memref<!tpu.dma_semaphore, #tpu.memory_space<semaphore_mem>>)
      %sub3A = arith.constant 1 : i32
      %sub3A_844 = arith.subi %scan3A_824, %sub3A : i32
      %mul3A_845 = arith.constant 4 : i32
      %mul3A_846 = arith.muli %mul3A_845, %sub3A_844 : i32
      %add3A_847 = arith.constant 3 : i32
      %add3A_848 = arith.addi %mul3A_846, %add3A_847 : i32
      %mul3A_849 = arith.constant 64 : i32
      %mul3A_850 = arith.muli %add3A, %mul3A_849 : i32
      %add3A_851 = arith.addi %mul3A_850, %add3A_848 : i32
      %mul3A_852 = arith.constant 128 : i32
      %mul3A_853 = arith.muli %add3A_851, %mul3A_852 : i32
      %dma_wait3A_854 = arith.constant 256 : i32
      %dma_wait3A_855 = tpu.memref_slice %arg6[%mul3A_853, %dma_wait3A_854] : memref<262144x384xf32, #tpu.memory_space<hbm>> -> memref<128x128xf32, #tpu.memory_space<hbm>>
      %dma_wait3A_856 = arith.constant 256 : i32
      %dma_wait3A_857 = tpu.memref_slice %arg6[%mul3A_853, %dma_wait3A_856] : memref<262144x384xf32, #tpu.memory_space<hbm>> -> memref<128x128xf32, #tpu.memory_space<hbm>>
      tpu.wait_dma2 semaphore(%arg24 : memref<!tpu.dma_semaphore, #tpu.memory_space<semaphore_mem>>) src(%arg13 : memref<128x128xf32, #tpu.memory_space<vmem>>) dst(%dma_wait3A_857 : memref<128x128xf32, #tpu.memory_space<hbm>>)
      %add3A_858 = arith.constant 0 : i32
      %add3A_859 = arith.addi %scan3A_824, %add3A_858 : i32
      %mul3A_860 = arith.constant 4 : i32
      %mul3A_861 = arith.muli %mul3A_860, %add3A_859 : i32
      %add3A_862 = arith.constant 1 : i32
      %add3A_863 = arith.addi %mul3A_861, %add3A_862 : i32
      %dma_start3A_864 = arith.constant 0 : i32
      %dma_start3A_865 = tpu.memref_slice %arg7[%add3A_863, %dma_start3A_864] : memref<64x128xi32, #tpu.memory_space<vmem>> -> memref<1x128xi32, #tpu.memory_space<vmem>>
      %dma_start3A_866 = tpu.memref_squeeze %dma_start3A_865 : memref<1x128xi32, #tpu.memory_space<vmem>> -> memref<128xi32, #tpu.memory_space<vmem>>
      %dma_start3A_867 = arith.constant 0 : i32
      %dma_start3A_868 = arith.constant 0 : i32
      %dma_start3A_869 = tpu.memref_slice %arg14[%dma_start3A_867, %dma_start3A_868] : memref<512x128xf32, #tpu.memory_space<vmem_shared>> -> memref<512x128xf32, #tpu.memory_space<vmem_shared>>
      tpu.enqueue_indirect_dma source(%dma_start3A_869 : memref<512x128xf32, #tpu.memory_space<vmem_shared>>) target(%arg13 : memref<128x128xf32, #tpu.memory_space<vmem>>) offsets(%dma_start3A_866 : memref<128xi32, #tpu.memory_space<vmem>>) semaphore(%arg20 : memref<!tpu.dma_semaphore, #tpu.memory_space<semaphore_mem>>)
      %mul3A_870 = arith.constant 4 : i32
      %mul3A_871 = arith.muli %mul3A_870, %scan3A_824 : i32
      %add3A_872 = arith.constant 0 : i32
      %add3A_873 = arith.addi %mul3A_871, %add3A_872 : i32
      %dma_wait3A_874 = arith.constant 0 : i32
      %dma_wait3A_875 = tpu.memref_slice %arg8[%add3A_873, %dma_wait3A_874] : memref<64x128xi32, #tpu.memory_space<vmem>> -> memref<1x128xi32, #tpu.memory_space<vmem>>
      %dma_wait3A_876 = tpu.memref_squeeze %dma_wait3A_875 : memref<1x128xi32, #tpu.memory_space<vmem>> -> memref<128xi32, #tpu.memory_space<vmem>>
      %dma_wait3A_877 = arith.constant 0 : i32
      %dma_wait3A_878 = arith.constant 0 : i32
      %dma_wait3A_879 = tpu.memref_slice %arg15[%dma_wait3A_877, %dma_wait3A_878] : memref<512x128xf32, #tpu.memory_space<vmem_shared>> -> memref<512x128xf32, #tpu.memory_space<vmem_shared>>
      tpu.wait_indirect_dma semaphore(%arg18 : memref<!tpu.dma_semaphore, #tpu.memory_space<semaphore_mem>>) src(%dma_wait3A_879 : memref<512x128xf32, #tpu.memory_space<vmem_shared>>) dst(%arg11 : memref<128x128xf32, #tpu.memory_space<vmem>>)
      %mul3A_880 = arith.constant 64 : i32
      %mul3A_881 = arith.muli %add3A, %mul3A_880 : i32
      %add3A_882 = arith.addi %mul3A_881, %add3A_873 : i32
      %mul3A_883 = arith.constant 128 : i32
      %mul3A_884 = arith.muli %add3A_882, %mul3A_883 : i32
      %dma_start3A_885 = arith.constant 128 : i32
      %dma_start3A_886 = tpu.memref_slice %arg6[%mul3A_884, %dma_start3A_885] : memref<262144x384xf32, #tpu.memory_space<hbm>> -> memref<128x128xf32, #tpu.memory_space<hbm>>
      %dma_start3A_887 = arith.constant 128 : i32
      %dma_start3A_888 = tpu.memref_slice %arg6[%mul3A_884, %dma_start3A_887] : memref<262144x384xf32, #tpu.memory_space<hbm>> -> memref<128x128xf32, #tpu.memory_space<hbm>>
      tpu.enqueue_dma source(%arg11 : memref<128x128xf32, #tpu.memory_space<vmem>>) target(%dma_start3A_888 : memref<128x128xf32, #tpu.memory_space<hbm>>) target_semaphore(%arg22 : memref<!tpu.dma_semaphore, #tpu.memory_space<semaphore_mem>>)
      %mul3A_889 = arith.constant 4 : i32
      %mul3A_890 = arith.muli %mul3A_889, %scan3A_824 : i32
      %add3A_891 = arith.constant 0 : i32
      %add3A_892 = arith.addi %mul3A_890, %add3A_891 : i32
      %mul3A_893 = arith.constant 64 : i32
      %mul3A_894 = arith.muli %add3A, %mul3A_893 : i32
      %add3A_895 = arith.addi %mul3A_894, %add3A_892 : i32
      %mul3A_896 = arith.constant 128 : i32
      %mul3A_897 = arith.muli %add3A_895, %mul3A_896 : i32
      %dma_wait3A_898 = arith.constant 0 : i32
      %dma_wait3A_899 = tpu.memref_slice %arg6[%mul3A_897, %dma_wait3A_898] : memref<262144x384xf32, #tpu.memory_space<hbm>> -> memref<128x128xf32, #tpu.memory_space<hbm>>
      %dma_wait3A_900 = arith.constant 0 : i32
      %dma_wait3A_901 = tpu.memref_slice %arg6[%mul3A_897, %dma_wait3A_900] : memref<262144x384xf32, #tpu.memory_space<hbm>> -> memref<128x128xf32, #tpu.memory_space<hbm>>
      tpu.wait_dma2 semaphore(%arg21 : memref<!tpu.dma_semaphore, #tpu.memory_space<semaphore_mem>>) src(%arg10 : memref<128x128xf32, #tpu.memory_space<vmem>>) dst(%dma_wait3A_901 : memref<128x128xf32, #tpu.memory_space<hbm>>)
      %add3A_902 = arith.constant 0 : i32
      %add3A_903 = arith.addi %scan3A_824, %add3A_902 : i32
      %mul3A_904 = arith.constant 4 : i32
      %mul3A_905 = arith.muli %mul3A_904, %add3A_903 : i32
      %add3A_906 = arith.constant 1 : i32
      %add3A_907 = arith.addi %mul3A_905, %add3A_906 : i32
      %dma_start3A_908 = arith.constant 0 : i32
      %dma_start3A_909 = tpu.memref_slice %arg8[%add3A_907, %dma_start3A_908] : memref<64x128xi32, #tpu.memory_space<vmem>> -> memref<1x128xi32, #tpu.memory_space<vmem>>
      %dma_start3A_910 = tpu.memref_squeeze %dma_start3A_909 : memref<1x128xi32, #tpu.memory_space<vmem>> -> memref<128xi32, #tpu.memory_space<vmem>>
      %dma_start3A_911 = arith.constant 0 : i32
      %dma_start3A_912 = arith.constant 0 : i32
      %dma_start3A_913 = tpu.memref_slice %arg15[%dma_start3A_911, %dma_start3A_912] : memref<512x128xf32, #tpu.memory_space<vmem_shared>> -> memref<512x128xf32, #tpu.memory_space<vmem_shared>>
      tpu.enqueue_indirect_dma source(%dma_start3A_913 : memref<512x128xf32, #tpu.memory_space<vmem_shared>>) target(%arg10 : memref<128x128xf32, #tpu.memory_space<vmem>>) offsets(%dma_start3A_910 : memref<128xi32, #tpu.memory_space<vmem>>) semaphore(%arg17 : memref<!tpu.dma_semaphore, #tpu.memory_space<semaphore_mem>>)
      %mul3A_914 = arith.constant 4 : i32
      %mul3A_915 = arith.muli %mul3A_914, %scan3A_824 : i32
      %add3A_916 = arith.constant 0 : i32
      %add3A_917 = arith.addi %mul3A_915, %add3A_916 : i32
      %dma_wait3A_918 = arith.constant 0 : i32
      %dma_wait3A_919 = tpu.memref_slice %arg9[%add3A_917, %dma_wait3A_918] : memref<64x128xi32, #tpu.memory_space<vmem>> -> memref<1x128xi32, #tpu.memory_space<vmem>>
      %dma_wait3A_920 = tpu.memref_squeeze %dma_wait3A_919 : memref<1x128xi32, #tpu.memory_space<vmem>> -> memref<128xi32, #tpu.memory_space<vmem>>
      %dma_wait3A_921 = arith.constant 0 : i32
      %dma_wait3A_922 = arith.constant 0 : i32
      %dma_wait3A_923 = tpu.memref_slice %arg16[%dma_wait3A_921, %dma_wait3A_922] : memref<512x128xf32, #tpu.memory_space<vmem_shared>> -> memref<512x128xf32, #tpu.memory_space<vmem_shared>>
      tpu.wait_indirect_dma semaphore(%arg19 : memref<!tpu.dma_semaphore, #tpu.memory_space<semaphore_mem>>) src(%dma_wait3A_923 : memref<512x128xf32, #tpu.memory_space<vmem_shared>>) dst(%arg12 : memref<128x128xf32, #tpu.memory_space<vmem>>)
      %mul3A_924 = arith.constant 64 : i32
      %mul3A_925 = arith.muli %add3A, %mul3A_924 : i32
      %add3A_926 = arith.addi %mul3A_925, %add3A_917 : i32
      %mul3A_927 = arith.constant 128 : i32
      %mul3A_928 = arith.muli %add3A_926, %mul3A_927 : i32
      %dma_start3A_929 = arith.constant 256 : i32
      %dma_start3A_930 = tpu.memref_slice %arg6[%mul3A_928, %dma_start3A_929] : memref<262144x384xf32, #tpu.memory_space<hbm>> -> memref<128x128xf32, #tpu.memory_space<hbm>>
      %dma_start3A_931 = arith.constant 256 : i32
      %dma_start3A_932 = tpu.memref_slice %arg6[%mul3A_928, %dma_start3A_931] : memref<262144x384xf32, #tpu.memory_space<hbm>> -> memref<128x128xf32, #tpu.memory_space<hbm>>
      tpu.enqueue_dma source(%arg12 : memref<128x128xf32, #tpu.memory_space<vmem>>) target(%dma_start3A_932 : memref<128x128xf32, #tpu.memory_space<hbm>>) target_semaphore(%arg23 : memref<!tpu.dma_semaphore, #tpu.memory_space<semaphore_mem>>)
      %mul3A_933 = arith.constant 4 : i32
      %mul3A_934 = arith.muli %mul3A_933, %scan3A_824 : i32
      %add3A_935 = arith.constant 0 : i32
      %add3A_936 = arith.addi %mul3A_934, %add3A_935 : i32
      %mul3A_937 = arith.constant 64 : i32
      %mul3A_938 = arith.muli %add3A, %mul3A_937 : i32
      %add3A_939 = arith.addi %mul3A_938, %add3A_936 : i32
      %mul3A_940 = arith.constant 128 : i32
      %mul3A_941 = arith.muli %add3A_939, %mul3A_940 : i32
      %dma_wait3A_942 = arith.constant 128 : i32
      %dma_wait3A_943 = tpu.memref_slice %arg6[%mul3A_941, %dma_wait3A_942] : memref<262144x384xf32, #tpu.memory_space<hbm>> -> memref<128x128xf32, #tpu.memory_space<hbm>>
      %dma_wait3A_944 = arith.constant 128 : i32
      %dma_wait3A_945 = tpu.memref_slice %arg6[%mul3A_941, %dma_wait3A_944] : memref<262144x384xf32, #tpu.memory_space<hbm>> -> memref<128x128xf32, #tpu.memory_space<hbm>>
      tpu.wait_dma2 semaphore(%arg22 : memref<!tpu.dma_semaphore, #tpu.memory_space<semaphore_mem>>) src(%arg11 : memref<128x128xf32, #tpu.memory_space<vmem>>) dst(%dma_wait3A_945 : memref<128x128xf32, #tpu.memory_space<hbm>>)
      %add3A_946 = arith.constant 0 : i32
      %add3A_947 = arith.addi %scan3A_824, %add3A_946 : i32
      %mul3A_948 = arith.constant 4 : i32
      %mul3A_949 = arith.muli %mul3A_948, %add3A_947 : i32
      %add3A_950 = arith.constant 1 : i32
      %add3A_951 = arith.addi %mul3A_949, %add3A_950 : i32
      %dma_start3A_952 = arith.constant 0 : i32
      %dma_start3A_953 = tpu.memref_slice %arg9[%add3A_951, %dma_start3A_952] : memref<64x128xi32, #tpu.memory_space<vmem>> -> memref<1x128xi32, #tpu.memory_space<vmem>>
      %dma_start3A_954 = tpu.memref_squeeze %dma_start3A_953 : memref<1x128xi32, #tpu.memory_space<vmem>> -> memref<128xi32, #tpu.memory_space<vmem>>
      %dma_start3A_955 = arith.constant 0 : i32
      %dma_start3A_956 = arith.constant 0 : i32
      %dma_start3A_957 = tpu.memref_slice %arg16[%dma_start3A_955, %dma_start3A_956] : memref<512x128xf32, #tpu.memory_space<vmem_shared>> -> memref<512x128xf32, #tpu.memory_space<vmem_shared>>
      tpu.enqueue_indirect_dma source(%dma_start3A_957 : memref<512x128xf32, #tpu.memory_space<vmem_shared>>) target(%arg11 : memref<128x128xf32, #tpu.memory_space<vmem>>) offsets(%dma_start3A_954 : memref<128xi32, #tpu.memory_space<vmem>>) semaphore(%arg18 : memref<!tpu.dma_semaphore, #tpu.memory_space<semaphore_mem>>)
      %mul3A_958 = arith.constant 4 : i32
      %mul3A_959 = arith.muli %mul3A_958, %scan3A_824 : i32
      %add3A_960 = arith.constant 1 : i32
      %add3A_961 = arith.addi %mul3A_959, %add3A_960 : i32
      %dma_wait3A_962 = arith.constant 0 : i32
      %dma_wait3A_963 = tpu.memref_slice %arg7[%add3A_961, %dma_wait3A_962] : memref<64x128xi32, #tpu.memory_space<vmem>> -> memref<1x128xi32, #tpu.memory_space<vmem>>
      %dma_wait3A_964 = tpu.memref_squeeze %dma_wait3A_963 : memref<1x128xi32, #tpu.memory_space<vmem>> -> memref<128xi32, #tpu.memory_space<vmem>>
      %dma_wait3A_965 = arith.constant 0 : i32
      %dma_wait3A_966 = arith.constant 0 : i32
      %dma_wait3A_967 = tpu.memref_slice %arg14[%dma_wait3A_965, %dma_wait3A_966] : memref<512x128xf32, #tpu.memory_space<vmem_shared>> -> memref<512x128xf32, #tpu.memory_space<vmem_shared>>
      tpu.wait_indirect_dma semaphore(%arg20 : memref<!tpu.dma_semaphore, #tpu.memory_space<semaphore_mem>>) src(%dma_wait3A_967 : memref<512x128xf32, #tpu.memory_space<vmem_shared>>) dst(%arg13 : memref<128x128xf32, #tpu.memory_space<vmem>>)
      %mul3A_968 = arith.constant 64 : i32
      %mul3A_969 = arith.muli %add3A, %mul3A_968 : i32
      %add3A_970 = arith.addi %mul3A_969, %add3A_961 : i32
      %mul3A_971 = arith.constant 128 : i32
      %mul3A_972 = arith.muli %add3A_970, %mul3A_971 : i32
      %dma_start3A_973 = arith.constant 0 : i32
      %dma_start3A_974 = tpu.memref_slice %arg6[%mul3A_972, %dma_start3A_973] : memref<262144x384xf32, #tpu.memory_space<hbm>> -> memref<128x128xf32, #tpu.memory_space<hbm>>
      %dma_start3A_975 = arith.constant 0 : i32
      %dma_start3A_976 = tpu.memref_slice %arg6[%mul3A_972, %dma_start3A_975] : memref<262144x384xf32, #tpu.memory_space<hbm>> -> memref<128x128xf32, #tpu.memory_space<hbm>>
      tpu.enqueue_dma source(%arg13 : memref<128x128xf32, #tpu.memory_space<vmem>>) target(%dma_start3A_976 : memref<128x128xf32, #tpu.memory_space<hbm>>) target_semaphore(%arg24 : memref<!tpu.dma_semaphore, #tpu.memory_space<semaphore_mem>>)
      %mul3A_977 = arith.constant 4 : i32
      %mul3A_978 = arith.muli %mul3A_977, %scan3A_824 : i32
      %add3A_979 = arith.constant 0 : i32
      %add3A_980 = arith.addi %mul3A_978, %add3A_979 : i32
      %mul3A_981 = arith.constant 64 : i32
      %mul3A_982 = arith.muli %add3A, %mul3A_981 : i32
      %add3A_983 = arith.addi %mul3A_982, %add3A_980 : i32
      %mul3A_984 = arith.constant 128 : i32
      %mul3A_985 = arith.muli %add3A_983, %mul3A_984 : i32
      %dma_wait3A_986 = arith.constant 256 : i32
      %dma_wait3A_987 = tpu.memref_slice %arg6[%mul3A_985, %dma_wait3A_986] : memref<262144x384xf32, #tpu.memory_space<hbm>> -> memref<128x128xf32, #tpu.memory_space<hbm>>
      %dma_wait3A_988 = arith.constant 256 : i32
      %dma_wait3A_989 = tpu.memref_slice %arg6[%mul3A_985, %dma_wait3A_988] : memref<262144x384xf32, #tpu.memory_space<hbm>> -> memref<128x128xf32, #tpu.memory_space<hbm>>
      tpu.wait_dma2 semaphore(%arg23 : memref<!tpu.dma_semaphore, #tpu.memory_space<semaphore_mem>>) src(%arg12 : memref<128x128xf32, #tpu.memory_space<vmem>>) dst(%dma_wait3A_989 : memref<128x128xf32, #tpu.memory_space<hbm>>)
      %add3A_990 = arith.constant 0 : i32
      %add3A_991 = arith.addi %scan3A_824, %add3A_990 : i32
      %mul3A_992 = arith.constant 4 : i32
      %mul3A_993 = arith.muli %mul3A_992, %add3A_991 : i32
      %add3A_994 = arith.constant 2 : i32
      %add3A_995 = arith.addi %mul3A_993, %add3A_994 : i32
      %dma_start3A_996 = arith.constant 0 : i32
      %dma_start3A_997 = tpu.memref_slice %arg7[%add3A_995, %dma_start3A_996] : memref<64x128xi32, #tpu.memory_space<vmem>> -> memref<1x128xi32, #tpu.memory_space<vmem>>
      %dma_start3A_998 = tpu.memref_squeeze %dma_start3A_997 : memref<1x128xi32, #tpu.memory_space<vmem>> -> memref<128xi32, #tpu.memory_space<vmem>>
      %dma_start3A_999 = arith.constant 0 : i32
      %dma_start3A_1000 = arith.constant 0 : i32
      %dma_start3A_1001 = tpu.memref_slice %arg14[%dma_start3A_999, %dma_start3A_1000] : memref<512x128xf32, #tpu.memory_space<vmem_shared>> -> memref<512x128xf32, #tpu.memory_space<vmem_shared>>
      tpu.enqueue_indirect_dma source(%dma_start3A_1001 : memref<512x128xf32, #tpu.memory_space<vmem_shared>>) target(%arg12 : memref<128x128xf32, #tpu.memory_space<vmem>>) offsets(%dma_start3A_998 : memref<128xi32, #tpu.memory_space<vmem>>) semaphore(%arg19 : memref<!tpu.dma_semaphore, #tpu.memory_space<semaphore_mem>>)
      %mul3A_1002 = arith.constant 4 : i32
      %mul3A_1003 = arith.muli %mul3A_1002, %scan3A_824 : i32
      %add3A_1004 = arith.constant 1 : i32
      %add3A_1005 = arith.addi %mul3A_1003, %add3A_1004 : i32
      %dma_wait3A_1006 = arith.constant 0 : i32
      %dma_wait3A_1007 = tpu.memref_slice %arg8[%add3A_1005, %dma_wait3A_1006] : memref<64x128xi32, #tpu.memory_space<vmem>> -> memref<1x128xi32, #tpu.memory_space<vmem>>
      %dma_wait3A_1008 = tpu.memref_squeeze %dma_wait3A_1007 : memref<1x128xi32, #tpu.memory_space<vmem>> -> memref<128xi32, #tpu.memory_space<vmem>>
      %dma_wait3A_1009 = arith.constant 0 : i32
      %dma_wait3A_1010 = arith.constant 0 : i32
      %dma_wait3A_1011 = tpu.memref_slice %arg15[%dma_wait3A_1009, %dma_wait3A_1010] : memref<512x128xf32, #tpu.memory_space<vmem_shared>> -> memref<512x128xf32, #tpu.memory_space<vmem_shared>>
      tpu.wait_indirect_dma semaphore(%arg17 : memref<!tpu.dma_semaphore, #tpu.memory_space<semaphore_mem>>) src(%dma_wait3A_1011 : memref<512x128xf32, #tpu.memory_space<vmem_shared>>) dst(%arg10 : memref<128x128xf32, #tpu.memory_space<vmem>>)
      %mul3A_1012 = arith.constant 64 : i32
      %mul3A_1013 = arith.muli %add3A, %mul3A_1012 : i32
      %add3A_1014 = arith.addi %mul3A_1013, %add3A_1005 : i32
      %mul3A_1015 = arith.constant 128 : i32
      %mul3A_1016 = arith.muli %add3A_1014, %mul3A_1015 : i32
      %dma_start3A_1017 = arith.constant 128 : i32
      %dma_start3A_1018 = tpu.memref_slice %arg6[%mul3A_1016, %dma_start3A_1017] : memref<262144x384xf32, #tpu.memory_space<hbm>> -> memref<128x128xf32, #tpu.memory_space<hbm>>
      %dma_start3A_1019 = arith.constant 128 : i32
      %dma_start3A_1020 = tpu.memref_slice %arg6[%mul3A_1016, %dma_start3A_1019] : memref<262144x384xf32, #tpu.memory_space<hbm>> -> memref<128x128xf32, #tpu.memory_space<hbm>>
      tpu.enqueue_dma source(%arg10 : memref<128x128xf32, #tpu.memory_space<vmem>>) target(%dma_start3A_1020 : memref<128x128xf32, #tpu.memory_space<hbm>>) target_semaphore(%arg21 : memref<!tpu.dma_semaphore, #tpu.memory_space<semaphore_mem>>)
      %mul3A_1021 = arith.constant 4 : i32
      %mul3A_1022 = arith.muli %mul3A_1021, %scan3A_824 : i32
      %add3A_1023 = arith.constant 1 : i32
      %add3A_1024 = arith.addi %mul3A_1022, %add3A_1023 : i32
      %mul3A_1025 = arith.constant 64 : i32
      %mul3A_1026 = arith.muli %add3A, %mul3A_1025 : i32
      %add3A_1027 = arith.addi %mul3A_1026, %add3A_1024 : i32
      %mul3A_1028 = arith.constant 128 : i32
      %mul3A_1029 = arith.muli %add3A_1027, %mul3A_1028 : i32
      %dma_wait3A_1030 = arith.constant 0 : i32
      %dma_wait3A_1031 = tpu.memref_slice %arg6[%mul3A_1029, %dma_wait3A_1030] : memref<262144x384xf32, #tpu.memory_space<hbm>> -> memref<128x128xf32, #tpu.memory_space<hbm>>
      %dma_wait3A_1032 = arith.constant 0 : i32
      %dma_wait3A_1033 = tpu.memref_slice %arg6[%mul3A_1029, %dma_wait3A_1032] : memref<262144x384xf32, #tpu.memory_space<hbm>> -> memref<128x128xf32, #tpu.memory_space<hbm>>
      tpu.wait_dma2 semaphore(%arg24 : memref<!tpu.dma_semaphore, #tpu.memory_space<semaphore_mem>>) src(%arg13 : memref<128x128xf32, #tpu.memory_space<vmem>>) dst(%dma_wait3A_1033 : memref<128x128xf32, #tpu.memory_space<hbm>>)
      %add3A_1034 = arith.constant 0 : i32
      %add3A_1035 = arith.addi %scan3A_824, %add3A_1034 : i32
      %mul3A_1036 = arith.constant 4 : i32
      %mul3A_1037 = arith.muli %mul3A_1036, %add3A_1035 : i32
      %add3A_1038 = arith.constant 2 : i32
      %add3A_1039 = arith.addi %mul3A_1037, %add3A_1038 : i32
      %dma_start3A_1040 = arith.constant 0 : i32
      %dma_start3A_1041 = tpu.memref_slice %arg8[%add3A_1039, %dma_start3A_1040] : memref<64x128xi32, #tpu.memory_space<vmem>> -> memref<1x128xi32, #tpu.memory_space<vmem>>
      %dma_start3A_1042 = tpu.memref_squeeze %dma_start3A_1041 : memref<1x128xi32, #tpu.memory_space<vmem>> -> memref<128xi32, #tpu.memory_space<vmem>>
      %dma_start3A_1043 = arith.constant 0 : i32
      %dma_start3A_1044 = arith.constant 0 : i32
      %dma_start3A_1045 = tpu.memref_slice %arg15[%dma_start3A_1043, %dma_start3A_1044] : memref<512x128xf32, #tpu.memory_space<vmem_shared>> -> memref<512x128xf32, #tpu.memory_space<vmem_shared>>
      tpu.enqueue_indirect_dma source(%dma_start3A_1045 : memref<512x128xf32, #tpu.memory_space<vmem_shared>>) target(%arg13 : memref<128x128xf32, #tpu.memory_space<vmem>>) offsets(%dma_start3A_1042 : memref<128xi32, #tpu.memory_space<vmem>>) semaphore(%arg20 : memref<!tpu.dma_semaphore, #tpu.memory_space<semaphore_mem>>)
      %mul3A_1046 = arith.constant 4 : i32
      %mul3A_1047 = arith.muli %mul3A_1046, %scan3A_824 : i32
      %add3A_1048 = arith.constant 1 : i32
      %add3A_1049 = arith.addi %mul3A_1047, %add3A_1048 : i32
      %dma_wait3A_1050 = arith.constant 0 : i32
      %dma_wait3A_1051 = tpu.memref_slice %arg9[%add3A_1049, %dma_wait3A_1050] : memref<64x128xi32, #tpu.memory_space<vmem>> -> memref<1x128xi32, #tpu.memory_space<vmem>>
      %dma_wait3A_1052 = tpu.memref_squeeze %dma_wait3A_1051 : memref<1x128xi32, #tpu.memory_space<vmem>> -> memref<128xi32, #tpu.memory_space<vmem>>
      %dma_wait3A_1053 = arith.constant 0 : i32
      %dma_wait3A_1054 = arith.constant 0 : i32
      %dma_wait3A_1055 = tpu.memref_slice %arg16[%dma_wait3A_1053, %dma_wait3A_1054] : memref<512x128xf32, #tpu.memory_space<vmem_shared>> -> memref<512x128xf32, #tpu.memory_space<vmem_shared>>
      tpu.wait_indirect_dma semaphore(%arg18 : memref<!tpu.dma_semaphore, #tpu.memory_space<semaphore_mem>>) src(%dma_wait3A_1055 : memref<512x128xf32, #tpu.memory_space<vmem_shared>>) dst(%arg11 : memref<128x128xf32, #tpu.memory_space<vmem>>)
      %mul3A_1056 = arith.constant 64 : i32
      %mul3A_1057 = arith.muli %add3A, %mul3A_1056 : i32
      %add3A_1058 = arith.addi %mul3A_1057, %add3A_1049 : i32
      %mul3A_1059 = arith.constant 128 : i32
      %mul3A_1060 = arith.muli %add3A_1058, %mul3A_1059 : i32
      %dma_start3A_1061 = arith.constant 256 : i32
      %dma_start3A_1062 = tpu.memref_slice %arg6[%mul3A_1060, %dma_start3A_1061] : memref<262144x384xf32, #tpu.memory_space<hbm>> -> memref<128x128xf32, #tpu.memory_space<hbm>>
      %dma_start3A_1063 = arith.constant 256 : i32
      %dma_start3A_1064 = tpu.memref_slice %arg6[%mul3A_1060, %dma_start3A_1063] : memref<262144x384xf32, #tpu.memory_space<hbm>> -> memref<128x128xf32, #tpu.memory_space<hbm>>
      tpu.enqueue_dma source(%arg11 : memref<128x128xf32, #tpu.memory_space<vmem>>) target(%dma_start3A_1064 : memref<128x128xf32, #tpu.memory_space<hbm>>) target_semaphore(%arg22 : memref<!tpu.dma_semaphore, #tpu.memory_space<semaphore_mem>>)
      %mul3A_1065 = arith.constant 4 : i32
      %mul3A_1066 = arith.muli %mul3A_1065, %scan3A_824 : i32
      %add3A_1067 = arith.constant 1 : i32
      %add3A_1068 = arith.addi %mul3A_1066, %add3A_1067 : i32
      %mul3A_1069 = arith.constant 64 : i32
      %mul3A_1070 = arith.muli %add3A, %mul3A_1069 : i32
      %add3A_1071 = arith.addi %mul3A_1070, %add3A_1068 : i32
      %mul3A_1072 = arith.constant 128 : i32
      %mul3A_1073 = arith.muli %add3A_1071, %mul3A_1072 : i32
      %dma_wait3A_1074 = arith.constant 128 : i32
      %dma_wait3A_1075 = tpu.memref_slice %arg6[%mul3A_1073, %dma_wait3A_1074] : memref<262144x384xf32, #tpu.memory_space<hbm>> -> memref<128x128xf32, #tpu.memory_space<hbm>>
      %dma_wait3A_1076 = arith.constant 128 : i32
      %dma_wait3A_1077 = tpu.memref_slice %arg6[%mul3A_1073, %dma_wait3A_1076] : memref<262144x384xf32, #tpu.memory_space<hbm>> -> memref<128x128xf32, #tpu.memory_space<hbm>>
      tpu.wait_dma2 semaphore(%arg21 : memref<!tpu.dma_semaphore, #tpu.memory_space<semaphore_mem>>) src(%arg10 : memref<128x128xf32, #tpu.memory_space<vmem>>) dst(%dma_wait3A_1077 : memref<128x128xf32, #tpu.memory_space<hbm>>)
      %add3A_1078 = arith.constant 0 : i32
      %add3A_1079 = arith.addi %scan3A_824, %add3A_1078 : i32
      %mul3A_1080 = arith.constant 4 : i32
      %mul3A_1081 = arith.muli %mul3A_1080, %add3A_1079 : i32
      %add3A_1082 = arith.constant 2 : i32
      %add3A_1083 = arith.addi %mul3A_1081, %add3A_1082 : i32
      %dma_start3A_1084 = arith.constant 0 : i32
      %dma_start3A_1085 = tpu.memref_slice %arg9[%add3A_1083, %dma_start3A_1084] : memref<64x128xi32, #tpu.memory_space<vmem>> -> memref<1x128xi32, #tpu.memory_space<vmem>>
      %dma_start3A_1086 = tpu.memref_squeeze %dma_start3A_1085 : memref<1x128xi32, #tpu.memory_space<vmem>> -> memref<128xi32, #tpu.memory_space<vmem>>
      %dma_start3A_1087 = arith.constant 0 : i32
      %dma_start3A_1088 = arith.constant 0 : i32
      %dma_start3A_1089 = tpu.memref_slice %arg16[%dma_start3A_1087, %dma_start3A_1088] : memref<512x128xf32, #tpu.memory_space<vmem_shared>> -> memref<512x128xf32, #tpu.memory_space<vmem_shared>>
      tpu.enqueue_indirect_dma source(%dma_start3A_1089 : memref<512x128xf32, #tpu.memory_space<vmem_shared>>) target(%arg10 : memref<128x128xf32, #tpu.memory_space<vmem>>) offsets(%dma_start3A_1086 : memref<128xi32, #tpu.memory_space<vmem>>) semaphore(%arg17 : memref<!tpu.dma_semaphore, #tpu.memory_space<semaphore_mem>>)
      %mul3A_1090 = arith.constant 4 : i32
      %mul3A_1091 = arith.muli %mul3A_1090, %scan3A_824 : i32
      %add3A_1092 = arith.constant 2 : i32
      %add3A_1093 = arith.addi %mul3A_1091, %add3A_1092 : i32
      %dma_wait3A_1094 = arith.constant 0 : i32
      %dma_wait3A_1095 = tpu.memref_slice %arg7[%add3A_1093, %dma_wait3A_1094] : memref<64x128xi32, #tpu.memory_space<vmem>> -> memref<1x128xi32, #tpu.memory_space<vmem>>
      %dma_wait3A_1096 = tpu.memref_squeeze %dma_wait3A_1095 : memref<1x128xi32, #tpu.memory_space<vmem>> -> memref<128xi32, #tpu.memory_space<vmem>>
      %dma_wait3A_1097 = arith.constant 0 : i32
      %dma_wait3A_1098 = arith.constant 0 : i32
      %dma_wait3A_1099 = tpu.memref_slice %arg14[%dma_wait3A_1097, %dma_wait3A_1098] : memref<512x128xf32, #tpu.memory_space<vmem_shared>> -> memref<512x128xf32, #tpu.memory_space<vmem_shared>>
      tpu.wait_indirect_dma semaphore(%arg19 : memref<!tpu.dma_semaphore, #tpu.memory_space<semaphore_mem>>) src(%dma_wait3A_1099 : memref<512x128xf32, #tpu.memory_space<vmem_shared>>) dst(%arg12 : memref<128x128xf32, #tpu.memory_space<vmem>>)
      %mul3A_1100 = arith.constant 64 : i32
      %mul3A_1101 = arith.muli %add3A, %mul3A_1100 : i32
      %add3A_1102 = arith.addi %mul3A_1101, %add3A_1093 : i32
      %mul3A_1103 = arith.constant 128 : i32
      %mul3A_1104 = arith.muli %add3A_1102, %mul3A_1103 : i32
      %dma_start3A_1105 = arith.constant 0 : i32
      %dma_start3A_1106 = tpu.memref_slice %arg6[%mul3A_1104, %dma_start3A_1105] : memref<262144x384xf32, #tpu.memory_space<hbm>> -> memref<128x128xf32, #tpu.memory_space<hbm>>
      %dma_start3A_1107 = arith.constant 0 : i32
      %dma_start3A_1108 = tpu.memref_slice %arg6[%mul3A_1104, %dma_start3A_1107] : memref<262144x384xf32, #tpu.memory_space<hbm>> -> memref<128x128xf32, #tpu.memory_space<hbm>>
      tpu.enqueue_dma source(%arg12 : memref<128x128xf32, #tpu.memory_space<vmem>>) target(%dma_start3A_1108 : memref<128x128xf32, #tpu.memory_space<hbm>>) target_semaphore(%arg23 : memref<!tpu.dma_semaphore, #tpu.memory_space<semaphore_mem>>)
      %mul3A_1109 = arith.constant 4 : i32
      %mul3A_1110 = arith.muli %mul3A_1109, %scan3A_824 : i32
      %add3A_1111 = arith.constant 1 : i32
      %add3A_1112 = arith.addi %mul3A_1110, %add3A_1111 : i32
      %mul3A_1113 = arith.constant 64 : i32
      %mul3A_1114 = arith.muli %add3A, %mul3A_1113 : i32
      %add3A_1115 = arith.addi %mul3A_1114, %add3A_1112 : i32
      %mul3A_1116 = arith.constant 128 : i32
      %mul3A_1117 = arith.muli %add3A_1115, %mul3A_1116 : i32
      %dma_wait3A_1118 = arith.constant 256 : i32
      %dma_wait3A_1119 = tpu.memref_slice %arg6[%mul3A_1117, %dma_wait3A_1118] : memref<262144x384xf32, #tpu.memory_space<hbm>> -> memref<128x128xf32, #tpu.memory_space<hbm>>
      %dma_wait3A_1120 = arith.constant 256 : i32
      %dma_wait3A_1121 = tpu.memref_slice %arg6[%mul3A_1117, %dma_wait3A_1120] : memref<262144x384xf32, #tpu.memory_space<hbm>> -> memref<128x128xf32, #tpu.memory_space<hbm>>
      tpu.wait_dma2 semaphore(%arg22 : memref<!tpu.dma_semaphore, #tpu.memory_space<semaphore_mem>>) src(%arg11 : memref<128x128xf32, #tpu.memory_space<vmem>>) dst(%dma_wait3A_1121 : memref<128x128xf32, #tpu.memory_space<hbm>>)
      %add3A_1122 = arith.constant 0 : i32
      %add3A_1123 = arith.addi %scan3A_824, %add3A_1122 : i32
      %mul3A_1124 = arith.constant 4 : i32
      %mul3A_1125 = arith.muli %mul3A_1124, %add3A_1123 : i32
      %add3A_1126 = arith.constant 3 : i32
      %add3A_1127 = arith.addi %mul3A_1125, %add3A_1126 : i32
      %dma_start3A_1128 = arith.constant 0 : i32
      %dma_start3A_1129 = tpu.memref_slice %arg7[%add3A_1127, %dma_start3A_1128] : memref<64x128xi32, #tpu.memory_space<vmem>> -> memref<1x128xi32, #tpu.memory_space<vmem>>
      %dma_start3A_1130 = tpu.memref_squeeze %dma_start3A_1129 : memref<1x128xi32, #tpu.memory_space<vmem>> -> memref<128xi32, #tpu.memory_space<vmem>>
      %dma_start3A_1131 = arith.constant 0 : i32
      %dma_start3A_1132 = arith.constant 0 : i32
      %dma_start3A_1133 = tpu.memref_slice %arg14[%dma_start3A_1131, %dma_start3A_1132] : memref<512x128xf32, #tpu.memory_space<vmem_shared>> -> memref<512x128xf32, #tpu.memory_space<vmem_shared>>
      tpu.enqueue_indirect_dma source(%dma_start3A_1133 : memref<512x128xf32, #tpu.memory_space<vmem_shared>>) target(%arg11 : memref<128x128xf32, #tpu.memory_space<vmem>>) offsets(%dma_start3A_1130 : memref<128xi32, #tpu.memory_space<vmem>>) semaphore(%arg18 : memref<!tpu.dma_semaphore, #tpu.memory_space<semaphore_mem>>)
      %mul3A_1134 = arith.constant 4 : i32
      %mul3A_1135 = arith.muli %mul3A_1134, %scan3A_824 : i32
      %add3A_1136 = arith.constant 2 : i32
      %add3A_1137 = arith.addi %mul3A_1135, %add3A_1136 : i32
      %dma_wait3A_1138 = arith.constant 0 : i32
      %dma_wait3A_1139 = tpu.memref_slice %arg8[%add3A_1137, %dma_wait3A_1138] : memref<64x128xi32, #tpu.memory_space<vmem>> -> memref<1x128xi32, #tpu.memory_space<vmem>>
      %dma_wait3A_1140 = tpu.memref_squeeze %dma_wait3A_1139 : memref<1x128xi32, #tpu.memory_space<vmem>> -> memref<128xi32, #tpu.memory_space<vmem>>
      %dma_wait3A_1141 = arith.constant 0 : i32
      %dma_wait3A_1142 = arith.constant 0 : i32
      %dma_wait3A_1143 = tpu.memref_slice %arg15[%dma_wait3A_1141, %dma_wait3A_1142] : memref<512x128xf32, #tpu.memory_space<vmem_shared>> -> memref<512x128xf32, #tpu.memory_space<vmem_shared>>
      tpu.wait_indirect_dma semaphore(%arg20 : memref<!tpu.dma_semaphore, #tpu.memory_space<semaphore_mem>>) src(%dma_wait3A_1143 : memref<512x128xf32, #tpu.memory_space<vmem_shared>>) dst(%arg13 : memref<128x128xf32, #tpu.memory_space<vmem>>)
      %mul3A_1144 = arith.constant 64 : i32
      %mul3A_1145 = arith.muli %add3A, %mul3A_1144 : i32
      %add3A_1146 = arith.addi %mul3A_1145, %add3A_1137 : i32
      %mul3A_1147 = arith.constant 128 : i32
      %mul3A_1148 = arith.muli %add3A_1146, %mul3A_1147 : i32
      %dma_start3A_1149 = arith.constant 128 : i32
      %dma_start3A_1150 = tpu.memref_slice %arg6[%mul3A_1148, %dma_start3A_1149] : memref<262144x384xf32, #tpu.memory_space<hbm>> -> memref<128x128xf32, #tpu.memory_space<hbm>>
      %dma_start3A_1151 = arith.constant 128 : i32
      %dma_start3A_1152 = tpu.memref_slice %arg6[%mul3A_1148, %dma_start3A_1151] : memref<262144x384xf32, #tpu.memory_space<hbm>> -> memref<128x128xf32, #tpu.memory_space<hbm>>
      tpu.enqueue_dma source(%arg13 : memref<128x128xf32, #tpu.memory_space<vmem>>) target(%dma_start3A_1152 : memref<128x128xf32, #tpu.memory_space<hbm>>) target_semaphore(%arg24 : memref<!tpu.dma_semaphore, #tpu.memory_space<semaphore_mem>>)
      %mul3A_1153 = arith.constant 4 : i32
      %mul3A_1154 = arith.muli %mul3A_1153, %scan3A_824 : i32
      %add3A_1155 = arith.constant 2 : i32
      %add3A_1156 = arith.addi %mul3A_1154, %add3A_1155 : i32
      %mul3A_1157 = arith.constant 64 : i32
      %mul3A_1158 = arith.muli %add3A, %mul3A_1157 : i32
      %add3A_1159 = arith.addi %mul3A_1158, %add3A_1156 : i32
      %mul3A_1160 = arith.constant 128 : i32
      %mul3A_1161 = arith.muli %add3A_1159, %mul3A_1160 : i32
      %dma_wait3A_1162 = arith.constant 0 : i32
      %dma_wait3A_1163 = tpu.memref_slice %arg6[%mul3A_1161, %dma_wait3A_1162] : memref<262144x384xf32, #tpu.memory_space<hbm>> -> memref<128x128xf32, #tpu.memory_space<hbm>>
      %dma_wait3A_1164 = arith.constant 0 : i32
      %dma_wait3A_1165 = tpu.memref_slice %arg6[%mul3A_1161, %dma_wait3A_1164] : memref<262144x384xf32, #tpu.memory_space<hbm>> -> memref<128x128xf32, #tpu.memory_space<hbm>>
      tpu.wait_dma2 semaphore(%arg23 : memref<!tpu.dma_semaphore, #tpu.memory_space<semaphore_mem>>) src(%arg12 : memref<128x128xf32, #tpu.memory_space<vmem>>) dst(%dma_wait3A_1165 : memref<128x128xf32, #tpu.memory_space<hbm>>)
      %add3A_1166 = arith.constant 0 : i32
      %add3A_1167 = arith.addi %scan3A_824, %add3A_1166 : i32
      %mul3A_1168 = arith.constant 4 : i32
      %mul3A_1169 = arith.muli %mul3A_1168, %add3A_1167 : i32
      %add3A_1170 = arith.constant 3 : i32
      %add3A_1171 = arith.addi %mul3A_1169, %add3A_1170 : i32
      %dma_start3A_1172 = arith.constant 0 : i32
      %dma_start3A_1173 = tpu.memref_slice %arg8[%add3A_1171, %dma_start3A_1172] : memref<64x128xi32, #tpu.memory_space<vmem>> -> memref<1x128xi32, #tpu.memory_space<vmem>>
      %dma_start3A_1174 = tpu.memref_squeeze %dma_start3A_1173 : memref<1x128xi32, #tpu.memory_space<vmem>> -> memref<128xi32, #tpu.memory_space<vmem>>
      %dma_start3A_1175 = arith.constant 0 : i32
      %dma_start3A_1176 = arith.constant 0 : i32
      %dma_start3A_1177 = tpu.memref_slice %arg15[%dma_start3A_1175, %dma_start3A_1176] : memref<512x128xf32, #tpu.memory_space<vmem_shared>> -> memref<512x128xf32, #tpu.memory_space<vmem_shared>>
      tpu.enqueue_indirect_dma source(%dma_start3A_1177 : memref<512x128xf32, #tpu.memory_space<vmem_shared>>) target(%arg12 : memref<128x128xf32, #tpu.memory_space<vmem>>) offsets(%dma_start3A_1174 : memref<128xi32, #tpu.memory_space<vmem>>) semaphore(%arg19 : memref<!tpu.dma_semaphore, #tpu.memory_space<semaphore_mem>>)
      %mul3A_1178 = arith.constant 4 : i32
      %mul3A_1179 = arith.muli %mul3A_1178, %scan3A_824 : i32
      %add3A_1180 = arith.constant 2 : i32
      %add3A_1181 = arith.addi %mul3A_1179, %add3A_1180 : i32
      %dma_wait3A_1182 = arith.constant 0 : i32
      %dma_wait3A_1183 = tpu.memref_slice %arg9[%add3A_1181, %dma_wait3A_1182] : memref<64x128xi32, #tpu.memory_space<vmem>> -> memref<1x128xi32, #tpu.memory_space<vmem>>
      %dma_wait3A_1184 = tpu.memref_squeeze %dma_wait3A_1183 : memref<1x128xi32, #tpu.memory_space<vmem>> -> memref<128xi32, #tpu.memory_space<vmem>>
      %dma_wait3A_1185 = arith.constant 0 : i32
      %dma_wait3A_1186 = arith.constant 0 : i32
      %dma_wait3A_1187 = tpu.memref_slice %arg16[%dma_wait3A_1185, %dma_wait3A_1186] : memref<512x128xf32, #tpu.memory_space<vmem_shared>> -> memref<512x128xf32, #tpu.memory_space<vmem_shared>>
      tpu.wait_indirect_dma semaphore(%arg17 : memref<!tpu.dma_semaphore, #tpu.memory_space<semaphore_mem>>) src(%dma_wait3A_1187 : memref<512x128xf32, #tpu.memory_space<vmem_shared>>) dst(%arg10 : memref<128x128xf32, #tpu.memory_space<vmem>>)
      %mul3A_1188 = arith.constant 64 : i32
      %mul3A_1189 = arith.muli %add3A, %mul3A_1188 : i32
      %add3A_1190 = arith.addi %mul3A_1189, %add3A_1181 : i32
      %mul3A_1191 = arith.constant 128 : i32
      %mul3A_1192 = arith.muli %add3A_1190, %mul3A_1191 : i32
      %dma_start3A_1193 = arith.constant 256 : i32
      %dma_start3A_1194 = tpu.memref_slice %arg6[%mul3A_1192, %dma_start3A_1193] : memref<262144x384xf32, #tpu.memory_space<hbm>> -> memref<128x128xf32, #tpu.memory_space<hbm>>
      %dma_start3A_1195 = arith.constant 256 : i32
      %dma_start3A_1196 = tpu.memref_slice %arg6[%mul3A_1192, %dma_start3A_1195] : memref<262144x384xf32, #tpu.memory_space<hbm>> -> memref<128x128xf32, #tpu.memory_space<hbm>>
      tpu.enqueue_dma source(%arg10 : memref<128x128xf32, #tpu.memory_space<vmem>>) target(%dma_start3A_1196 : memref<128x128xf32, #tpu.memory_space<hbm>>) target_semaphore(%arg21 : memref<!tpu.dma_semaphore, #tpu.memory_space<semaphore_mem>>)
      %mul3A_1197 = arith.constant 4 : i32
      %mul3A_1198 = arith.muli %mul3A_1197, %scan3A_824 : i32
      %add3A_1199 = arith.constant 2 : i32
      %add3A_1200 = arith.addi %mul3A_1198, %add3A_1199 : i32
      %mul3A_1201 = arith.constant 64 : i32
      %mul3A_1202 = arith.muli %add3A, %mul3A_1201 : i32
      %add3A_1203 = arith.addi %mul3A_1202, %add3A_1200 : i32
      %mul3A_1204 = arith.constant 128 : i32
      %mul3A_1205 = arith.muli %add3A_1203, %mul3A_1204 : i32
      %dma_wait3A_1206 = arith.constant 128 : i32
      %dma_wait3A_1207 = tpu.memref_slice %arg6[%mul3A_1205, %dma_wait3A_1206] : memref<262144x384xf32, #tpu.memory_space<hbm>> -> memref<128x128xf32, #tpu.memory_space<hbm>>
      %dma_wait3A_1208 = arith.constant 128 : i32
      %dma_wait3A_1209 = tpu.memref_slice %arg6[%mul3A_1205, %dma_wait3A_1208] : memref<262144x384xf32, #tpu.memory_space<hbm>> -> memref<128x128xf32, #tpu.memory_space<hbm>>
      tpu.wait_dma2 semaphore(%arg24 : memref<!tpu.dma_semaphore, #tpu.memory_space<semaphore_mem>>) src(%arg13 : memref<128x128xf32, #tpu.memory_space<vmem>>) dst(%dma_wait3A_1209 : memref<128x128xf32, #tpu.memory_space<hbm>>)
      %add3A_1210 = arith.constant 0 : i32
      %add3A_1211 = arith.addi %scan3A_824, %add3A_1210 : i32
      %mul3A_1212 = arith.constant 4 : i32
      %mul3A_1213 = arith.muli %mul3A_1212, %add3A_1211 : i32
      %add3A_1214 = arith.constant 3 : i32
      %add3A_1215 = arith.addi %mul3A_1213, %add3A_1214 : i32
      %dma_start3A_1216 = arith.constant 0 : i32
      %dma_start3A_1217 = tpu.memref_slice %arg9[%add3A_1215, %dma_start3A_1216] : memref<64x128xi32, #tpu.memory_space<vmem>> -> memref<1x128xi32, #tpu.memory_space<vmem>>
      %dma_start3A_1218 = tpu.memref_squeeze %dma_start3A_1217 : memref<1x128xi32, #tpu.memory_space<vmem>> -> memref<128xi32, #tpu.memory_space<vmem>>
      %dma_start3A_1219 = arith.constant 0 : i32
      %dma_start3A_1220 = arith.constant 0 : i32
      %dma_start3A_1221 = tpu.memref_slice %arg16[%dma_start3A_1219, %dma_start3A_1220] : memref<512x128xf32, #tpu.memory_space<vmem_shared>> -> memref<512x128xf32, #tpu.memory_space<vmem_shared>>
      tpu.enqueue_indirect_dma source(%dma_start3A_1221 : memref<512x128xf32, #tpu.memory_space<vmem_shared>>) target(%arg13 : memref<128x128xf32, #tpu.memory_space<vmem>>) offsets(%dma_start3A_1218 : memref<128xi32, #tpu.memory_space<vmem>>) semaphore(%arg20 : memref<!tpu.dma_semaphore, #tpu.memory_space<semaphore_mem>>)
      %mul3A_1222 = arith.constant 4 : i32
      %mul3A_1223 = arith.muli %mul3A_1222, %scan3A_824 : i32
      %add3A_1224 = arith.constant 3 : i32
      %add3A_1225 = arith.addi %mul3A_1223, %add3A_1224 : i32
      %dma_wait3A_1226 = arith.constant 0 : i32
      %dma_wait3A_1227 = tpu.memref_slice %arg7[%add3A_1225, %dma_wait3A_1226] : memref<64x128xi32, #tpu.memory_space<vmem>> -> memref<1x128xi32, #tpu.memory_space<vmem>>
      %dma_wait3A_1228 = tpu.memref_squeeze %dma_wait3A_1227 : memref<1x128xi32, #tpu.memory_space<vmem>> -> memref<128xi32, #tpu.memory_space<vmem>>
      %dma_wait3A_1229 = arith.constant 0 : i32
      %dma_wait3A_1230 = arith.constant 0 : i32
      %dma_wait3A_1231 = tpu.memref_slice %arg14[%dma_wait3A_1229, %dma_wait3A_1230] : memref<512x128xf32, #tpu.memory_space<vmem_shared>> -> memref<512x128xf32, #tpu.memory_space<vmem_shared>>
      tpu.wait_indirect_dma semaphore(%arg18 : memref<!tpu.dma_semaphore, #tpu.memory_space<semaphore_mem>>) src(%dma_wait3A_1231 : memref<512x128xf32, #tpu.memory_space<vmem_shared>>) dst(%arg11 : memref<128x128xf32, #tpu.memory_space<vmem>>)
      %mul3A_1232 = arith.constant 64 : i32
      %mul3A_1233 = arith.muli %add3A, %mul3A_1232 : i32
      %add3A_1234 = arith.addi %mul3A_1233, %add3A_1225 : i32
      %mul3A_1235 = arith.constant 128 : i32
      %mul3A_1236 = arith.muli %add3A_1234, %mul3A_1235 : i32
      %dma_start3A_1237 = arith.constant 0 : i32
      %dma_start3A_1238 = tpu.memref_slice %arg6[%mul3A_1236, %dma_start3A_1237] : memref<262144x384xf32, #tpu.memory_space<hbm>> -> memref<128x128xf32, #tpu.memory_space<hbm>>
      %dma_start3A_1239 = arith.constant 0 : i32
      %dma_start3A_1240 = tpu.memref_slice %arg6[%mul3A_1236, %dma_start3A_1239] : memref<262144x384xf32, #tpu.memory_space<hbm>> -> memref<128x128xf32, #tpu.memory_space<hbm>>
      tpu.enqueue_dma source(%arg11 : memref<128x128xf32, #tpu.memory_space<vmem>>) target(%dma_start3A_1240 : memref<128x128xf32, #tpu.memory_space<hbm>>) target_semaphore(%arg22 : memref<!tpu.dma_semaphore, #tpu.memory_space<semaphore_mem>>)
      %mul3A_1241 = arith.constant 4 : i32
      %mul3A_1242 = arith.muli %mul3A_1241, %scan3A_824 : i32
      %add3A_1243 = arith.constant 2 : i32
      %add3A_1244 = arith.addi %mul3A_1242, %add3A_1243 : i32
      %mul3A_1245 = arith.constant 64 : i32
      %mul3A_1246 = arith.muli %add3A, %mul3A_1245 : i32
      %add3A_1247 = arith.addi %mul3A_1246, %add3A_1244 : i32
      %mul3A_1248 = arith.constant 128 : i32
      %mul3A_1249 = arith.muli %add3A_1247, %mul3A_1248 : i32
      %dma_wait3A_1250 = arith.constant 256 : i32
      %dma_wait3A_1251 = tpu.memref_slice %arg6[%mul3A_1249, %dma_wait3A_1250] : memref<262144x384xf32, #tpu.memory_space<hbm>> -> memref<128x128xf32, #tpu.memory_space<hbm>>
      %dma_wait3A_1252 = arith.constant 256 : i32
      %dma_wait3A_1253 = tpu.memref_slice %arg6[%mul3A_1249, %dma_wait3A_1252] : memref<262144x384xf32, #tpu.memory_space<hbm>> -> memref<128x128xf32, #tpu.memory_space<hbm>>
      tpu.wait_dma2 semaphore(%arg21 : memref<!tpu.dma_semaphore, #tpu.memory_space<semaphore_mem>>) src(%arg10 : memref<128x128xf32, #tpu.memory_space<vmem>>) dst(%dma_wait3A_1253 : memref<128x128xf32, #tpu.memory_space<hbm>>)
      %add3A_1254 = arith.constant 1 : i32
      %add3A_1255 = arith.addi %scan3A_824, %add3A_1254 : i32
      %mul3A_1256 = arith.constant 4 : i32
      %mul3A_1257 = arith.muli %mul3A_1256, %add3A_1255 : i32
      %add3A_1258 = arith.constant 0 : i32
      %add3A_1259 = arith.addi %mul3A_1257, %add3A_1258 : i32
      %dma_start3A_1260 = arith.constant 0 : i32
      %dma_start3A_1261 = tpu.memref_slice %arg7[%add3A_1259, %dma_start3A_1260] : memref<64x128xi32, #tpu.memory_space<vmem>> -> memref<1x128xi32, #tpu.memory_space<vmem>>
      %dma_start3A_1262 = tpu.memref_squeeze %dma_start3A_1261 : memref<1x128xi32, #tpu.memory_space<vmem>> -> memref<128xi32, #tpu.memory_space<vmem>>
      %dma_start3A_1263 = arith.constant 0 : i32
      %dma_start3A_1264 = arith.constant 0 : i32
      %dma_start3A_1265 = tpu.memref_slice %arg14[%dma_start3A_1263, %dma_start3A_1264] : memref<512x128xf32, #tpu.memory_space<vmem_shared>> -> memref<512x128xf32, #tpu.memory_space<vmem_shared>>
      tpu.enqueue_indirect_dma source(%dma_start3A_1265 : memref<512x128xf32, #tpu.memory_space<vmem_shared>>) target(%arg10 : memref<128x128xf32, #tpu.memory_space<vmem>>) offsets(%dma_start3A_1262 : memref<128xi32, #tpu.memory_space<vmem>>) semaphore(%arg17 : memref<!tpu.dma_semaphore, #tpu.memory_space<semaphore_mem>>)
      %mul3A_1266 = arith.constant 4 : i32
      %mul3A_1267 = arith.muli %mul3A_1266, %scan3A_824 : i32
      %add3A_1268 = arith.constant 3 : i32
      %add3A_1269 = arith.addi %mul3A_1267, %add3A_1268 : i32
      %dma_wait3A_1270 = arith.constant 0 : i32
      %dma_wait3A_1271 = tpu.memref_slice %arg8[%add3A_1269, %dma_wait3A_1270] : memref<64x128xi32, #tpu.memory_space<vmem>> -> memref<1x128xi32, #tpu.memory_space<vmem>>
      %dma_wait3A_1272 = tpu.memref_squeeze %dma_wait3A_1271 : memref<1x128xi32, #tpu.memory_space<vmem>> -> memref<128xi32, #tpu.memory_space<vmem>>
      %dma_wait3A_1273 = arith.constant 0 : i32
      %dma_wait3A_1274 = arith.constant 0 : i32
      %dma_wait3A_1275 = tpu.memref_slice %arg15[%dma_wait3A_1273, %dma_wait3A_1274] : memref<512x128xf32, #tpu.memory_space<vmem_shared>> -> memref<512x128xf32, #tpu.memory_space<vmem_shared>>
      tpu.wait_indirect_dma semaphore(%arg19 : memref<!tpu.dma_semaphore, #tpu.memory_space<semaphore_mem>>) src(%dma_wait3A_1275 : memref<512x128xf32, #tpu.memory_space<vmem_shared>>) dst(%arg12 : memref<128x128xf32, #tpu.memory_space<vmem>>)
      %mul3A_1276 = arith.constant 64 : i32
      %mul3A_1277 = arith.muli %add3A, %mul3A_1276 : i32
      %add3A_1278 = arith.addi %mul3A_1277, %add3A_1269 : i32
      %mul3A_1279 = arith.constant 128 : i32
      %mul3A_1280 = arith.muli %add3A_1278, %mul3A_1279 : i32
      %dma_start3A_1281 = arith.constant 128 : i32
      %dma_start3A_1282 = tpu.memref_slice %arg6[%mul3A_1280, %dma_start3A_1281] : memref<262144x384xf32, #tpu.memory_space<hbm>> -> memref<128x128xf32, #tpu.memory_space<hbm>>
      %dma_start3A_1283 = arith.constant 128 : i32
      %dma_start3A_1284 = tpu.memref_slice %arg6[%mul3A_1280, %dma_start3A_1283] : memref<262144x384xf32, #tpu.memory_space<hbm>> -> memref<128x128xf32, #tpu.memory_space<hbm>>
      tpu.enqueue_dma source(%arg12 : memref<128x128xf32, #tpu.memory_space<vmem>>) target(%dma_start3A_1284 : memref<128x128xf32, #tpu.memory_space<hbm>>) target_semaphore(%arg23 : memref<!tpu.dma_semaphore, #tpu.memory_space<semaphore_mem>>)
      %mul3A_1285 = arith.constant 4 : i32
      %mul3A_1286 = arith.muli %mul3A_1285, %scan3A_824 : i32
      %add3A_1287 = arith.constant 3 : i32
      %add3A_1288 = arith.addi %mul3A_1286, %add3A_1287 : i32
      %mul3A_1289 = arith.constant 64 : i32
      %mul3A_1290 = arith.muli %add3A, %mul3A_1289 : i32
      %add3A_1291 = arith.addi %mul3A_1290, %add3A_1288 : i32
      %mul3A_1292 = arith.constant 128 : i32
      %mul3A_1293 = arith.muli %add3A_1291, %mul3A_1292 : i32
      %dma_wait3A_1294 = arith.constant 0 : i32
      %dma_wait3A_1295 = tpu.memref_slice %arg6[%mul3A_1293, %dma_wait3A_1294] : memref<262144x384xf32, #tpu.memory_space<hbm>> -> memref<128x128xf32, #tpu.memory_space<hbm>>
      %dma_wait3A_1296 = arith.constant 0 : i32
      %dma_wait3A_1297 = tpu.memref_slice %arg6[%mul3A_1293, %dma_wait3A_1296] : memref<262144x384xf32, #tpu.memory_space<hbm>> -> memref<128x128xf32, #tpu.memory_space<hbm>>
      tpu.wait_dma2 semaphore(%arg22 : memref<!tpu.dma_semaphore, #tpu.memory_space<semaphore_mem>>) src(%arg11 : memref<128x128xf32, #tpu.memory_space<vmem>>) dst(%dma_wait3A_1297 : memref<128x128xf32, #tpu.memory_space<hbm>>)
      %add3A_1298 = arith.constant 1 : i32
      %add3A_1299 = arith.addi %scan3A_824, %add3A_1298 : i32
      %mul3A_1300 = arith.constant 4 : i32
      %mul3A_1301 = arith.muli %mul3A_1300, %add3A_1299 : i32
      %add3A_1302 = arith.constant 0 : i32
      %add3A_1303 = arith.addi %mul3A_1301, %add3A_1302 : i32
      %dma_start3A_1304 = arith.constant 0 : i32
      %dma_start3A_1305 = tpu.memref_slice %arg8[%add3A_1303, %dma_start3A_1304] : memref<64x128xi32, #tpu.memory_space<vmem>> -> memref<1x128xi32, #tpu.memory_space<vmem>>
      %dma_start3A_1306 = tpu.memref_squeeze %dma_start3A_1305 : memref<1x128xi32, #tpu.memory_space<vmem>> -> memref<128xi32, #tpu.memory_space<vmem>>
      %dma_start3A_1307 = arith.constant 0 : i32
      %dma_start3A_1308 = arith.constant 0 : i32
      %dma_start3A_1309 = tpu.memref_slice %arg15[%dma_start3A_1307, %dma_start3A_1308] : memref<512x128xf32, #tpu.memory_space<vmem_shared>> -> memref<512x128xf32, #tpu.memory_space<vmem_shared>>
      tpu.enqueue_indirect_dma source(%dma_start3A_1309 : memref<512x128xf32, #tpu.memory_space<vmem_shared>>) target(%arg11 : memref<128x128xf32, #tpu.memory_space<vmem>>) offsets(%dma_start3A_1306 : memref<128xi32, #tpu.memory_space<vmem>>) semaphore(%arg18 : memref<!tpu.dma_semaphore, #tpu.memory_space<semaphore_mem>>)
      %mul3A_1310 = arith.constant 4 : i32
      %mul3A_1311 = arith.muli %mul3A_1310, %scan3A_824 : i32
      %add3A_1312 = arith.constant 3 : i32
      %add3A_1313 = arith.addi %mul3A_1311, %add3A_1312 : i32
      %dma_wait3A_1314 = arith.constant 0 : i32
      %dma_wait3A_1315 = tpu.memref_slice %arg9[%add3A_1313, %dma_wait3A_1314] : memref<64x128xi32, #tpu.memory_space<vmem>> -> memref<1x128xi32, #tpu.memory_space<vmem>>
      %dma_wait3A_1316 = tpu.memref_squeeze %dma_wait3A_1315 : memref<1x128xi32, #tpu.memory_space<vmem>> -> memref<128xi32, #tpu.memory_space<vmem>>
      %dma_wait3A_1317 = arith.constant 0 : i32
      %dma_wait3A_1318 = arith.constant 0 : i32
      %dma_wait3A_1319 = tpu.memref_slice %arg16[%dma_wait3A_1317, %dma_wait3A_1318] : memref<512x128xf32, #tpu.memory_space<vmem_shared>> -> memref<512x128xf32, #tpu.memory_space<vmem_shared>>
      tpu.wait_indirect_dma semaphore(%arg20 : memref<!tpu.dma_semaphore, #tpu.memory_space<semaphore_mem>>) src(%dma_wait3A_1319 : memref<512x128xf32, #tpu.memory_space<vmem_shared>>) dst(%arg13 : memref<128x128xf32, #tpu.memory_space<vmem>>)
      %mul3A_1320 = arith.constant 64 : i32
      %mul3A_1321 = arith.muli %add3A, %mul3A_1320 : i32
      %add3A_1322 = arith.addi %mul3A_1321, %add3A_1313 : i32
      %mul3A_1323 = arith.constant 128 : i32
      %mul3A_1324 = arith.muli %add3A_1322, %mul3A_1323 : i32
      %dma_start3A_1325 = arith.constant 256 : i32
      %dma_start3A_1326 = tpu.memref_slice %arg6[%mul3A_1324, %dma_start3A_1325] : memref<262144x384xf32, #tpu.memory_space<hbm>> -> memref<128x128xf32, #tpu.memory_space<hbm>>
      %dma_start3A_1327 = arith.constant 256 : i32
      %dma_start3A_1328 = tpu.memref_slice %arg6[%mul3A_1324, %dma_start3A_1327] : memref<262144x384xf32, #tpu.memory_space<hbm>> -> memref<128x128xf32, #tpu.memory_space<hbm>>
      tpu.enqueue_dma source(%arg13 : memref<128x128xf32, #tpu.memory_space<vmem>>) target(%dma_start3A_1328 : memref<128x128xf32, #tpu.memory_space<hbm>>) target_semaphore(%arg24 : memref<!tpu.dma_semaphore, #tpu.memory_space<semaphore_mem>>)
      %mul3A_1329 = arith.constant 4 : i32
      %mul3A_1330 = arith.muli %mul3A_1329, %scan3A_824 : i32
      %add3A_1331 = arith.constant 3 : i32
      %add3A_1332 = arith.addi %mul3A_1330, %add3A_1331 : i32
      %mul3A_1333 = arith.constant 64 : i32
      %mul3A_1334 = arith.muli %add3A, %mul3A_1333 : i32
      %add3A_1335 = arith.addi %mul3A_1334, %add3A_1332 : i32
      %mul3A_1336 = arith.constant 128 : i32
      %mul3A_1337 = arith.muli %add3A_1335, %mul3A_1336 : i32
      %dma_wait3A_1338 = arith.constant 128 : i32
      %dma_wait3A_1339 = tpu.memref_slice %arg6[%mul3A_1337, %dma_wait3A_1338] : memref<262144x384xf32, #tpu.memory_space<hbm>> -> memref<128x128xf32, #tpu.memory_space<hbm>>
      %dma_wait3A_1340 = arith.constant 128 : i32
      %dma_wait3A_1341 = tpu.memref_slice %arg6[%mul3A_1337, %dma_wait3A_1340] : memref<262144x384xf32, #tpu.memory_space<hbm>> -> memref<128x128xf32, #tpu.memory_space<hbm>>
      tpu.wait_dma2 semaphore(%arg23 : memref<!tpu.dma_semaphore, #tpu.memory_space<semaphore_mem>>) src(%arg12 : memref<128x128xf32, #tpu.memory_space<vmem>>) dst(%dma_wait3A_1341 : memref<128x128xf32, #tpu.memory_space<hbm>>)
      %add3A_1342 = arith.constant 1 : i32
      %add3A_1343 = arith.addi %scan3A_824, %add3A_1342 : i32
      %mul3A_1344 = arith.constant 4 : i32
      %mul3A_1345 = arith.muli %mul3A_1344, %add3A_1343 : i32
      %add3A_1346 = arith.constant 0 : i32
      %add3A_1347 = arith.addi %mul3A_1345, %add3A_1346 : i32
      %dma_start3A_1348 = arith.constant 0 : i32
      %dma_start3A_1349 = tpu.memref_slice %arg9[%add3A_1347, %dma_start3A_1348] : memref<64x128xi32, #tpu.memory_space<vmem>> -> memref<1x128xi32, #tpu.memory_space<vmem>>
      %dma_start3A_1350 = tpu.memref_squeeze %dma_start3A_1349 : memref<1x128xi32, #tpu.memory_space<vmem>> -> memref<128xi32, #tpu.memory_space<vmem>>
      %dma_start3A_1351 = arith.constant 0 : i32
      %dma_start3A_1352 = arith.constant 0 : i32
      %dma_start3A_1353 = tpu.memref_slice %arg16[%dma_start3A_1351, %dma_start3A_1352] : memref<512x128xf32, #tpu.memory_space<vmem_shared>> -> memref<512x128xf32, #tpu.memory_space<vmem_shared>>
      tpu.enqueue_indirect_dma source(%dma_start3A_1353 : memref<512x128xf32, #tpu.memory_space<vmem_shared>>) target(%arg12 : memref<128x128xf32, #tpu.memory_space<vmem>>) offsets(%dma_start3A_1350 : memref<128xi32, #tpu.memory_space<vmem>>) semaphore(%arg19 : memref<!tpu.dma_semaphore, #tpu.memory_space<semaphore_mem>>)
    }
    %scan3A_426 = arith.constant 14 : i32
    %dma_wait3A_427 = arith.constant 60 : i32
    %dma_wait3A_428 = arith.constant 0 : i32
    %dma_wait3A_429 = tpu.memref_slice %arg7[%dma_wait3A_427, %dma_wait3A_428] : memref<64x128xi32, #tpu.memory_space<vmem>> -> memref<1x128xi32, #tpu.memory_space<vmem>>
    %dma_wait3A_430 = tpu.memref_squeeze %dma_wait3A_429 : memref<1x128xi32, #tpu.memory_space<vmem>> -> memref<128xi32, #tpu.memory_space<vmem>>
    %dma_wait3A_431 = arith.constant 0 : i32
    %dma_wait3A_432 = arith.constant 0 : i32
    %dma_wait3A_433 = tpu.memref_slice %arg14[%dma_wait3A_431, %dma_wait3A_432] : memref<512x128xf32, #tpu.memory_space<vmem_shared>> -> memref<512x128xf32, #tpu.memory_space<vmem_shared>>
    tpu.wait_indirect_dma semaphore(%arg17 : memref<!tpu.dma_semaphore, #tpu.memory_space<semaphore_mem>>) src(%dma_wait3A_433 : memref<512x128xf32, #tpu.memory_space<vmem_shared>>) dst(%arg10 : memref<128x128xf32, #tpu.memory_space<vmem>>)
    %mul3A_434 = arith.constant 64 : i32
    %mul3A_435 = arith.muli %add3A, %mul3A_434 : i32
    %add3A_436 = arith.constant 60 : i32
    %add3A_437 = arith.addi %mul3A_435, %add3A_436 : i32
    %mul3A_438 = arith.constant 128 : i32
    %mul3A_439 = arith.muli %add3A_437, %mul3A_438 : i32
    %dma_start3A_440 = arith.constant 0 : i32
    %dma_start3A_441 = tpu.memref_slice %arg6[%mul3A_439, %dma_start3A_440] : memref<262144x384xf32, #tpu.memory_space<hbm>> -> memref<128x128xf32, #tpu.memory_space<hbm>>
    %dma_start3A_442 = arith.constant 0 : i32
    %dma_start3A_443 = tpu.memref_slice %arg6[%mul3A_439, %dma_start3A_442] : memref<262144x384xf32, #tpu.memory_space<hbm>> -> memref<128x128xf32, #tpu.memory_space<hbm>>
    tpu.enqueue_dma source(%arg10 : memref<128x128xf32, #tpu.memory_space<vmem>>) target(%dma_start3A_443 : memref<128x128xf32, #tpu.memory_space<hbm>>) target_semaphore(%arg21 : memref<!tpu.dma_semaphore, #tpu.memory_space<semaphore_mem>>)
    %mul3A_444 = arith.constant 64 : i32
    %mul3A_445 = arith.muli %add3A, %mul3A_444 : i32
    %add3A_446 = arith.constant 59 : i32
    %add3A_447 = arith.addi %mul3A_445, %add3A_446 : i32
    %mul3A_448 = arith.constant 128 : i32
    %mul3A_449 = arith.muli %add3A_447, %mul3A_448 : i32
    %dma_wait3A_450 = arith.constant 256 : i32
    %dma_wait3A_451 = tpu.memref_slice %arg6[%mul3A_449, %dma_wait3A_450] : memref<262144x384xf32, #tpu.memory_space<hbm>> -> memref<128x128xf32, #tpu.memory_space<hbm>>
    %dma_wait3A_452 = arith.constant 256 : i32
    %dma_wait3A_453 = tpu.memref_slice %arg6[%mul3A_449, %dma_wait3A_452] : memref<262144x384xf32, #tpu.memory_space<hbm>> -> memref<128x128xf32, #tpu.memory_space<hbm>>
    tpu.wait_dma2 semaphore(%arg24 : memref<!tpu.dma_semaphore, #tpu.memory_space<semaphore_mem>>) src(%arg13 : memref<128x128xf32, #tpu.memory_space<vmem>>) dst(%dma_wait3A_453 : memref<128x128xf32, #tpu.memory_space<hbm>>)
    %dma_start3A_454 = arith.constant 61 : i32
    %dma_start3A_455 = arith.constant 0 : i32
    %dma_start3A_456 = tpu.memref_slice %arg7[%dma_start3A_454, %dma_start3A_455] : memref<64x128xi32, #tpu.memory_space<vmem>> -> memref<1x128xi32, #tpu.memory_space<vmem>>
    %dma_start3A_457 = tpu.memref_squeeze %dma_start3A_456 : memref<1x128xi32, #tpu.memory_space<vmem>> -> memref<128xi32, #tpu.memory_space<vmem>>
    %dma_start3A_458 = arith.constant 0 : i32
    %dma_start3A_459 = arith.constant 0 : i32
    %dma_start3A_460 = tpu.memref_slice %arg14[%dma_start3A_458, %dma_start3A_459] : memref<512x128xf32, #tpu.memory_space<vmem_shared>> -> memref<512x128xf32, #tpu.memory_space<vmem_shared>>
    tpu.enqueue_indirect_dma source(%dma_start3A_460 : memref<512x128xf32, #tpu.memory_space<vmem_shared>>) target(%arg13 : memref<128x128xf32, #tpu.memory_space<vmem>>) offsets(%dma_start3A_457 : memref<128xi32, #tpu.memory_space<vmem>>) semaphore(%arg20 : memref<!tpu.dma_semaphore, #tpu.memory_space<semaphore_mem>>)
    %dma_wait3A_461 = arith.constant 60 : i32
    %dma_wait3A_462 = arith.constant 0 : i32
    %dma_wait3A_463 = tpu.memref_slice %arg8[%dma_wait3A_461, %dma_wait3A_462] : memref<64x128xi32, #tpu.memory_space<vmem>> -> memref<1x128xi32, #tpu.memory_space<vmem>>
    %dma_wait3A_464 = tpu.memref_squeeze %dma_wait3A_463 : memref<1x128xi32, #tpu.memory_space<vmem>> -> memref<128xi32, #tpu.memory_space<vmem>>
    %dma_wait3A_465 = arith.constant 0 : i32
    %dma_wait3A_466 = arith.constant 0 : i32
    %dma_wait3A_467 = tpu.memref_slice %arg15[%dma_wait3A_465, %dma_wait3A_466] : memref<512x128xf32, #tpu.memory_space<vmem_shared>> -> memref<512x128xf32, #tpu.memory_space<vmem_shared>>
    tpu.wait_indirect_dma semaphore(%arg18 : memref<!tpu.dma_semaphore, #tpu.memory_space<semaphore_mem>>) src(%dma_wait3A_467 : memref<512x128xf32, #tpu.memory_space<vmem_shared>>) dst(%arg11 : memref<128x128xf32, #tpu.memory_space<vmem>>)
    %mul3A_468 = arith.constant 64 : i32
    %mul3A_469 = arith.muli %add3A, %mul3A_468 : i32
    %add3A_470 = arith.constant 60 : i32
    %add3A_471 = arith.addi %mul3A_469, %add3A_470 : i32
    %mul3A_472 = arith.constant 128 : i32
    %mul3A_473 = arith.muli %add3A_471, %mul3A_472 : i32
    %dma_start3A_474 = arith.constant 128 : i32
    %dma_start3A_475 = tpu.memref_slice %arg6[%mul3A_473, %dma_start3A_474] : memref<262144x384xf32, #tpu.memory_space<hbm>> -> memref<128x128xf32, #tpu.memory_space<hbm>>
    %dma_start3A_476 = arith.constant 128 : i32
    %dma_start3A_477 = tpu.memref_slice %arg6[%mul3A_473, %dma_start3A_476] : memref<262144x384xf32, #tpu.memory_space<hbm>> -> memref<128x128xf32, #tpu.memory_space<hbm>>
    tpu.enqueue_dma source(%arg11 : memref<128x128xf32, #tpu.memory_space<vmem>>) target(%dma_start3A_477 : memref<128x128xf32, #tpu.memory_space<hbm>>) target_semaphore(%arg22 : memref<!tpu.dma_semaphore, #tpu.memory_space<semaphore_mem>>)
    %mul3A_478 = arith.constant 64 : i32
    %mul3A_479 = arith.muli %add3A, %mul3A_478 : i32
    %add3A_480 = arith.constant 60 : i32
    %add3A_481 = arith.addi %mul3A_479, %add3A_480 : i32
    %mul3A_482 = arith.constant 128 : i32
    %mul3A_483 = arith.muli %add3A_481, %mul3A_482 : i32
    %dma_wait3A_484 = arith.constant 0 : i32
    %dma_wait3A_485 = tpu.memref_slice %arg6[%mul3A_483, %dma_wait3A_484] : memref<262144x384xf32, #tpu.memory_space<hbm>> -> memref<128x128xf32, #tpu.memory_space<hbm>>
    %dma_wait3A_486 = arith.constant 0 : i32
    %dma_wait3A_487 = tpu.memref_slice %arg6[%mul3A_483, %dma_wait3A_486] : memref<262144x384xf32, #tpu.memory_space<hbm>> -> memref<128x128xf32, #tpu.memory_space<hbm>>
    tpu.wait_dma2 semaphore(%arg21 : memref<!tpu.dma_semaphore, #tpu.memory_space<semaphore_mem>>) src(%arg10 : memref<128x128xf32, #tpu.memory_space<vmem>>) dst(%dma_wait3A_487 : memref<128x128xf32, #tpu.memory_space<hbm>>)
    %dma_start3A_488 = arith.constant 61 : i32
    %dma_start3A_489 = arith.constant 0 : i32
    %dma_start3A_490 = tpu.memref_slice %arg8[%dma_start3A_488, %dma_start3A_489] : memref<64x128xi32, #tpu.memory_space<vmem>> -> memref<1x128xi32, #tpu.memory_space<vmem>>
    %dma_start3A_491 = tpu.memref_squeeze %dma_start3A_490 : memref<1x128xi32, #tpu.memory_space<vmem>> -> memref<128xi32, #tpu.memory_space<vmem>>
    %dma_start3A_492 = arith.constant 0 : i32
    %dma_start3A_493 = arith.constant 0 : i32
    %dma_start3A_494 = tpu.memref_slice %arg15[%dma_start3A_492, %dma_start3A_493] : memref<512x128xf32, #tpu.memory_space<vmem_shared>> -> memref<512x128xf32, #tpu.memory_space<vmem_shared>>
    tpu.enqueue_indirect_dma source(%dma_start3A_494 : memref<512x128xf32, #tpu.memory_space<vmem_shared>>) target(%arg10 : memref<128x128xf32, #tpu.memory_space<vmem>>) offsets(%dma_start3A_491 : memref<128xi32, #tpu.memory_space<vmem>>) semaphore(%arg17 : memref<!tpu.dma_semaphore, #tpu.memory_space<semaphore_mem>>)
    %dma_wait3A_495 = arith.constant 60 : i32
    %dma_wait3A_496 = arith.constant 0 : i32
    %dma_wait3A_497 = tpu.memref_slice %arg9[%dma_wait3A_495, %dma_wait3A_496] : memref<64x128xi32, #tpu.memory_space<vmem>> -> memref<1x128xi32, #tpu.memory_space<vmem>>
    %dma_wait3A_498 = tpu.memref_squeeze %dma_wait3A_497 : memref<1x128xi32, #tpu.memory_space<vmem>> -> memref<128xi32, #tpu.memory_space<vmem>>
    %dma_wait3A_499 = arith.constant 0 : i32
    %dma_wait3A_500 = arith.constant 0 : i32
    %dma_wait3A_501 = tpu.memref_slice %arg16[%dma_wait3A_499, %dma_wait3A_500] : memref<512x128xf32, #tpu.memory_space<vmem_shared>> -> memref<512x128xf32, #tpu.memory_space<vmem_shared>>
    tpu.wait_indirect_dma semaphore(%arg19 : memref<!tpu.dma_semaphore, #tpu.memory_space<semaphore_mem>>) src(%dma_wait3A_501 : memref<512x128xf32, #tpu.memory_space<vmem_shared>>) dst(%arg12 : memref<128x128xf32, #tpu.memory_space<vmem>>)
    %mul3A_502 = arith.constant 64 : i32
    %mul3A_503 = arith.muli %add3A, %mul3A_502 : i32
    %add3A_504 = arith.constant 60 : i32
    %add3A_505 = arith.addi %mul3A_503, %add3A_504 : i32
    %mul3A_506 = arith.constant 128 : i32
    %mul3A_507 = arith.muli %add3A_505, %mul3A_506 : i32
    %dma_start3A_508 = arith.constant 256 : i32
    %dma_start3A_509 = tpu.memref_slice %arg6[%mul3A_507, %dma_start3A_508] : memref<262144x384xf32, #tpu.memory_space<hbm>> -> memref<128x128xf32, #tpu.memory_space<hbm>>
    %dma_start3A_510 = arith.constant 256 : i32
    %dma_start3A_511 = tpu.memref_slice %arg6[%mul3A_507, %dma_start3A_510] : memref<262144x384xf32, #tpu.memory_space<hbm>> -> memref<128x128xf32, #tpu.memory_space<hbm>>
    tpu.enqueue_dma source(%arg12 : memref<128x128xf32, #tpu.memory_space<vmem>>) target(%dma_start3A_511 : memref<128x128xf32, #tpu.memory_space<hbm>>) target_semaphore(%arg23 : memref<!tpu.dma_semaphore, #tpu.memory_space<semaphore_mem>>)
    %mul3A_512 = arith.constant 64 : i32
    %mul3A_513 = arith.muli %add3A, %mul3A_512 : i32
    %add3A_514 = arith.constant 60 : i32
    %add3A_515 = arith.addi %mul3A_513, %add3A_514 : i32
    %mul3A_516 = arith.constant 128 : i32
    %mul3A_517 = arith.muli %add3A_515, %mul3A_516 : i32
    %dma_wait3A_518 = arith.constant 128 : i32
    %dma_wait3A_519 = tpu.memref_slice %arg6[%mul3A_517, %dma_wait3A_518] : memref<262144x384xf32, #tpu.memory_space<hbm>> -> memref<128x128xf32, #tpu.memory_space<hbm>>
    %dma_wait3A_520 = arith.constant 128 : i32
    %dma_wait3A_521 = tpu.memref_slice %arg6[%mul3A_517, %dma_wait3A_520] : memref<262144x384xf32, #tpu.memory_space<hbm>> -> memref<128x128xf32, #tpu.memory_space<hbm>>
    tpu.wait_dma2 semaphore(%arg22 : memref<!tpu.dma_semaphore, #tpu.memory_space<semaphore_mem>>) src(%arg11 : memref<128x128xf32, #tpu.memory_space<vmem>>) dst(%dma_wait3A_521 : memref<128x128xf32, #tpu.memory_space<hbm>>)
    %dma_start3A_522 = arith.constant 61 : i32
    %dma_start3A_523 = arith.constant 0 : i32
    %dma_start3A_524 = tpu.memref_slice %arg9[%dma_start3A_522, %dma_start3A_523] : memref<64x128xi32, #tpu.memory_space<vmem>> -> memref<1x128xi32, #tpu.memory_space<vmem>>
    %dma_start3A_525 = tpu.memref_squeeze %dma_start3A_524 : memref<1x128xi32, #tpu.memory_space<vmem>> -> memref<128xi32, #tpu.memory_space<vmem>>
    %dma_start3A_526 = arith.constant 0 : i32
    %dma_start3A_527 = arith.constant 0 : i32
    %dma_start3A_528 = tpu.memref_slice %arg16[%dma_start3A_526, %dma_start3A_527] : memref<512x128xf32, #tpu.memory_space<vmem_shared>> -> memref<512x128xf32, #tpu.memory_space<vmem_shared>>
    tpu.enqueue_indirect_dma source(%dma_start3A_528 : memref<512x128xf32, #tpu.memory_space<vmem_shared>>) target(%arg11 : memref<128x128xf32, #tpu.memory_space<vmem>>) offsets(%dma_start3A_525 : memref<128xi32, #tpu.memory_space<vmem>>) semaphore(%arg18 : memref<!tpu.dma_semaphore, #tpu.memory_space<semaphore_mem>>)
    %dma_wait3A_529 = arith.constant 61 : i32
    %dma_wait3A_530 = arith.constant 0 : i32
    %dma_wait3A_531 = tpu.memref_slice %arg7[%dma_wait3A_529, %dma_wait3A_530] : memref<64x128xi32, #tpu.memory_space<vmem>> -> memref<1x128xi32, #tpu.memory_space<vmem>>
    %dma_wait3A_532 = tpu.memref_squeeze %dma_wait3A_531 : memref<1x128xi32, #tpu.memory_space<vmem>> -> memref<128xi32, #tpu.memory_space<vmem>>
    %dma_wait3A_533 = arith.constant 0 : i32
    %dma_wait3A_534 = arith.constant 0 : i32
    %dma_wait3A_535 = tpu.memref_slice %arg14[%dma_wait3A_533, %dma_wait3A_534] : memref<512x128xf32, #tpu.memory_space<vmem_shared>> -> memref<512x128xf32, #tpu.memory_space<vmem_shared>>
    tpu.wait_indirect_dma semaphore(%arg20 : memref<!tpu.dma_semaphore, #tpu.memory_space<semaphore_mem>>) src(%dma_wait3A_535 : memref<512x128xf32, #tpu.memory_space<vmem_shared>>) dst(%arg13 : memref<128x128xf32, #tpu.memory_space<vmem>>)
    %mul3A_536 = arith.constant 64 : i32
    %mul3A_537 = arith.muli %add3A, %mul3A_536 : i32
    %add3A_538 = arith.constant 61 : i32
    %add3A_539 = arith.addi %mul3A_537, %add3A_538 : i32
    %mul3A_540 = arith.constant 128 : i32
    %mul3A_541 = arith.muli %add3A_539, %mul3A_540 : i32
    %dma_start3A_542 = arith.constant 0 : i32
    %dma_start3A_543 = tpu.memref_slice %arg6[%mul3A_541, %dma_start3A_542] : memref<262144x384xf32, #tpu.memory_space<hbm>> -> memref<128x128xf32, #tpu.memory_space<hbm>>
    %dma_start3A_544 = arith.constant 0 : i32
    %dma_start3A_545 = tpu.memref_slice %arg6[%mul3A_541, %dma_start3A_544] : memref<262144x384xf32, #tpu.memory_space<hbm>> -> memref<128x128xf32, #tpu.memory_space<hbm>>
    tpu.enqueue_dma source(%arg13 : memref<128x128xf32, #tpu.memory_space<vmem>>) target(%dma_start3A_545 : memref<128x128xf32, #tpu.memory_space<hbm>>) target_semaphore(%arg24 : memref<!tpu.dma_semaphore, #tpu.memory_space<semaphore_mem>>)
    %mul3A_546 = arith.constant 64 : i32
    %mul3A_547 = arith.muli %add3A, %mul3A_546 : i32
    %add3A_548 = arith.constant 60 : i32
    %add3A_549 = arith.addi %mul3A_547, %add3A_548 : i32
    %mul3A_550 = arith.constant 128 : i32
    %mul3A_551 = arith.muli %add3A_549, %mul3A_550 : i32
    %dma_wait3A_552 = arith.constant 256 : i32
    %dma_wait3A_553 = tpu.memref_slice %arg6[%mul3A_551, %dma_wait3A_552] : memref<262144x384xf32, #tpu.memory_space<hbm>> -> memref<128x128xf32, #tpu.memory_space<hbm>>
    %dma_wait3A_554 = arith.constant 256 : i32
    %dma_wait3A_555 = tpu.memref_slice %arg6[%mul3A_551, %dma_wait3A_554] : memref<262144x384xf32, #tpu.memory_space<hbm>> -> memref<128x128xf32, #tpu.memory_space<hbm>>
    tpu.wait_dma2 semaphore(%arg23 : memref<!tpu.dma_semaphore, #tpu.memory_space<semaphore_mem>>) src(%arg12 : memref<128x128xf32, #tpu.memory_space<vmem>>) dst(%dma_wait3A_555 : memref<128x128xf32, #tpu.memory_space<hbm>>)
    %dma_start3A_556 = arith.constant 62 : i32
    %dma_start3A_557 = arith.constant 0 : i32
    %dma_start3A_558 = tpu.memref_slice %arg7[%dma_start3A_556, %dma_start3A_557] : memref<64x128xi32, #tpu.memory_space<vmem>> -> memref<1x128xi32, #tpu.memory_space<vmem>>
    %dma_start3A_559 = tpu.memref_squeeze %dma_start3A_558 : memref<1x128xi32, #tpu.memory_space<vmem>> -> memref<128xi32, #tpu.memory_space<vmem>>
    %dma_start3A_560 = arith.constant 0 : i32
    %dma_start3A_561 = arith.constant 0 : i32
    %dma_start3A_562 = tpu.memref_slice %arg14[%dma_start3A_560, %dma_start3A_561] : memref<512x128xf32, #tpu.memory_space<vmem_shared>> -> memref<512x128xf32, #tpu.memory_space<vmem_shared>>
    tpu.enqueue_indirect_dma source(%dma_start3A_562 : memref<512x128xf32, #tpu.memory_space<vmem_shared>>) target(%arg12 : memref<128x128xf32, #tpu.memory_space<vmem>>) offsets(%dma_start3A_559 : memref<128xi32, #tpu.memory_space<vmem>>) semaphore(%arg19 : memref<!tpu.dma_semaphore, #tpu.memory_space<semaphore_mem>>)
    %dma_wait3A_563 = arith.constant 61 : i32
    %dma_wait3A_564 = arith.constant 0 : i32
    %dma_wait3A_565 = tpu.memref_slice %arg8[%dma_wait3A_563, %dma_wait3A_564] : memref<64x128xi32, #tpu.memory_space<vmem>> -> memref<1x128xi32, #tpu.memory_space<vmem>>
    %dma_wait3A_566 = tpu.memref_squeeze %dma_wait3A_565 : memref<1x128xi32, #tpu.memory_space<vmem>> -> memref<128xi32, #tpu.memory_space<vmem>>
    %dma_wait3A_567 = arith.constant 0 : i32
    %dma_wait3A_568 = arith.constant 0 : i32
    %dma_wait3A_569 = tpu.memref_slice %arg15[%dma_wait3A_567, %dma_wait3A_568] : memref<512x128xf32, #tpu.memory_space<vmem_shared>> -> memref<512x128xf32, #tpu.memory_space<vmem_shared>>
    tpu.wait_indirect_dma semaphore(%arg17 : memref<!tpu.dma_semaphore, #tpu.memory_space<semaphore_mem>>) src(%dma_wait3A_569 : memref<512x128xf32, #tpu.memory_space<vmem_shared>>) dst(%arg10 : memref<128x128xf32, #tpu.memory_space<vmem>>)
    %mul3A_570 = arith.constant 64 : i32
    %mul3A_571 = arith.muli %add3A, %mul3A_570 : i32
    %add3A_572 = arith.constant 61 : i32
    %add3A_573 = arith.addi %mul3A_571, %add3A_572 : i32
    %mul3A_574 = arith.constant 128 : i32
    %mul3A_575 = arith.muli %add3A_573, %mul3A_574 : i32
    %dma_start3A_576 = arith.constant 128 : i32
    %dma_start3A_577 = tpu.memref_slice %arg6[%mul3A_575, %dma_start3A_576] : memref<262144x384xf32, #tpu.memory_space<hbm>> -> memref<128x128xf32, #tpu.memory_space<hbm>>
    %dma_start3A_578 = arith.constant 128 : i32
    %dma_start3A_579 = tpu.memref_slice %arg6[%mul3A_575, %dma_start3A_578] : memref<262144x384xf32, #tpu.memory_space<hbm>> -> memref<128x128xf32, #tpu.memory_space<hbm>>
    tpu.enqueue_dma source(%arg10 : memref<128x128xf32, #tpu.memory_space<vmem>>) target(%dma_start3A_579 : memref<128x128xf32, #tpu.memory_space<hbm>>) target_semaphore(%arg21 : memref<!tpu.dma_semaphore, #tpu.memory_space<semaphore_mem>>)
    %mul3A_580 = arith.constant 64 : i32
    %mul3A_581 = arith.muli %add3A, %mul3A_580 : i32
    %add3A_582 = arith.constant 61 : i32
    %add3A_583 = arith.addi %mul3A_581, %add3A_582 : i32
    %mul3A_584 = arith.constant 128 : i32
    %mul3A_585 = arith.muli %add3A_583, %mul3A_584 : i32
    %dma_wait3A_586 = arith.constant 0 : i32
    %dma_wait3A_587 = tpu.memref_slice %arg6[%mul3A_585, %dma_wait3A_586] : memref<262144x384xf32, #tpu.memory_space<hbm>> -> memref<128x128xf32, #tpu.memory_space<hbm>>
    %dma_wait3A_588 = arith.constant 0 : i32
    %dma_wait3A_589 = tpu.memref_slice %arg6[%mul3A_585, %dma_wait3A_588] : memref<262144x384xf32, #tpu.memory_space<hbm>> -> memref<128x128xf32, #tpu.memory_space<hbm>>
    tpu.wait_dma2 semaphore(%arg24 : memref<!tpu.dma_semaphore, #tpu.memory_space<semaphore_mem>>) src(%arg13 : memref<128x128xf32, #tpu.memory_space<vmem>>) dst(%dma_wait3A_589 : memref<128x128xf32, #tpu.memory_space<hbm>>)
    %dma_start3A_590 = arith.constant 62 : i32
    %dma_start3A_591 = arith.constant 0 : i32
    %dma_start3A_592 = tpu.memref_slice %arg8[%dma_start3A_590, %dma_start3A_591] : memref<64x128xi32, #tpu.memory_space<vmem>> -> memref<1x128xi32, #tpu.memory_space<vmem>>
    %dma_start3A_593 = tpu.memref_squeeze %dma_start3A_592 : memref<1x128xi32, #tpu.memory_space<vmem>> -> memref<128xi32, #tpu.memory_space<vmem>>
    %dma_start3A_594 = arith.constant 0 : i32
    %dma_start3A_595 = arith.constant 0 : i32
    %dma_start3A_596 = tpu.memref_slice %arg15[%dma_start3A_594, %dma_start3A_595] : memref<512x128xf32, #tpu.memory_space<vmem_shared>> -> memref<512x128xf32, #tpu.memory_space<vmem_shared>>
    tpu.enqueue_indirect_dma source(%dma_start3A_596 : memref<512x128xf32, #tpu.memory_space<vmem_shared>>) target(%arg13 : memref<128x128xf32, #tpu.memory_space<vmem>>) offsets(%dma_start3A_593 : memref<128xi32, #tpu.memory_space<vmem>>) semaphore(%arg20 : memref<!tpu.dma_semaphore, #tpu.memory_space<semaphore_mem>>)
    %dma_wait3A_597 = arith.constant 61 : i32
    %dma_wait3A_598 = arith.constant 0 : i32
    %dma_wait3A_599 = tpu.memref_slice %arg9[%dma_wait3A_597, %dma_wait3A_598] : memref<64x128xi32, #tpu.memory_space<vmem>> -> memref<1x128xi32, #tpu.memory_space<vmem>>
    %dma_wait3A_600 = tpu.memref_squeeze %dma_wait3A_599 : memref<1x128xi32, #tpu.memory_space<vmem>> -> memref<128xi32, #tpu.memory_space<vmem>>
    %dma_wait3A_601 = arith.constant 0 : i32
    %dma_wait3A_602 = arith.constant 0 : i32
    %dma_wait3A_603 = tpu.memref_slice %arg16[%dma_wait3A_601, %dma_wait3A_602] : memref<512x128xf32, #tpu.memory_space<vmem_shared>> -> memref<512x128xf32, #tpu.memory_space<vmem_shared>>
    tpu.wait_indirect_dma semaphore(%arg18 : memref<!tpu.dma_semaphore, #tpu.memory_space<semaphore_mem>>) src(%dma_wait3A_603 : memref<512x128xf32, #tpu.memory_space<vmem_shared>>) dst(%arg11 : memref<128x128xf32, #tpu.memory_space<vmem>>)
    %mul3A_604 = arith.constant 64 : i32
    %mul3A_605 = arith.muli %add3A, %mul3A_604 : i32
    %add3A_606 = arith.constant 61 : i32
    %add3A_607 = arith.addi %mul3A_605, %add3A_606 : i32
    %mul3A_608 = arith.constant 128 : i32
    %mul3A_609 = arith.muli %add3A_607, %mul3A_608 : i32
    %dma_start3A_610 = arith.constant 256 : i32
    %dma_start3A_611 = tpu.memref_slice %arg6[%mul3A_609, %dma_start3A_610] : memref<262144x384xf32, #tpu.memory_space<hbm>> -> memref<128x128xf32, #tpu.memory_space<hbm>>
    %dma_start3A_612 = arith.constant 256 : i32
    %dma_start3A_613 = tpu.memref_slice %arg6[%mul3A_609, %dma_start3A_612] : memref<262144x384xf32, #tpu.memory_space<hbm>> -> memref<128x128xf32, #tpu.memory_space<hbm>>
    tpu.enqueue_dma source(%arg11 : memref<128x128xf32, #tpu.memory_space<vmem>>) target(%dma_start3A_613 : memref<128x128xf32, #tpu.memory_space<hbm>>) target_semaphore(%arg22 : memref<!tpu.dma_semaphore, #tpu.memory_space<semaphore_mem>>)
    %mul3A_614 = arith.constant 64 : i32
    %mul3A_615 = arith.muli %add3A, %mul3A_614 : i32
    %add3A_616 = arith.constant 61 : i32
    %add3A_617 = arith.addi %mul3A_615, %add3A_616 : i32
    %mul3A_618 = arith.constant 128 : i32
    %mul3A_619 = arith.muli %add3A_617, %mul3A_618 : i32
    %dma_wait3A_620 = arith.constant 128 : i32
    %dma_wait3A_621 = tpu.memref_slice %arg6[%mul3A_619, %dma_wait3A_620] : memref<262144x384xf32, #tpu.memory_space<hbm>> -> memref<128x128xf32, #tpu.memory_space<hbm>>
    %dma_wait3A_622 = arith.constant 128 : i32
    %dma_wait3A_623 = tpu.memref_slice %arg6[%mul3A_619, %dma_wait3A_622] : memref<262144x384xf32, #tpu.memory_space<hbm>> -> memref<128x128xf32, #tpu.memory_space<hbm>>
    tpu.wait_dma2 semaphore(%arg21 : memref<!tpu.dma_semaphore, #tpu.memory_space<semaphore_mem>>) src(%arg10 : memref<128x128xf32, #tpu.memory_space<vmem>>) dst(%dma_wait3A_623 : memref<128x128xf32, #tpu.memory_space<hbm>>)
    %dma_start3A_624 = arith.constant 62 : i32
    %dma_start3A_625 = arith.constant 0 : i32
    %dma_start3A_626 = tpu.memref_slice %arg9[%dma_start3A_624, %dma_start3A_625] : memref<64x128xi32, #tpu.memory_space<vmem>> -> memref<1x128xi32, #tpu.memory_space<vmem>>
    %dma_start3A_627 = tpu.memref_squeeze %dma_start3A_626 : memref<1x128xi32, #tpu.memory_space<vmem>> -> memref<128xi32, #tpu.memory_space<vmem>>
    %dma_start3A_628 = arith.constant 0 : i32
    %dma_start3A_629 = arith.constant 0 : i32
    %dma_start3A_630 = tpu.memref_slice %arg16[%dma_start3A_628, %dma_start3A_629] : memref<512x128xf32, #tpu.memory_space<vmem_shared>> -> memref<512x128xf32, #tpu.memory_space<vmem_shared>>
    tpu.enqueue_indirect_dma source(%dma_start3A_630 : memref<512x128xf32, #tpu.memory_space<vmem_shared>>) target(%arg10 : memref<128x128xf32, #tpu.memory_space<vmem>>) offsets(%dma_start3A_627 : memref<128xi32, #tpu.memory_space<vmem>>) semaphore(%arg17 : memref<!tpu.dma_semaphore, #tpu.memory_space<semaphore_mem>>)
    %dma_wait3A_631 = arith.constant 62 : i32
    %dma_wait3A_632 = arith.constant 0 : i32
    %dma_wait3A_633 = tpu.memref_slice %arg7[%dma_wait3A_631, %dma_wait3A_632] : memref<64x128xi32, #tpu.memory_space<vmem>> -> memref<1x128xi32, #tpu.memory_space<vmem>>
    %dma_wait3A_634 = tpu.memref_squeeze %dma_wait3A_633 : memref<1x128xi32, #tpu.memory_space<vmem>> -> memref<128xi32, #tpu.memory_space<vmem>>
    %dma_wait3A_635 = arith.constant 0 : i32
    %dma_wait3A_636 = arith.constant 0 : i32
    %dma_wait3A_637 = tpu.memref_slice %arg14[%dma_wait3A_635, %dma_wait3A_636] : memref<512x128xf32, #tpu.memory_space<vmem_shared>> -> memref<512x128xf32, #tpu.memory_space<vmem_shared>>
    tpu.wait_indirect_dma semaphore(%arg19 : memref<!tpu.dma_semaphore, #tpu.memory_space<semaphore_mem>>) src(%dma_wait3A_637 : memref<512x128xf32, #tpu.memory_space<vmem_shared>>) dst(%arg12 : memref<128x128xf32, #tpu.memory_space<vmem>>)
    %mul3A_638 = arith.constant 64 : i32
    %mul3A_639 = arith.muli %add3A, %mul3A_638 : i32
    %add3A_640 = arith.constant 62 : i32
    %add3A_641 = arith.addi %mul3A_639, %add3A_640 : i32
    %mul3A_642 = arith.constant 128 : i32
    %mul3A_643 = arith.muli %add3A_641, %mul3A_642 : i32
    %dma_start3A_644 = arith.constant 0 : i32
    %dma_start3A_645 = tpu.memref_slice %arg6[%mul3A_643, %dma_start3A_644] : memref<262144x384xf32, #tpu.memory_space<hbm>> -> memref<128x128xf32, #tpu.memory_space<hbm>>
    %dma_start3A_646 = arith.constant 0 : i32
    %dma_start3A_647 = tpu.memref_slice %arg6[%mul3A_643, %dma_start3A_646] : memref<262144x384xf32, #tpu.memory_space<hbm>> -> memref<128x128xf32, #tpu.memory_space<hbm>>
    tpu.enqueue_dma source(%arg12 : memref<128x128xf32, #tpu.memory_space<vmem>>) target(%dma_start3A_647 : memref<128x128xf32, #tpu.memory_space<hbm>>) target_semaphore(%arg23 : memref<!tpu.dma_semaphore, #tpu.memory_space<semaphore_mem>>)
    %mul3A_648 = arith.constant 64 : i32
    %mul3A_649 = arith.muli %add3A, %mul3A_648 : i32
    %add3A_650 = arith.constant 61 : i32
    %add3A_651 = arith.addi %mul3A_649, %add3A_650 : i32
    %mul3A_652 = arith.constant 128 : i32
    %mul3A_653 = arith.muli %add3A_651, %mul3A_652 : i32
    %dma_wait3A_654 = arith.constant 256 : i32
    %dma_wait3A_655 = tpu.memref_slice %arg6[%mul3A_653, %dma_wait3A_654] : memref<262144x384xf32, #tpu.memory_space<hbm>> -> memref<128x128xf32, #tpu.memory_space<hbm>>
    %dma_wait3A_656 = arith.constant 256 : i32
    %dma_wait3A_657 = tpu.memref_slice %arg6[%mul3A_653, %dma_wait3A_656] : memref<262144x384xf32, #tpu.memory_space<hbm>> -> memref<128x128xf32, #tpu.memory_space<hbm>>
    tpu.wait_dma2 semaphore(%arg22 : memref<!tpu.dma_semaphore, #tpu.memory_space<semaphore_mem>>) src(%arg11 : memref<128x128xf32, #tpu.memory_space<vmem>>) dst(%dma_wait3A_657 : memref<128x128xf32, #tpu.memory_space<hbm>>)
    %dma_start3A_658 = arith.constant 63 : i32
    %dma_start3A_659 = arith.constant 0 : i32
    %dma_start3A_660 = tpu.memref_slice %arg7[%dma_start3A_658, %dma_start3A_659] : memref<64x128xi32, #tpu.memory_space<vmem>> -> memref<1x128xi32, #tpu.memory_space<vmem>>
    %dma_start3A_661 = tpu.memref_squeeze %dma_start3A_660 : memref<1x128xi32, #tpu.memory_space<vmem>> -> memref<128xi32, #tpu.memory_space<vmem>>
    %dma_start3A_662 = arith.constant 0 : i32
    %dma_start3A_663 = arith.constant 0 : i32
    %dma_start3A_664 = tpu.memref_slice %arg14[%dma_start3A_662, %dma_start3A_663] : memref<512x128xf32, #tpu.memory_space<vmem_shared>> -> memref<512x128xf32, #tpu.memory_space<vmem_shared>>
    tpu.enqueue_indirect_dma source(%dma_start3A_664 : memref<512x128xf32, #tpu.memory_space<vmem_shared>>) target(%arg11 : memref<128x128xf32, #tpu.memory_space<vmem>>) offsets(%dma_start3A_661 : memref<128xi32, #tpu.memory_space<vmem>>) semaphore(%arg18 : memref<!tpu.dma_semaphore, #tpu.memory_space<semaphore_mem>>)
    %dma_wait3A_665 = arith.constant 62 : i32
    %dma_wait3A_666 = arith.constant 0 : i32
    %dma_wait3A_667 = tpu.memref_slice %arg8[%dma_wait3A_665, %dma_wait3A_666] : memref<64x128xi32, #tpu.memory_space<vmem>> -> memref<1x128xi32, #tpu.memory_space<vmem>>
    %dma_wait3A_668 = tpu.memref_squeeze %dma_wait3A_667 : memref<1x128xi32, #tpu.memory_space<vmem>> -> memref<128xi32, #tpu.memory_space<vmem>>
    %dma_wait3A_669 = arith.constant 0 : i32
    %dma_wait3A_670 = arith.constant 0 : i32
    %dma_wait3A_671 = tpu.memref_slice %arg15[%dma_wait3A_669, %dma_wait3A_670] : memref<512x128xf32, #tpu.memory_space<vmem_shared>> -> memref<512x128xf32, #tpu.memory_space<vmem_shared>>
    tpu.wait_indirect_dma semaphore(%arg20 : memref<!tpu.dma_semaphore, #tpu.memory_space<semaphore_mem>>) src(%dma_wait3A_671 : memref<512x128xf32, #tpu.memory_space<vmem_shared>>) dst(%arg13 : memref<128x128xf32, #tpu.memory_space<vmem>>)
    %mul3A_672 = arith.constant 64 : i32
    %mul3A_673 = arith.muli %add3A, %mul3A_672 : i32
    %add3A_674 = arith.constant 62 : i32
    %add3A_675 = arith.addi %mul3A_673, %add3A_674 : i32
    %mul3A_676 = arith.constant 128 : i32
    %mul3A_677 = arith.muli %add3A_675, %mul3A_676 : i32
    %dma_start3A_678 = arith.constant 128 : i32
    %dma_start3A_679 = tpu.memref_slice %arg6[%mul3A_677, %dma_start3A_678] : memref<262144x384xf32, #tpu.memory_space<hbm>> -> memref<128x128xf32, #tpu.memory_space<hbm>>
    %dma_start3A_680 = arith.constant 128 : i32
    %dma_start3A_681 = tpu.memref_slice %arg6[%mul3A_677, %dma_start3A_680] : memref<262144x384xf32, #tpu.memory_space<hbm>> -> memref<128x128xf32, #tpu.memory_space<hbm>>
    tpu.enqueue_dma source(%arg13 : memref<128x128xf32, #tpu.memory_space<vmem>>) target(%dma_start3A_681 : memref<128x128xf32, #tpu.memory_space<hbm>>) target_semaphore(%arg24 : memref<!tpu.dma_semaphore, #tpu.memory_space<semaphore_mem>>)
    %mul3A_682 = arith.constant 64 : i32
    %mul3A_683 = arith.muli %add3A, %mul3A_682 : i32
    %add3A_684 = arith.constant 62 : i32
    %add3A_685 = arith.addi %mul3A_683, %add3A_684 : i32
    %mul3A_686 = arith.constant 128 : i32
    %mul3A_687 = arith.muli %add3A_685, %mul3A_686 : i32
    %dma_wait3A_688 = arith.constant 0 : i32
    %dma_wait3A_689 = tpu.memref_slice %arg6[%mul3A_687, %dma_wait3A_688] : memref<262144x384xf32, #tpu.memory_space<hbm>> -> memref<128x128xf32, #tpu.memory_space<hbm>>
    %dma_wait3A_690 = arith.constant 0 : i32
    %dma_wait3A_691 = tpu.memref_slice %arg6[%mul3A_687, %dma_wait3A_690] : memref<262144x384xf32, #tpu.memory_space<hbm>> -> memref<128x128xf32, #tpu.memory_space<hbm>>
    tpu.wait_dma2 semaphore(%arg23 : memref<!tpu.dma_semaphore, #tpu.memory_space<semaphore_mem>>) src(%arg12 : memref<128x128xf32, #tpu.memory_space<vmem>>) dst(%dma_wait3A_691 : memref<128x128xf32, #tpu.memory_space<hbm>>)
    %dma_start3A_692 = arith.constant 63 : i32
    %dma_start3A_693 = arith.constant 0 : i32
    %dma_start3A_694 = tpu.memref_slice %arg8[%dma_start3A_692, %dma_start3A_693] : memref<64x128xi32, #tpu.memory_space<vmem>> -> memref<1x128xi32, #tpu.memory_space<vmem>>
    %dma_start3A_695 = tpu.memref_squeeze %dma_start3A_694 : memref<1x128xi32, #tpu.memory_space<vmem>> -> memref<128xi32, #tpu.memory_space<vmem>>
    %dma_start3A_696 = arith.constant 0 : i32
    %dma_start3A_697 = arith.constant 0 : i32
    %dma_start3A_698 = tpu.memref_slice %arg15[%dma_start3A_696, %dma_start3A_697] : memref<512x128xf32, #tpu.memory_space<vmem_shared>> -> memref<512x128xf32, #tpu.memory_space<vmem_shared>>
    tpu.enqueue_indirect_dma source(%dma_start3A_698 : memref<512x128xf32, #tpu.memory_space<vmem_shared>>) target(%arg12 : memref<128x128xf32, #tpu.memory_space<vmem>>) offsets(%dma_start3A_695 : memref<128xi32, #tpu.memory_space<vmem>>) semaphore(%arg19 : memref<!tpu.dma_semaphore, #tpu.memory_space<semaphore_mem>>)
    %dma_wait3A_699 = arith.constant 62 : i32
    %dma_wait3A_700 = arith.constant 0 : i32
    %dma_wait3A_701 = tpu.memref_slice %arg9[%dma_wait3A_699, %dma_wait3A_700] : memref<64x128xi32, #tpu.memory_space<vmem>> -> memref<1x128xi32, #tpu.memory_space<vmem>>
    %dma_wait3A_702 = tpu.memref_squeeze %dma_wait3A_701 : memref<1x128xi32, #tpu.memory_space<vmem>> -> memref<128xi32, #tpu.memory_space<vmem>>
    %dma_wait3A_703 = arith.constant 0 : i32
    %dma_wait3A_704 = arith.constant 0 : i32
    %dma_wait3A_705 = tpu.memref_slice %arg16[%dma_wait3A_703, %dma_wait3A_704] : memref<512x128xf32, #tpu.memory_space<vmem_shared>> -> memref<512x128xf32, #tpu.memory_space<vmem_shared>>
    tpu.wait_indirect_dma semaphore(%arg17 : memref<!tpu.dma_semaphore, #tpu.memory_space<semaphore_mem>>) src(%dma_wait3A_705 : memref<512x128xf32, #tpu.memory_space<vmem_shared>>) dst(%arg10 : memref<128x128xf32, #tpu.memory_space<vmem>>)
    %mul3A_706 = arith.constant 64 : i32
    %mul3A_707 = arith.muli %add3A, %mul3A_706 : i32
    %add3A_708 = arith.constant 62 : i32
    %add3A_709 = arith.addi %mul3A_707, %add3A_708 : i32
    %mul3A_710 = arith.constant 128 : i32
    %mul3A_711 = arith.muli %add3A_709, %mul3A_710 : i32
    %dma_start3A_712 = arith.constant 256 : i32
    %dma_start3A_713 = tpu.memref_slice %arg6[%mul3A_711, %dma_start3A_712] : memref<262144x384xf32, #tpu.memory_space<hbm>> -> memref<128x128xf32, #tpu.memory_space<hbm>>
    %dma_start3A_714 = arith.constant 256 : i32
    %dma_start3A_715 = tpu.memref_slice %arg6[%mul3A_711, %dma_start3A_714] : memref<262144x384xf32, #tpu.memory_space<hbm>> -> memref<128x128xf32, #tpu.memory_space<hbm>>
    tpu.enqueue_dma source(%arg10 : memref<128x128xf32, #tpu.memory_space<vmem>>) target(%dma_start3A_715 : memref<128x128xf32, #tpu.memory_space<hbm>>) target_semaphore(%arg21 : memref<!tpu.dma_semaphore, #tpu.memory_space<semaphore_mem>>)
    %mul3A_716 = arith.constant 64 : i32
    %mul3A_717 = arith.muli %add3A, %mul3A_716 : i32
    %add3A_718 = arith.constant 62 : i32
    %add3A_719 = arith.addi %mul3A_717, %add3A_718 : i32
    %mul3A_720 = arith.constant 128 : i32
    %mul3A_721 = arith.muli %add3A_719, %mul3A_720 : i32
    %dma_wait3A_722 = arith.constant 128 : i32
    %dma_wait3A_723 = tpu.memref_slice %arg6[%mul3A_721, %dma_wait3A_722] : memref<262144x384xf32, #tpu.memory_space<hbm>> -> memref<128x128xf32, #tpu.memory_space<hbm>>
    %dma_wait3A_724 = arith.constant 128 : i32
    %dma_wait3A_725 = tpu.memref_slice %arg6[%mul3A_721, %dma_wait3A_724] : memref<262144x384xf32, #tpu.memory_space<hbm>> -> memref<128x128xf32, #tpu.memory_space<hbm>>
    tpu.wait_dma2 semaphore(%arg24 : memref<!tpu.dma_semaphore, #tpu.memory_space<semaphore_mem>>) src(%arg13 : memref<128x128xf32, #tpu.memory_space<vmem>>) dst(%dma_wait3A_725 : memref<128x128xf32, #tpu.memory_space<hbm>>)
    %dma_start3A_726 = arith.constant 63 : i32
    %dma_start3A_727 = arith.constant 0 : i32
    %dma_start3A_728 = tpu.memref_slice %arg9[%dma_start3A_726, %dma_start3A_727] : memref<64x128xi32, #tpu.memory_space<vmem>> -> memref<1x128xi32, #tpu.memory_space<vmem>>
    %dma_start3A_729 = tpu.memref_squeeze %dma_start3A_728 : memref<1x128xi32, #tpu.memory_space<vmem>> -> memref<128xi32, #tpu.memory_space<vmem>>
    %dma_start3A_730 = arith.constant 0 : i32
    %dma_start3A_731 = arith.constant 0 : i32
    %dma_start3A_732 = tpu.memref_slice %arg16[%dma_start3A_730, %dma_start3A_731] : memref<512x128xf32, #tpu.memory_space<vmem_shared>> -> memref<512x128xf32, #tpu.memory_space<vmem_shared>>
    tpu.enqueue_indirect_dma source(%dma_start3A_732 : memref<512x128xf32, #tpu.memory_space<vmem_shared>>) target(%arg13 : memref<128x128xf32, #tpu.memory_space<vmem>>) offsets(%dma_start3A_729 : memref<128xi32, #tpu.memory_space<vmem>>) semaphore(%arg20 : memref<!tpu.dma_semaphore, #tpu.memory_space<semaphore_mem>>)
    %dma_wait3A_733 = arith.constant 63 : i32
    %dma_wait3A_734 = arith.constant 0 : i32
    %dma_wait3A_735 = tpu.memref_slice %arg7[%dma_wait3A_733, %dma_wait3A_734] : memref<64x128xi32, #tpu.memory_space<vmem>> -> memref<1x128xi32, #tpu.memory_space<vmem>>
    %dma_wait3A_736 = tpu.memref_squeeze %dma_wait3A_735 : memref<1x128xi32, #tpu.memory_space<vmem>> -> memref<128xi32, #tpu.memory_space<vmem>>
    %dma_wait3A_737 = arith.constant 0 : i32
    %dma_wait3A_738 = arith.constant 0 : i32
    %dma_wait3A_739 = tpu.memref_slice %arg14[%dma_wait3A_737, %dma_wait3A_738] : memref<512x128xf32, #tpu.memory_space<vmem_shared>> -> memref<512x128xf32, #tpu.memory_space<vmem_shared>>
    tpu.wait_indirect_dma semaphore(%arg18 : memref<!tpu.dma_semaphore, #tpu.memory_space<semaphore_mem>>) src(%dma_wait3A_739 : memref<512x128xf32, #tpu.memory_space<vmem_shared>>) dst(%arg11 : memref<128x128xf32, #tpu.memory_space<vmem>>)
    %mul3A_740 = arith.constant 64 : i32
    %mul3A_741 = arith.muli %add3A, %mul3A_740 : i32
    %add3A_742 = arith.constant 63 : i32
    %add3A_743 = arith.addi %mul3A_741, %add3A_742 : i32
    %mul3A_744 = arith.constant 128 : i32
    %mul3A_745 = arith.muli %add3A_743, %mul3A_744 : i32
    %dma_start3A_746 = arith.constant 0 : i32
    %dma_start3A_747 = tpu.memref_slice %arg6[%mul3A_745, %dma_start3A_746] : memref<262144x384xf32, #tpu.memory_space<hbm>> -> memref<128x128xf32, #tpu.memory_space<hbm>>
    %dma_start3A_748 = arith.constant 0 : i32
    %dma_start3A_749 = tpu.memref_slice %arg6[%mul3A_745, %dma_start3A_748] : memref<262144x384xf32, #tpu.memory_space<hbm>> -> memref<128x128xf32, #tpu.memory_space<hbm>>
    tpu.enqueue_dma source(%arg11 : memref<128x128xf32, #tpu.memory_space<vmem>>) target(%dma_start3A_749 : memref<128x128xf32, #tpu.memory_space<hbm>>) target_semaphore(%arg22 : memref<!tpu.dma_semaphore, #tpu.memory_space<semaphore_mem>>)
    %mul3A_750 = arith.constant 64 : i32
    %mul3A_751 = arith.muli %add3A, %mul3A_750 : i32
    %add3A_752 = arith.constant 62 : i32
    %add3A_753 = arith.addi %mul3A_751, %add3A_752 : i32
    %mul3A_754 = arith.constant 128 : i32
    %mul3A_755 = arith.muli %add3A_753, %mul3A_754 : i32
    %dma_wait3A_756 = arith.constant 256 : i32
    %dma_wait3A_757 = tpu.memref_slice %arg6[%mul3A_755, %dma_wait3A_756] : memref<262144x384xf32, #tpu.memory_space<hbm>> -> memref<128x128xf32, #tpu.memory_space<hbm>>
    %dma_wait3A_758 = arith.constant 256 : i32
    %dma_wait3A_759 = tpu.memref_slice %arg6[%mul3A_755, %dma_wait3A_758] : memref<262144x384xf32, #tpu.memory_space<hbm>> -> memref<128x128xf32, #tpu.memory_space<hbm>>
    tpu.wait_dma2 semaphore(%arg21 : memref<!tpu.dma_semaphore, #tpu.memory_space<semaphore_mem>>) src(%arg10 : memref<128x128xf32, #tpu.memory_space<vmem>>) dst(%dma_wait3A_759 : memref<128x128xf32, #tpu.memory_space<hbm>>)
    %dma_wait3A_760 = arith.constant 63 : i32
    %dma_wait3A_761 = arith.constant 0 : i32
    %dma_wait3A_762 = tpu.memref_slice %arg8[%dma_wait3A_760, %dma_wait3A_761] : memref<64x128xi32, #tpu.memory_space<vmem>> -> memref<1x128xi32, #tpu.memory_space<vmem>>
    %dma_wait3A_763 = tpu.memref_squeeze %dma_wait3A_762 : memref<1x128xi32, #tpu.memory_space<vmem>> -> memref<128xi32, #tpu.memory_space<vmem>>
    %dma_wait3A_764 = arith.constant 0 : i32
    %dma_wait3A_765 = arith.constant 0 : i32
    %dma_wait3A_766 = tpu.memref_slice %arg15[%dma_wait3A_764, %dma_wait3A_765] : memref<512x128xf32, #tpu.memory_space<vmem_shared>> -> memref<512x128xf32, #tpu.memory_space<vmem_shared>>
    tpu.wait_indirect_dma semaphore(%arg19 : memref<!tpu.dma_semaphore, #tpu.memory_space<semaphore_mem>>) src(%dma_wait3A_766 : memref<512x128xf32, #tpu.memory_space<vmem_shared>>) dst(%arg12 : memref<128x128xf32, #tpu.memory_space<vmem>>)
    %mul3A_767 = arith.constant 64 : i32
    %mul3A_768 = arith.muli %add3A, %mul3A_767 : i32
    %add3A_769 = arith.constant 63 : i32
    %add3A_770 = arith.addi %mul3A_768, %add3A_769 : i32
    %mul3A_771 = arith.constant 128 : i32
    %mul3A_772 = arith.muli %add3A_770, %mul3A_771 : i32
    %dma_start3A_773 = arith.constant 128 : i32
    %dma_start3A_774 = tpu.memref_slice %arg6[%mul3A_772, %dma_start3A_773] : memref<262144x384xf32, #tpu.memory_space<hbm>> -> memref<128x128xf32, #tpu.memory_space<hbm>>
    %dma_start3A_775 = arith.constant 128 : i32
    %dma_start3A_776 = tpu.memref_slice %arg6[%mul3A_772, %dma_start3A_775] : memref<262144x384xf32, #tpu.memory_space<hbm>> -> memref<128x128xf32, #tpu.memory_space<hbm>>
    tpu.enqueue_dma source(%arg12 : memref<128x128xf32, #tpu.memory_space<vmem>>) target(%dma_start3A_776 : memref<128x128xf32, #tpu.memory_space<hbm>>) target_semaphore(%arg23 : memref<!tpu.dma_semaphore, #tpu.memory_space<semaphore_mem>>)
    %mul3A_777 = arith.constant 64 : i32
    %mul3A_778 = arith.muli %add3A, %mul3A_777 : i32
    %add3A_779 = arith.constant 63 : i32
    %add3A_780 = arith.addi %mul3A_778, %add3A_779 : i32
    %mul3A_781 = arith.constant 128 : i32
    %mul3A_782 = arith.muli %add3A_780, %mul3A_781 : i32
    %dma_wait3A_783 = arith.constant 0 : i32
    %dma_wait3A_784 = tpu.memref_slice %arg6[%mul3A_782, %dma_wait3A_783] : memref<262144x384xf32, #tpu.memory_space<hbm>> -> memref<128x128xf32, #tpu.memory_space<hbm>>
    %dma_wait3A_785 = arith.constant 0 : i32
    %dma_wait3A_786 = tpu.memref_slice %arg6[%mul3A_782, %dma_wait3A_785] : memref<262144x384xf32, #tpu.memory_space<hbm>> -> memref<128x128xf32, #tpu.memory_space<hbm>>
    tpu.wait_dma2 semaphore(%arg22 : memref<!tpu.dma_semaphore, #tpu.memory_space<semaphore_mem>>) src(%arg11 : memref<128x128xf32, #tpu.memory_space<vmem>>) dst(%dma_wait3A_786 : memref<128x128xf32, #tpu.memory_space<hbm>>)
    %dma_wait3A_787 = arith.constant 63 : i32
    %dma_wait3A_788 = arith.constant 0 : i32
    %dma_wait3A_789 = tpu.memref_slice %arg9[%dma_wait3A_787, %dma_wait3A_788] : memref<64x128xi32, #tpu.memory_space<vmem>> -> memref<1x128xi32, #tpu.memory_space<vmem>>
    %dma_wait3A_790 = tpu.memref_squeeze %dma_wait3A_789 : memref<1x128xi32, #tpu.memory_space<vmem>> -> memref<128xi32, #tpu.memory_space<vmem>>
    %dma_wait3A_791 = arith.constant 0 : i32
    %dma_wait3A_792 = arith.constant 0 : i32
    %dma_wait3A_793 = tpu.memref_slice %arg16[%dma_wait3A_791, %dma_wait3A_792] : memref<512x128xf32, #tpu.memory_space<vmem_shared>> -> memref<512x128xf32, #tpu.memory_space<vmem_shared>>
    tpu.wait_indirect_dma semaphore(%arg20 : memref<!tpu.dma_semaphore, #tpu.memory_space<semaphore_mem>>) src(%dma_wait3A_793 : memref<512x128xf32, #tpu.memory_space<vmem_shared>>) dst(%arg13 : memref<128x128xf32, #tpu.memory_space<vmem>>)
    %mul3A_794 = arith.constant 64 : i32
    %mul3A_795 = arith.muli %add3A, %mul3A_794 : i32
    %add3A_796 = arith.constant 63 : i32
    %add3A_797 = arith.addi %mul3A_795, %add3A_796 : i32
    %mul3A_798 = arith.constant 128 : i32
    %mul3A_799 = arith.muli %add3A_797, %mul3A_798 : i32
    %dma_start3A_800 = arith.constant 256 : i32
    %dma_start3A_801 = tpu.memref_slice %arg6[%mul3A_799, %dma_start3A_800] : memref<262144x384xf32, #tpu.memory_space<hbm>> -> memref<128x128xf32, #tpu.memory_space<hbm>>
    %dma_start3A_802 = arith.constant 256 : i32
    %dma_start3A_803 = tpu.memref_slice %arg6[%mul3A_799, %dma_start3A_802] : memref<262144x384xf32, #tpu.memory_space<hbm>> -> memref<128x128xf32, #tpu.memory_space<hbm>>
    tpu.enqueue_dma source(%arg13 : memref<128x128xf32, #tpu.memory_space<vmem>>) target(%dma_start3A_803 : memref<128x128xf32, #tpu.memory_space<hbm>>) target_semaphore(%arg24 : memref<!tpu.dma_semaphore, #tpu.memory_space<semaphore_mem>>)
    %mul3A_804 = arith.constant 64 : i32
    %mul3A_805 = arith.muli %add3A, %mul3A_804 : i32
    %add3A_806 = arith.constant 63 : i32
    %add3A_807 = arith.addi %mul3A_805, %add3A_806 : i32
    %mul3A_808 = arith.constant 128 : i32
    %mul3A_809 = arith.muli %add3A_807, %mul3A_808 : i32
    %dma_wait3A_810 = arith.constant 128 : i32
    %dma_wait3A_811 = tpu.memref_slice %arg6[%mul3A_809, %dma_wait3A_810] : memref<262144x384xf32, #tpu.memory_space<hbm>> -> memref<128x128xf32, #tpu.memory_space<hbm>>
    %dma_wait3A_812 = arith.constant 128 : i32
    %dma_wait3A_813 = tpu.memref_slice %arg6[%mul3A_809, %dma_wait3A_812] : memref<262144x384xf32, #tpu.memory_space<hbm>> -> memref<128x128xf32, #tpu.memory_space<hbm>>
    tpu.wait_dma2 semaphore(%arg23 : memref<!tpu.dma_semaphore, #tpu.memory_space<semaphore_mem>>) src(%arg12 : memref<128x128xf32, #tpu.memory_space<vmem>>) dst(%dma_wait3A_813 : memref<128x128xf32, #tpu.memory_space<hbm>>)
    %mul3A_814 = arith.constant 64 : i32
    %mul3A_815 = arith.muli %add3A, %mul3A_814 : i32
    %add3A_816 = arith.constant 63 : i32
    %add3A_817 = arith.addi %mul3A_815, %add3A_816 : i32
    %mul3A_818 = arith.constant 128 : i32
    %mul3A_819 = arith.muli %add3A_817, %mul3A_818 : i32
    %dma_wait3A_820 = arith.constant 256 : i32
    %dma_wait3A_821 = tpu.memref_slice %arg6[%mul3A_819, %dma_wait3A_820] : memref<262144x384xf32, #tpu.memory_space<hbm>> -> memref<128x128xf32, #tpu.memory_space<hbm>>
    %dma_wait3A_822 = arith.constant 256 : i32
    %dma_wait3A_823 = tpu.memref_slice %arg6[%mul3A_819, %dma_wait3A_822] : memref<262144x384xf32, #tpu.memory_space<hbm>> -> memref<128x128xf32, #tpu.memory_space<hbm>>
    tpu.wait_dma2 semaphore(%arg24 : memref<!tpu.dma_semaphore, #tpu.memory_space<semaphore_mem>>) src(%arg13 : memref<128x128xf32, #tpu.memory_space<vmem>>) dst(%dma_wait3A_823 : memref<128x128xf32, #tpu.memory_space<hbm>>)
    return
  }
}

</mosaic_0001>

<sc_bundles>
// kernel: kernel.3.cloned.1.call-start
scs
__scs_entry_jumppad:
0x0: {  	(pc) =	sbr.rel $0x88, $3  }
0x1: {  	(tag) =	ssettag $0x0;
	lr =	simm.s32 $0x1  }
0x2: {  	[smem:$0x3F9D] =	sst lr;
	_ =	strace $0xD0000000  }
0x3: {  	_ = 	snop  }
0x4: {  	_ = 	snop  }
0x5: {  	_ = 	snop  }
0x6: {  	_ = 	snop  }
0x7: {  	_ = 	snop  }
__scs_overlays_trampoline_lowered:
0x8: {  	[smem:$0x3FAC] =	sst s0  }
0x9: {  	[smem:$0x3FAD] =	sst s1  }
0xa: {  	[smem:$0x3FAE] =	sst s2  }
0xb: {  	[smem:$0x3FAF] =	sst s3  }
0xc: {  	[smem:$0x3FB0] =	sst s4  }
0xd: {  	[smem:$0x3FB1] =	sst s5  }
0xe: {  	[smem:$0x3FB2] =	sst s6  }
0xf: {  	[smem:$0x3FB3] =	sst s7  }
0x10: {  	[smem:$0x3FB4] =	sst s8  }
0x11: {  	[smem:$0x3FB5] =	sst s9;
	s0 =	simm.s32 @!p0 $0x0  }
0x12: {  	s1 =	sld [smem:$0x3F9B];
	s0 =	simm.s32 @p0 $0x1  }
0x13: {  	[smem:$0x3FB6] =	sst s0;
	s0 =	simm.s32 @!p1 $0x0  }
0x14: {  	s2 =	sld [smem:$0x3F9A];
	s0 =	simm.s32 @p1 $0x1  }
0x15: {  	[smem:$0x3FB7] =	sst s0;
	s0 =	simm.s32 @!p2 $0x0  }
0x16: {  	s3 =	sld [smem:$0x3FDB];
	s0 =	simm.s32 @p2 $0x1  }
0x17: {  	s4 =	simm.s32 $0x1BF5;
	[smem:$0x3FB9] =	sst s0  }
0x18: {  	s0 =	sld [smem:$0x3F9C];
	_ =	swait.ge [sflag:s4], $0x0  }
0x19: {  	s7 =	sld [smem:$0x3F9D]  }
0x1a: {  	s8 =	sadd.s32 $0xFFFFE003, lr  }
0x1b: {  	s9 =	sadd.s32 $0xFFFFFEF7, lr;
	s5 =	simm.s32 $0xFFFFFFFF;
	p2 =	slt.u32 s8, $0xFFFFF086  }
0x1c: {  	p1 =	slt.u32 s9, $0xF7A;
	s5 =	simm.s32 @!p2 $0x0  }
0x1d: {  	s5 =	simm.s32 @p1 $0x1;
	p0 =	seq.s32 s7, s2  }
0x1e: {  	s7 =	smul.u32 @!p0 $0xF7A, s2;
	p2 =	seq.s32 @!p0 s5, $0x0  }
0x1f: {  	s9 =	smul.u32 $0xF7A, s1;
	s8 =	simm.s32 @!p0 $0x1BF5;
	p2 =	por !p2, p0  }
0x20: {  	[sflag:s8] =	ssyncset.s32 @!p0 $0xFFFFF086;
	s6 =	sadd.s32 @!p0 s3, s7;
	s7 =	simm.s32 @!p0 $0x108  }
0x21: {  	s3 =	sadd.s32 s3, s9;
	s6 =	sadd.s32 @!p0 $0x88, s6;
	s7 =	simm.s32 @p2 $0x1082  }
0x22: {  	[simem:s7], [sflag:s8] =	dma.local @!p0 [hbm:s6], $0xF7A  }
0x23: {  	s9 =	sor.u32 $0xD0000000, s2;
	s6 =	simm.s32 $0x108;
	_ =	swait.ge @!p0 [sflag:s8], $0x0  }
0x24: {  	s3 =	sadd.s32 $0x88, s3;
	s6 =	simm.s32 @!p1 $0x1082;
	[sflag:s4] =	ssyncset.s32 $0xFFFFF086  }
0x25: {  	[simem:s6], [sflag:s4] =	dma.local [hbm:s3], $0xF7A  }
0x26: {  	[smem:$0x3F9D] =	sst s1;
	(tag) =	ssettag s2;
	_ =	strace s9  }
0x27: {  	s1 =	sld [smem:$0x3FAD]  }
0x28: {  	s2 =	sld [smem:$0x3FAE]  }
0x29: {  	s4 =	sld [smem:$0x3FB0]  }
0x2a: {  	p0 =	seq.s32 s5, $0x0;
	s5 =	sld [smem:$0x3FB1]  }
0x2b: {  	s6 =	sld [smem:$0x3FB2]  }
0x2c: {  	s7 =	sld [smem:$0x3FB3]  }
0x2d: {  	s3 =	simm.s32 $0x108;
	s8 =	sld [smem:$0x3FB4]  }
0x2e: {  	s3 =	simm.s32 @!p0 $0x1082;
	s9 =	sld [smem:$0x3FB5]  }
0x2f: {  	lr =	sadd.s32 s0, s3;
	s0 =	sld [smem:$0x3FAC]  }
0x30: {  	s3 =	sld [smem:$0x3FAF]  }
0x31: {  	[smem:$0x3FB8] =	sst s10  }
0x32: {  	s10 =	sld [smem:$0x3FB6];
	_ =	sdelay $0x3  }
0x33: {  	p0 =	seq.s32 s10, $0x1;
	s10 =	sld [smem:$0x3FB8];
	_ =	sdelay $0x3  }
0x34: {  	[smem:$0x3FB8] =	sst s10  }
0x35: {  	s10 =	sld [smem:$0x3FB7];
	_ =	sdelay $0x3  }
0x36: {  	p1 =	seq.s32 s10, $0x1;
	s10 =	sld [smem:$0x3FB8];
	_ =	sdelay $0x3  }
0x37: {  	[smem:$0x3FB8] =	sst s10  }
0x38: {  	s10 =	sld [smem:$0x3FB9]  }
0x39: {  	_ = 	snop;
	(pc) =	sbr.ind lr, $3  }
0x3a: {  	_ = 	snop  }
0x3b: {  	_ = 	snop  }
0x3c: {  	p2 =	seq.s32 s10, $0x1;
	s10 =	sld [smem:$0x3FB8]  }
0x3d: {  	_ =	shalt  }
0x3e: {  	_ =	shalt  }
0x3f: {  	_ =	shalt  }
0x40: {  	_ =	shalt  }
0x41: {  	_ =	shalt  }
0x42: {  	_ =	shalt  }
0x43: {  	_ =	shalt  }
0x44: {  	_ =	shalt  }
0x45: {  	_ =	shalt  }
0x46: {  	_ =	shalt  }
0x47: {  	_ =	shalt  }
0x48: {  	_ =	shalt  }
0x49: {  	_ =	shalt  }
0x4a: {  	_ =	shalt  }
0x4b: {  	_ =	shalt  }
0x4c: {  	_ =	shalt  }
0x4d: {  	_ =	shalt  }
0x4e: {  	_ =	shalt  }
0x4f: {  	_ =	shalt  }
0x50: {  	_ =	shalt  }
0x51: {  	_ =	shalt  }
0x52: {  	_ =	shalt  }
0x53: {  	_ =	shalt  }
0x54: {  	_ =	shalt  }
0x55: {  	_ =	shalt  }
0x56: {  	_ =	shalt  }
0x57: {  	_ =	shalt  }
0x58: {  	_ =	shalt  }
0x59: {  	_ =	shalt  }
0x5a: {  	_ =	shalt  }
0x5b: {  	_ =	shalt  }
0x5c: {  	_ =	shalt  }
0x5d: {  	_ =	shalt  }
0x5e: {  	_ =	shalt  }
0x5f: {  	_ =	shalt  }
0x60: {  	_ =	shalt  }
0x61: {  	_ =	shalt  }
0x62: {  	_ =	shalt  }
0x63: {  	_ =	shalt  }
0x64: {  	_ =	shalt  }
0x65: {  	_ =	shalt  }
0x66: {  	_ =	shalt  }
0x67: {  	_ =	shalt  }
0x68: {  	_ =	shalt  }
0x69: {  	_ =	shalt  }
0x6a: {  	_ =	shalt  }
0x6b: {  	_ =	shalt  }
0x6c: {  	_ =	shalt  }
0x6d: {  	_ =	shalt  }
0x6e: {  	_ =	shalt  }
0x6f: {  	_ =	shalt  }
0x70: {  	_ =	shalt  }
0x71: {  	_ =	shalt  }
0x72: {  	_ =	shalt  }
0x73: {  	_ =	shalt  }
0x74: {  	_ =	shalt  }
0x75: {  	_ =	shalt  }
0x76: {  	_ =	shalt  }
0x77: {  	_ =	shalt  }
0x78: {  	_ =	shalt  }
0x79: {  	_ =	shalt  }
0x7a: {  	_ =	shalt  }
0x7b: {  	_ =	shalt  }
0x7c: {  	_ =	shalt  }
0x7d: {  	_ =	shalt  }
0x7e: {  	_ =	shalt  }
0x7f: {  	_ =	shalt  }
0x80: {  	_ =	shalt  }
0x81: {  	_ =	shalt  }
0x82: {  	_ =	shalt  }
0x83: {  	_ =	shalt  }
0x84: {  	_ =	shalt  }
0x85: {  	_ =	shalt  }
0x86: {  	_ =	shalt  }
0x87: {  	_ =	shalt  }
.Lfunc_end0:
.L_simem_size_0:
called_computation_lowered:
.L_overlay_start_0:
0x88: {  	s2 =	sld [smem:$0x3FD9]  }
0x89: {  	s3 =	sld [smem:$0x3FFE];
	_ =	sdelay $0x1  }
0x8a: {  	s1 =	srdreg.scid  }
0x8b: {  	s0 =	sand.u32 $0x1, s1  }
0x8c: {  	s17 =	sshll.u32 s0, $0xA;
	s2 =	sadd.s32 s3, s2  }
0x8d: {  	s2 =	sadd.s32 s2, s17  }
0x8e: {  	[smem:$0x3FC4] =	sst s2  }
0x8f: {  	_ = 	snop  }
0x90: {  	s2 =	sld [smem:$0x3FC8]  }
0x91: {  	s18 =	sld [smem:$0x3FC7]  }
0x92: {  	s4 =	sld [smem:$0x3FC6]  }
0x93: {  	s5 =	sld [smem:$0x3FD0];
	(tm) =	ssettm $0x1  }
0x94: {  	s6 =	sld [smem:$0x3FFB];
	_ =	sdelay $0x3  }
0x95: {  	_ =	strace s6  }
0x96: {  	s6 =	sld [smem:$0x3FFC];
	_ =	sdelay $0x3  }
0x97: {  	_ =	strace s6  }
0x98: {  	s6 =	sld [smem:$0x3FFD];
	_ =	sdelay $0x3  }
0x99: {  	_ =	strace s6  }
0x9a: {  	_ =	strace $0x8FFFFFFF  }
0x9b: {  	s19 =	sld [smem:$0x3FDB];
	_ =	sdelay $0x1  }
0x9c: {  	s7 =	simm.s32 $_scs_section_size  }
0x9d: {  	s8 =	simm.s32 $_size__tile_overlayer_lowered;
	s9 =	simm.s32 $_tile_overlayer_lowered  }
0x9e: {  	s22 =	simm.s32 $0x1BFF;
	s21 =	sshll.u32 s9, $0x1;
	s6 =	sadd.s32 s7, s19  }
0x9f: {  	s10 =	simm.s32 $0x0;
	s20 =	sshll.u32 s8, $0x1;
	s8 =	sadd.s32 s21, s6  }
0xa0: {  	[timem:s10], [sflag:s22] =	dma.local [hbm:s8], s20  }
0xa1: {  	_ =	swait.ge [sflag:s22], s20  }
0xa2: {  	s7 =	ssub.s32 $0x0, s20;
	[sflag:s22] =	ssyncset.done $0x0  }
0xa3: {  	[sflag:s22] =	ssyncadd.s32 s7;
	_ =	sdelay $0x1  }
0xa4: {  	s23 =	simm.s32 $0x1B8B  }
0xa5: {  	_ =	swait.ge [sflag:s23], $0x1  }
0xa6: {  	[sflag:s23] =	ssyncset.done $0x0  }
0xa7: {  	s25 =	simm.s32 $0x1B8E;
	s24 =	sld [smem:$0x3FFE];
	[sflag:s23] =	ssyncadd.s32 $0xFFFFFFFF  }
0xa8: {  	s26 =	simm.s32 $execute0_lowered;
	[smem:$0x3FD2] =	sst s25  }
0xa9: {  	s8 =	sshll.u32 s26, $0x1;
	_ =	strace $0x80000046;
	[dreg:$0x1] =	wrdreg $0xFFFFFFFF  }
0xaa: {  	s28 =	simm.s32 $_size_execute0_lowered;
	s6 =	sadd.s32 s6, s8;
	[dreg:$0x0] =	wrdreg $0x0  }
0xab: {  	s8 =	sshll.u32 s28, $0x1;
	[dreg:$0x2] =	wrdreg s6  }
0xac: {  	[dreg:$0x3] =	wrdreg s8  }
0xad: {  	[dreg:$0x4] =	wrdreg $0xC0  }
0xae: {  	_ =	task [dreg:s10], $0x5FFFF  }
0xaf: {  	[dreg:$0x1] =	wrdreg $0xFFFFFFFF  }
0xb0: {  	[dreg:$0x0] =	wrdreg $0x60  }
0xb1: {  	[dreg:$0x2] =	wrdreg s2  }
0xb2: {  	[dreg:$0x3] =	wrdreg s18  }
0xb3: {  	[dreg:$0x4] =	wrdreg s4  }
0xb4: {  	[dreg:$0x5] =	wrdreg s24  }
0xb5: {  	[dreg:$0x6] =	wrdreg s5  }
0xb6: {  	[dreg:$0x7] =	wrdreg $0x160000  }
0xb7: {  	[dreg:$0x8] =	wrdreg $0x170000  }
0xb8: {  	[dreg:$0x9] =	wrdreg $0x180000  }
0xb9: {  	[dreg:$0xa] =	wrdreg $0x9  }
0xba: {  	_ =	task.clear_ibuf [dreg:s10], $0xBFFFF;
	_ =	strace $0x90000046  }
0xbb: {  	s29 =	simm.s32 $0x9;
	_ =	strace $0x80000048  }
0xbc: {  	_ =	swait.ge [sflag:s29], $0x1  }
0xbd: {  	[sflag:s29] =	ssyncadd.s32 $0xFFFFFFFF  }
0xbe: {  	_ =	strace $0x90000048  }
0xbf: {  	_ =	sfence  }
0xc0: {  	s30 =	sld [smem:$0x0];
	_ =	sdelay $0x2  }
0xc1: {  	s31 =	sshll.u32 s1, $0xD;
	s1 =	sshrl.u32 s1, $0x2  }
0xc2: {  	s3 =	sand.u32 $0x4000, s31;
	s1 =	sadd.s32 s1, s30  }
0xc3: {  	s0 =	sor.u32 s3, s0;
	s1 =	sshll.u32 s1, $0x11  }
0xc4: {  	s0 =	sor.u32 s1, s0  }
0xc5: {  	s0 =	sadd.s32 $0x8F2B, s0  }
0xc6: {  	[sflag:s0] =	ssyncadd.remote.s32 $0x1  }
0xc7: {  	_ =	sfence.sel $0xFFFF  }
0xc8: {  	[dreg:$0x0] =	wrdreg $0xFFFFFFFF;
	(pc) =	sbr.abs _section_cstart, $3  }
0xc9: {  	[dreg:$0x1] =	wrdreg $0xFFFFFFFF  }
0xca: {  	_ =	task.clear_ibuf [dreg:s10], $0x2FFFF;
	_ =	strace $0x9FFFFFFF  }
0xcb: {  	(tm) =	ssettm $0x7FFFFFFF  }
tec
execute0_lowered:
.L_overlay_start_1:
0x0: {  	(tag) =	ssettag $0x1  }
0x1: {  	s0 =	rddreg [dreg:$0x0]  }
0x2: {  	s3 =	rddreg [dreg:$0x1]  }
0x3: {  	s7 =	rddreg [dreg:$0x2]  }
0x4: {  	s8 =	rddreg [dreg:$0x3]  }
0x5: {  	s1 =	rddreg [dreg:$0x4]  }
0x6: {  	s2 =	rddreg [dreg:$0x5]  }
0x7: {  	s4 =	rddreg [dreg:$0x6]  }
0x8: {  	s5 =	rddreg [dreg:$0x7]  }
0x9: {  	s9 =	srdreg.scid;
	s16 =	stileid.u32  }
0xa: {  	s6 =	simm.s32 $0x0;
	s9 =	sand.u32 $0x1, s9;
	s10 =	sshll.u32 s16, $0x1  }
0xb: {  	[smem:$0x7FF] =	sst s6;
	s17 =	sshll.u32 s16, $0xC;
	s14 =	sshll.u32 s16, $0x9  }
0xc: {  	s18 =	sshll.u32 s16, $0x6;
	s20 =	sshll.u32 s16, $0x7;
	s10 =	sor.u32 s9, s10  }
0xd: {  	s11 =	ssub.s32 $0x2, s9;
	_ =	strace $0x80000047;
	s15 =	sadd.s32 s17, s2  }
0xe: {  	s0 =	sadd.s32 s0, s14;
	s3 =	sadd.s32 s3, s14;
	s7 =	sadd.s32 s7, s14  }
0xf: {  	s9 =	sshll.u32 s9, $0x6;
	s12 =	sshll.u32 s10, $0xA;
	[dreg:$0xc] =	wrdreg s0  }
0x10: {  	s0 =	sadd.s32 s17, s4;
	[dreg:$0xd] =	wrdreg s3;
	s19 =	smul.u32 $0x60000, s10  }
0x11: {  	[dreg:$0xe] =	wrdreg s7;
	s10 =	smul.u32 $0x300000, s10;
	s9 =	sor.u32 s9, s20  }
0x12: {  	s12 =	sadd.s32 s12, s8;
	s23 =	sor.u32 $0x4, s9;
	s0 =	sshrl.u32 s0, $0x3  }
0x13: {  	s26 =	sor.u32 $0x6, s9;
	s21 =	sadd.s32 $0x400, s12;
	[smem:$0x7FB] =	sst s0  }
0x14: {  	s9 =	smul.u32 $0x1800, s9;
	s22 =	sadd.s32 $0x8400, s12;
	[dreg:$0xf] =	wrdreg s21  }
0x15: {  	s12 =	sadd.s32 $0x10400, s12;
	s24 =	sshrl.u32 s10, $0x3;
	[dreg:$0x10] =	wrdreg s22  }
0x16: {  	s3 =	sadd.s32 s17, s5;
	[dreg:$0x11] =	wrdreg s12;
	s7 =	sadd.s32 s1, s24  }
0x17: {  	s25 =	sshrl.u32 s23, $0x2;
	[dreg:$0xa] =	wrdreg s9;
	s16 =	sadd.s32 $0x1800, s7  }
0x18: {  	s10 =	smul.u32 $0x6000, s25;
	s17 =	sadd.s32 $0x1880, s7;
	[dreg:$0x12] =	wrdreg s16  }
0x19: {  	[dreg:$0x13] =	wrdreg s17  }
0x1a: {  	s14 =	sadd.s32 s1, s19;
	s19 =	sadd.s32 $0x1900, s7;
	[dreg:$0x9] =	wrdreg s10  }
0x1b: {  	s20 =	sadd.s32 $0x3000, s7;
	[dreg:$0x14] =	wrdreg s19  }
0x1c: {  	s21 =	sadd.s32 $0x3080, s7;
	[dreg:$0x15] =	wrdreg s20  }
0x1d: {  	s22 =	sadd.s32 $0x3100, s7;
	[dreg:$0x16] =	wrdreg s21  }
0x1e: {  	s23 =	sadd.s32 $0x4800, s7;
	[dreg:$0x17] =	wrdreg s22  }
0x1f: {  	s13 =	sshrl.u32 s11, $0x1;
	s24 =	sadd.s32 $0x4880, s7;
	[dreg:$0x18] =	wrdreg s23  }
0x20: {  	s8 =	sor.u32 $0x1C09, s18;
	s25 =	sadd.s32 $0x4900, s7;
	[dreg:$0x19] =	wrdreg s24  }
0x21: {  	s12 =	sshrl.u32 s26, $0x1;
	s26 =	sadd.s32 $0x5A000, s7;
	[dreg:$0x1a] =	wrdreg s25  }
0x22: {  	s18 =	smul.u32 $0x3000, s12;
	s12 =	sadd.s32 $0x5A100, s7;
	[dreg:$0x1b] =	wrdreg s26  }
0x23: {  	s11 =	ssub.s32 s11, s13;
	s13 =	sadd.s32 $0x5B800, s7;
	[dreg:$0x1d] =	wrdreg s12  }
0x24: {  	[dreg:$0x1e] =	wrdreg s13  }
0x25: {  	s10 =	sadd.s32 $0x5A080, s7;
	[dreg:$0xb] =	wrdreg s18  }
0x26: {  	s16 =	sadd.s32 $0x5B880, s7;
	[dreg:$0x1c] =	wrdreg s10  }
0x27: {  	s17 =	sadd.s32 $0x5B900, s7;
	[dreg:$0x1f] =	wrdreg s16  }
0x28: {  	s28 =	simm.s32 $0xC00;
	s19 =	sadd.s32 $0x5D080, s7;
	[smem:$0x7F2] =	sst s17  }
0x29: {  	s29 =	simm.s32 $0x12000;
	s20 =	sadd.s32 $0x5D100, s7;
	[smem:$0x7F4] =	sst s19  }
0x2a: {  	s30 =	simm.s32 $0x2;
	s21 =	sadd.s32 $0x5E800, s7;
	[smem:$0x7F5] =	sst s20  }
0x2b: {  	s31 =	simm.s32 $0x5;
	s22 =	sadd.s32 $0x5E880, s7;
	[smem:$0x7F6] =	sst s21  }
0x2c: {  	s0 =	simm.s32 $0x3;
	s23 =	smax.u32 s11, $0x1;
	[smem:$0x7F7] =	sst s22  }
0x2d: {  	s9 =	simm.s32 $0x8;
	s24 =	sshrl.u32 s15, $0x3;
	[smem:$0x7F9] =	sst s23  }
0x2e: {  	s25 =	sshrl.u32 s3, $0x3;
	s26 =	sadd.s32 $0x80, s14;
	[smem:$0x7FA] =	sst s24  }
0x2f: {  	s3 =	simm.s32 $0x6;
	s18 =	sadd.s32 $0x5D000, s7;
	[smem:$0x7FC] =	sst s25  }
0x30: {  	s7 =	sadd.s32 $0x5E900, s7;
	[smem:$0x7FD] =	sst s26;
	s17 =	sadd.s32 $0x100, s14  }
0x31: {  	s21 =	simm.s32 $0x80;
	s22 =	simm.s32 $0x6000;
	s23 =	simm.s32 $0xA000  }
0x32: {  	s24 =	simm.s32 $0xE000;
	s25 =	simm.s32 $0x1;
	s26 =	simm.s32 $0x400  }
0x33: {  	s19 =	simm.s32 $0x7;
	s20 =	simm.s32 $0x0;
	[smem:$0x7F3] =	sst s18  }
0x34: {  	[smem:$0x7F8] =	sst s7;
	s18 =	simm.s32 $0x9;
	s7 =	simm.s32 $0x4  }
.LBB2_1:
0x35: {  	s11 =	sld [smem:$0x7FA];
	_ =	sdelay $0x1  }
0x36: {  	s10 =	rddreg [dreg:$0xc]  }
0x37: {  	[spmem:s11], [sflag:s8] =	dma.local [hbm:s10], $0x200  }
0x38: {  	_ =	swait.ge [sflag:s18], $0x200  }
0x39: {  	s13 =	sld [smem:$0x7FB]  }
0x3a: {  	[sflag:s18] =	ssyncset.done $0x0  }
0x3b: {  	s12 =	rddreg [dreg:$0xd];
	[sflag:s18] =	ssyncadd.s32 $0xFFFFFE00  }
0x3c: {  	[spmem:s13], [sflag:s8] =	dma.local [hbm:s12], $0x200  }
0x3d: {  	_ =	swait.ge [sflag:s18], $0x200  }
0x3e: {  	s16 =	sld [smem:$0x7FC]  }
0x3f: {  	[sflag:s18] =	ssyncset.done $0x0  }
0x40: {  	s15 =	rddreg [dreg:$0xe];
	[sflag:s18] =	ssyncadd.s32 $0xFFFFFE00  }
0x41: {  	[spmem:s16], [sflag:s8] =	dma.local [hbm:s15], $0x200  }
0x42: {  	_ =	swait.ge [sflag:s18], $0x200  }
0x43: {  	[sflag:s18] =	ssyncset.done $0x0  }
0x44: {  	s11 =	rddreg [dreg:$0xf];
	[sflag:s18] =	ssyncadd.s32 $0xFFFFFE00  }
0x45: {  	[tilespmem:s6], [sflag:$0x9] =	stream.linear.gather [hbm4b:s11+s6], $0x2000, $0x38;
	[tilespmem:$0x19000] =	vst v63  }
0x46: {  	_ =	swait.ge [sflag:s18], $0x2000  }
0x47: {  	[sflag:s18] =	ssyncset.done $0x0  }
0x48: {  	s13 =	simm.s32 $0x2000;
	s12 =	rddreg [dreg:$0x10];
	[sflag:s18] =	ssyncadd.s32 $0xFFFFE000  }
0x49: {  	[tilespmem:s13], [sflag:$0x9] =	stream.linear.gather [hbm4b:s12+s6], $0x2000, $0x38;
	[tilespmem:$0x19000] =	vst v63  }
0x4a: {  	_ =	swait.ge [sflag:s18], $0x2000  }
0x4b: {  	[sflag:s18] =	ssyncset.done $0x0  }
0x4c: {  	s12 =	simm.s32 $0x4000;
	s15 =	rddreg [dreg:$0x11];
	[sflag:s18] =	ssyncadd.s32 $0xFFFFE000  }
0x4d: {  	[tilespmem:s12], [sflag:$0x9] =	stream.linear.gather [hbm4b:s15+s6], $0x2000, $0x38;
	[tilespmem:$0x19000] =	vst v63  }
0x4e: {  	_ =	swait.ge [sflag:s18], $0x2000  }
0x4f: {  	[sflag:s18] =	ssyncset.done $0x0  }
0x50: {  	[sflag:s18] =	ssyncadd.s32 $0xFFFFE000  }
0x51: {  	[bflag:$0x0] =	sbarrier.arrive $0xFFFF  }
0x52: {  	[tilespmem:s22], [sflag:$0x1] =	stream.indirect.gather [spmem:s2], $0x80, s6, s21, $0xb8;
	[tilespmem:$0x19000] =	vst v63  }
0x53: {  	_ = 	snop  }
0x54: {  	[tilespmem:s23], [sflag:$0x2] =	stream.indirect.gather [spmem:s4], $0x80, s13, s21, $0xb8;
	[tilespmem:$0x19000] =	vst v63  }
0x55: {  	_ = 	snop  }
0x56: {  	[tilespmem:s24], [sflag:$0x3] =	stream.indirect.gather [spmem:s5], $0x80, s12, s21, $0xb8;
	[tilespmem:$0x19000] =	vst v63  }
0x57: {  	_ =	swait.ge [sflag:s25], $0x4000  }
0x58: {  	[sflag:s25] =	ssyncset.done $0x0  }
0x59: {  	[sflag:s25] =	ssyncadd.s32 $0xFFFFC000  }
0x5a: {  	[hbm4b:s14+s26] =	stream.strided.scatter [tilespmem:s22], [sflag:$0x5], $0x4000, s28, s26, $0x38;
	[tilespmem:$0x19000] =	vst v63  }
0x5b: {  	_ = 	snop  }
0x5c: {  	[tilespmem:s29], [sflag:$0x4] =	stream.indirect.gather [spmem:s2], $0x80, s21, s21, $0xb8;
	[tilespmem:$0x19000] =	vst v63  }
0x5d: {  	_ =	swait.ge [sflag:s30], $0x4000  }
0x5e: {  	s16 =	sld [smem:$0x7FD]  }
0x5f: {  	[sflag:s30] =	ssyncset.done $0x0  }
0x60: {  	[sflag:s30] =	ssyncadd.s32 $0xFFFFC000  }
0x61: {  	[hbm4b:s16+s26] =	stream.strided.scatter [tilespmem:s23], [sflag:$0x6], $0x4000, s28, s26, $0x38;
	[tilespmem:$0x19000] =	vst v63  }
0x62: {  	_ =	swait.ge [sflag:s31], $0x4000  }
0x63: {  	[sflag:s31] =	ssyncset.done $0x0  }
0x64: {  	s11 =	simm.s32 $0x2080;
	[sflag:s31] =	ssyncadd.s32 $0xFFFFC000  }
0x65: {  	[tilespmem:s22], [sflag:$0x1] =	stream.indirect.gather [spmem:s4], $0x80, s11, s21, $0xb8;
	[tilespmem:$0x19000] =	vst v63  }
0x66: {  	_ =	swait.ge [sflag:s0], $0x4000  }
0x67: {  	[sflag:s0] =	ssyncset.done $0x0  }
0x68: {  	[sflag:s0] =	ssyncadd.s32 $0xFFFFC000  }
0x69: {  	[hbm4b:s17+s26] =	stream.strided.scatter [tilespmem:s24], [sflag:$0x7], $0x4000, s28, s26, $0x38;
	[tilespmem:$0x19000] =	vst v63  }
0x6a: {  	_ =	swait.ge [sflag:s3], $0x4000  }
0x6b: {  	[sflag:s3] =	ssyncset.done $0x0  }
0x6c: {  	s12 =	simm.s32 $0x4080;
	[sflag:s3] =	ssyncadd.s32 $0xFFFFC000  }
0x6d: {  	[tilespmem:s23], [sflag:$0x2] =	stream.indirect.gather [spmem:s5], $0x80, s12, s21, $0xb8;
	[tilespmem:$0x19000] =	vst v63  }
0x6e: {  	_ =	swait.ge [sflag:s7], $0x4000  }
0x6f: {  	[sflag:s7] =	ssyncset.done $0x0  }
0x70: {  	s13 =	rddreg [dreg:$0x12];
	[sflag:s7] =	ssyncadd.s32 $0xFFFFC000  }
0x71: {  	[hbm4b:s13+s26] =	stream.strided.scatter [tilespmem:s29], [sflag:$0x8], $0x4000, s28, s26, $0x38;
	[tilespmem:$0x19000] =	vst v63  }
0x72: {  	_ =	swait.ge [sflag:s19], $0x4000  }
0x73: {  	[sflag:s19] =	ssyncset.done $0x0  }
0x74: {  	s15 =	simm.s32 $0x100;
	[sflag:s19] =	ssyncadd.s32 $0xFFFFC000  }
0x75: {  	[tilespmem:s24], [sflag:$0x3] =	stream.indirect.gather [spmem:s2], $0x80, s15, s21, $0xb8;
	[tilespmem:$0x19000] =	vst v63  }
0x76: {  	_ =	swait.ge [sflag:s25], $0x4000  }
0x77: {  	[sflag:s25] =	ssyncset.done $0x0  }
0x78: {  	s16 =	rddreg [dreg:$0x13];
	[sflag:s25] =	ssyncadd.s32 $0xFFFFC000  }
0x79: {  	[hbm4b:s16+s26] =	stream.strided.scatter [tilespmem:s22], [sflag:$0x5], $0x4000, s28, s26, $0x38;
	[tilespmem:$0x19000] =	vst v63  }
0x7a: {  	_ =	swait.ge [sflag:s9], $0x4000  }
0x7b: {  	[sflag:s9] =	ssyncset.done $0x0  }
0x7c: {  	s11 =	simm.s32 $0x2100;
	[sflag:s9] =	ssyncadd.s32 $0xFFFFC000  }
0x7d: {  	[tilespmem:s29], [sflag:$0x4] =	stream.indirect.gather [spmem:s4], $0x80, s11, s21, $0xb8;
	[tilespmem:$0x19000] =	vst v63  }
0x7e: {  	_ =	swait.ge [sflag:s30], $0x4000  }
0x7f: {  	[sflag:s30] =	ssyncset.done $0x0  }
0x80: {  	s12 =	rddreg [dreg:$0x14];
	[sflag:s30] =	ssyncadd.s32 $0xFFFFC000  }
0x81: {  	[hbm4b:s12+s26] =	stream.strided.scatter [tilespmem:s23], [sflag:$0x6], $0x4000, s28, s26, $0x38;
	[tilespmem:$0x19000] =	vst v63  }
0x82: {  	_ =	swait.ge [sflag:s31], $0x4000  }
0x83: {  	[sflag:s31] =	ssyncset.done $0x0  }
0x84: {  	s13 =	simm.s32 $0x4100;
	[sflag:s31] =	ssyncadd.s32 $0xFFFFC000  }
0x85: {  	[tilespmem:s22], [sflag:$0x1] =	stream.indirect.gather [spmem:s5], $0x80, s13, s21, $0xb8;
	[tilespmem:$0x19000] =	vst v63  }
0x86: {  	_ =	swait.ge [sflag:s0], $0x4000  }
0x87: {  	[sflag:s0] =	ssyncset.done $0x0  }
0x88: {  	s15 =	rddreg [dreg:$0x15];
	[sflag:s0] =	ssyncadd.s32 $0xFFFFC000  }
0x89: {  	[hbm4b:s15+s26] =	stream.strided.scatter [tilespmem:s24], [sflag:$0x7], $0x4000, s28, s26, $0x38;
	[tilespmem:$0x19000] =	vst v63  }
0x8a: {  	_ =	swait.ge [sflag:s3], $0x4000  }
0x8b: {  	[sflag:s3] =	ssyncset.done $0x0  }
0x8c: {  	s16 =	simm.s32 $0x180;
	[sflag:s3] =	ssyncadd.s32 $0xFFFFC000  }
0x8d: {  	[tilespmem:s23], [sflag:$0x2] =	stream.indirect.gather [spmem:s2], $0x80, s16, s21, $0xb8;
	[tilespmem:$0x19000] =	vst v63  }
0x8e: {  	_ =	swait.ge [sflag:s7], $0x4000  }
0x8f: {  	[sflag:s7] =	ssyncset.done $0x0  }
0x90: {  	s11 =	rddreg [dreg:$0x16];
	[sflag:s7] =	ssyncadd.s32 $0xFFFFC000  }
0x91: {  	[hbm4b:s11+s26] =	stream.strided.scatter [tilespmem:s29], [sflag:$0x8], $0x4000, s28, s26, $0x38;
	[tilespmem:$0x19000] =	vst v63  }
0x92: {  	_ =	swait.ge [sflag:s19], $0x4000  }
0x93: {  	[sflag:s19] =	ssyncset.done $0x0  }
0x94: {  	s12 =	simm.s32 $0x2180;
	[sflag:s19] =	ssyncadd.s32 $0xFFFFC000  }
0x95: {  	[tilespmem:s24], [sflag:$0x3] =	stream.indirect.gather [spmem:s4], $0x80, s12, s21, $0xb8;
	[tilespmem:$0x19000] =	vst v63  }
0x96: {  	_ =	swait.ge [sflag:s25], $0x4000  }
0x97: {  	[sflag:s25] =	ssyncset.done $0x0  }
0x98: {  	s13 =	rddreg [dreg:$0x17];
	[sflag:s25] =	ssyncadd.s32 $0xFFFFC000  }
0x99: {  	[hbm4b:s13+s26] =	stream.strided.scatter [tilespmem:s22], [sflag:$0x5], $0x4000, s28, s26, $0x38;
	[tilespmem:$0x19000] =	vst v63  }
0x9a: {  	_ =	swait.ge [sflag:s9], $0x4000  }
0x9b: {  	[sflag:s9] =	ssyncset.done $0x0  }
0x9c: {  	s15 =	simm.s32 $0x4180;
	[sflag:s9] =	ssyncadd.s32 $0xFFFFC000  }
0x9d: {  	[tilespmem:s29], [sflag:$0x4] =	stream.indirect.gather [spmem:s5], $0x80, s15, s21, $0xb8;
	[tilespmem:$0x19000] =	vst v63  }
0x9e: {  	_ =	swait.ge [sflag:s30], $0x4000  }
0x9f: {  	[sflag:s30] =	ssyncset.done $0x0  }
0xa0: {  	s16 =	rddreg [dreg:$0x18];
	[sflag:s30] =	ssyncadd.s32 $0xFFFFC000  }
0xa1: {  	[hbm4b:s16+s26] =	stream.strided.scatter [tilespmem:s23], [sflag:$0x6], $0x4000, s28, s26, $0x38;
	[tilespmem:$0x19000] =	vst v63  }
0xa2: {  	_ =	swait.ge [sflag:s31], $0x4000  }
0xa3: {  	[sflag:s31] =	ssyncset.done $0x0  }
0xa4: {  	s11 =	simm.s32 $0x200;
	[sflag:s31] =	ssyncadd.s32 $0xFFFFC000  }
0xa5: {  	[tilespmem:s22], [sflag:$0x1] =	stream.indirect.gather [spmem:s2], $0x80, s11, s21, $0xb8;
	[tilespmem:$0x19000] =	vst v63  }
0xa6: {  	_ =	swait.ge [sflag:s0], $0x4000  }
0xa7: {  	[sflag:s0] =	ssyncset.done $0x0  }
0xa8: {  	s12 =	rddreg [dreg:$0x19];
	[sflag:s0] =	ssyncadd.s32 $0xFFFFC000  }
0xa9: {  	[hbm4b:s12+s26] =	stream.strided.scatter [tilespmem:s24], [sflag:$0x7], $0x4000, s28, s26, $0x38;
	[tilespmem:$0x19000] =	vst v63  }
0xaa: {  	_ =	swait.ge [sflag:s3], $0x4000  }
0xab: {  	[sflag:s3] =	ssyncset.done $0x0  }
0xac: {  	s13 =	simm.s32 $0x2200;
	[sflag:s3] =	ssyncadd.s32 $0xFFFFC000  }
0xad: {  	[tilespmem:s23], [sflag:$0x2] =	stream.indirect.gather [spmem:s4], $0x80, s13, s21, $0xb8;
	[tilespmem:$0x19000] =	vst v63  }
0xae: {  	_ =	swait.ge [sflag:s7], $0x4000  }
0xaf: {  	[sflag:s7] =	ssyncset.done $0x0  }
0xb0: {  	s15 =	rddreg [dreg:$0x1a];
	[sflag:s7] =	ssyncadd.s32 $0xFFFFC000  }
0xb1: {  	[hbm4b:s15+s26] =	stream.strided.scatter [tilespmem:s29], [sflag:$0x8], $0x4000, s28, s26, $0x38;
	[tilespmem:$0x19000] =	vst v63  }
0xb2: {  	_ =	swait.ge [sflag:s19], $0x4000  }
0xb3: {  	[sflag:s19] =	ssyncset.done $0x0  }
0xb4: {  	s16 =	simm.s32 $0x4200;
	[sflag:s19] =	ssyncadd.s32 $0xFFFFC000  }
0xb5: {  	[tilespmem:s24], [sflag:$0x3] =	stream.indirect.gather [spmem:s5], $0x80, s16, s21, $0xb8;
	[tilespmem:$0x19000] =	vst v63  }
0xb6: {  	_ =	swait.ge [sflag:s25], $0x4000  }
0xb7: {  	s11 =	rddreg [dreg:$0x9];
	[sflag:s25] =	ssyncset.done $0x0  }
0xb8: {  	[sflag:s25] =	ssyncadd.s32 $0xFFFFC000;
	s10 =	sadd.s32 s1, s11  }
0xb9: {  	[hbm4b:s10+s26] =	stream.strided.scatter [tilespmem:s22], [sflag:$0x5], $0x4000, s28, s26, $0x38;
	[tilespmem:$0x19000] =	vst v63  }
0xba: {  	_ =	swait.ge [sflag:s9], $0x4000  }
0xbb: {  	[sflag:s9] =	ssyncset.done $0x0  }
0xbc: {  	s12 =	simm.s32 $0x280;
	[sflag:s9] =	ssyncadd.s32 $0xFFFFC000  }
0xbd: {  	[tilespmem:s29], [sflag:$0x4] =	stream.indirect.gather [spmem:s2], $0x80, s12, s21, $0xb8;
	[tilespmem:$0x19000] =	vst v63  }
0xbe: {  	_ =	swait.ge [sflag:s30], $0x4000  }
0xbf: {  	[sflag:s30] =	ssyncset.done $0x0  }
0xc0: {  	s13 =	sadd.s32 $0x80, s10;
	[sflag:s30] =	ssyncadd.s32 $0xFFFFC000  }
0xc1: {  	[hbm4b:s13+s26] =	stream.strided.scatter [tilespmem:s23], [sflag:$0x6], $0x4000, s28, s26, $0x38;
	[tilespmem:$0x19000] =	vst v63  }
0xc2: {  	_ =	swait.ge [sflag:s31], $0x4000  }
0xc3: {  	[sflag:s31] =	ssyncset.done $0x0  }
0xc4: {  	s15 =	simm.s32 $0x2280;
	[sflag:s31] =	ssyncadd.s32 $0xFFFFC000  }
0xc5: {  	[tilespmem:s22], [sflag:$0x1] =	stream.indirect.gather [spmem:s4], $0x80, s15, s21, $0xb8;
	[tilespmem:$0x19000] =	vst v63  }
0xc6: {  	_ =	swait.ge [sflag:s0], $0x4000  }
0xc7: {  	[sflag:s0] =	ssyncset.done $0x0  }
0xc8: {  	s10 =	sadd.s32 $0x100, s10;
	[sflag:s0] =	ssyncadd.s32 $0xFFFFC000  }
0xc9: {  	[hbm4b:s10+s26] =	stream.strided.scatter [tilespmem:s24], [sflag:$0x7], $0x4000, s28, s26, $0x38;
	[tilespmem:$0x19000] =	vst v63  }
0xca: {  	_ =	swait.ge [sflag:s3], $0x4000  }
0xcb: {  	[sflag:s3] =	ssyncset.done $0x0  }
0xcc: {  	s16 =	simm.s32 $0x4280;
	[sflag:s3] =	ssyncadd.s32 $0xFFFFC000  }
0xcd: {  	[tilespmem:s23], [sflag:$0x2] =	stream.indirect.gather [spmem:s5], $0x80, s16, s21, $0xb8;
	[tilespmem:$0x19000] =	vst v63  }
0xce: {  	_ =	swait.ge [sflag:s7], $0x4000  }
0xcf: {  	s11 =	rddreg [dreg:$0xa]  }
0xd0: {  	[sflag:s7] =	ssyncset.done $0x0;
	s10 =	sadd.s32 s1, s11  }
0xd1: {  	[sflag:s7] =	ssyncadd.s32 $0xFFFFC000;
	s12 =	sadd.s32 $0x7800, s10  }
0xd2: {  	[hbm4b:s12+s26] =	stream.strided.scatter [tilespmem:s29], [sflag:$0x8], $0x4000, s28, s26, $0x38;
	[tilespmem:$0x19000] =	vst v63  }
0xd3: {  	_ =	swait.ge [sflag:s19], $0x4000  }
0xd4: {  	[sflag:s19] =	ssyncset.done $0x0  }
0xd5: {  	s13 =	simm.s32 $0x300;
	[sflag:s19] =	ssyncadd.s32 $0xFFFFC000  }
0xd6: {  	[tilespmem:s24], [sflag:$0x3] =	stream.indirect.gather [spmem:s2], $0x80, s13, s21, $0xb8;
	[tilespmem:$0x19000] =	vst v63  }
0xd7: {  	_ =	swait.ge [sflag:s25], $0x4000  }
0xd8: {  	[sflag:s25] =	ssyncset.done $0x0  }
0xd9: {  	s15 =	sadd.s32 $0x7880, s10;
	[sflag:s25] =	ssyncadd.s32 $0xFFFFC000  }
0xda: {  	[hbm4b:s15+s26] =	stream.strided.scatter [tilespmem:s22], [sflag:$0x5], $0x4000, s28, s26, $0x38;
	[tilespmem:$0x19000] =	vst v63  }
0xdb: {  	_ =	swait.ge [sflag:s9], $0x4000  }
0xdc: {  	[sflag:s9] =	ssyncset.done $0x0  }
0xdd: {  	s16 =	simm.s32 $0x2300;
	[sflag:s9] =	ssyncadd.s32 $0xFFFFC000  }
0xde: {  	[tilespmem:s29], [sflag:$0x4] =	stream.indirect.gather [spmem:s4], $0x80, s16, s21, $0xb8;
	[tilespmem:$0x19000] =	vst v63  }
0xdf: {  	_ =	swait.ge [sflag:s30], $0x4000  }
0xe0: {  	[sflag:s30] =	ssyncset.done $0x0  }
0xe1: {  	s12 =	sadd.s32 $0x7900, s10;
	[sflag:s30] =	ssyncadd.s32 $0xFFFFC000  }
0xe2: {  	[hbm4b:s12+s26] =	stream.strided.scatter [tilespmem:s23], [sflag:$0x6], $0x4000, s28, s26, $0x38;
	[tilespmem:$0x19000] =	vst v63  }
0xe3: {  	_ =	swait.ge [sflag:s31], $0x4000  }
0xe4: {  	[sflag:s31] =	ssyncset.done $0x0  }
0xe5: {  	s13 =	simm.s32 $0x4300;
	[sflag:s31] =	ssyncadd.s32 $0xFFFFC000  }
0xe6: {  	[tilespmem:s22], [sflag:$0x1] =	stream.indirect.gather [spmem:s5], $0x80, s13, s21, $0xb8;
	[tilespmem:$0x19000] =	vst v63  }
0xe7: {  	_ =	swait.ge [sflag:s0], $0x4000  }
0xe8: {  	s15 =	rddreg [dreg:$0xb];
	[sflag:s0] =	ssyncset.done $0x0  }
0xe9: {  	[sflag:s0] =	ssyncadd.s32 $0xFFFFC000;
	s11 =	sadd.s32 s1, s15  }
0xea: {  	[hbm4b:s11+s26] =	stream.strided.scatter [tilespmem:s24], [sflag:$0x7], $0x4000, s28, s26, $0x38;
	[tilespmem:$0x19000] =	vst v63  }
0xeb: {  	_ =	swait.ge [sflag:s3], $0x4000  }
0xec: {  	[sflag:s3] =	ssyncset.done $0x0  }
0xed: {  	s16 =	simm.s32 $0x380;
	[sflag:s3] =	ssyncadd.s32 $0xFFFFC000  }
0xee: {  	[tilespmem:s23], [sflag:$0x2] =	stream.indirect.gather [spmem:s2], $0x80, s16, s21, $0xb8;
	[tilespmem:$0x19000] =	vst v63  }
0xef: {  	_ =	swait.ge [sflag:s7], $0x4000  }
0xf0: {  	[sflag:s7] =	ssyncset.done $0x0  }
0xf1: {  	s13 =	sadd.s32 $0x80, s11;
	[sflag:s7] =	ssyncadd.s32 $0xFFFFC000  }
0xf2: {  	[hbm4b:s13+s26] =	stream.strided.scatter [tilespmem:s29], [sflag:$0x8], $0x4000, s28, s26, $0x38;
	[tilespmem:$0x19000] =	vst v63  }
0xf3: {  	_ =	swait.ge [sflag:s19], $0x4000  }
0xf4: {  	[sflag:s19] =	ssyncset.done $0x0  }
0xf5: {  	s15 =	simm.s32 $0x2380;
	[sflag:s19] =	ssyncadd.s32 $0xFFFFC000  }
0xf6: {  	[tilespmem:s24], [sflag:$0x3] =	stream.indirect.gather [spmem:s4], $0x80, s15, s21, $0xb8;
	[tilespmem:$0x19000] =	vst v63  }
0xf7: {  	_ =	swait.ge [sflag:s25], $0x4000  }
0xf8: {  	[sflag:s25] =	ssyncset.done $0x0  }
0xf9: {  	s11 =	sadd.s32 $0x100, s11;
	[sflag:s25] =	ssyncadd.s32 $0xFFFFC000  }
0xfa: {  	[hbm4b:s11+s26] =	stream.strided.scatter [tilespmem:s22], [sflag:$0x5], $0x4000, s28, s26, $0x38;
	[tilespmem:$0x19000] =	vst v63  }
0xfb: {  	_ =	swait.ge [sflag:s9], $0x4000  }
0xfc: {  	[sflag:s9] =	ssyncset.done $0x0  }
0xfd: {  	s16 =	simm.s32 $0x4380;
	[sflag:s9] =	ssyncadd.s32 $0xFFFFC000  }
0xfe: {  	[tilespmem:s29], [sflag:$0x4] =	stream.indirect.gather [spmem:s5], $0x80, s16, s21, $0xb8;
	[tilespmem:$0x19000] =	vst v63  }
0xff: {  	_ =	swait.ge [sflag:s30], $0x4000  }
0x100: {  	[sflag:s30] =	ssyncset.done $0x0  }
0x101: {  	s12 =	sadd.s32 $0xA800, s10;
	[sflag:s30] =	ssyncadd.s32 $0xFFFFC000  }
0x102: {  	[hbm4b:s12+s26] =	stream.strided.scatter [tilespmem:s23], [sflag:$0x6], $0x4000, s28, s26, $0x38;
	[tilespmem:$0x19000] =	vst v63  }
0x103: {  	_ =	swait.ge [sflag:s31], $0x4000  }
0x104: {  	[sflag:s31] =	ssyncset.done $0x0  }
0x105: {  	s13 =	simm.s32 $0x400;
	[sflag:s31] =	ssyncadd.s32 $0xFFFFC000  }
0x106: {  	[tilespmem:s22], [sflag:$0x1] =	stream.indirect.gather [spmem:s2], $0x80, s13, s21, $0xb8;
	[tilespmem:$0x19000] =	vst v63  }
0x107: {  	_ =	swait.ge [sflag:s0], $0x4000  }
0x108: {  	[sflag:s0] =	ssyncset.done $0x0  }
0x109: {  	s15 =	sadd.s32 $0xA880, s10;
	[sflag:s0] =	ssyncadd.s32 $0xFFFFC000  }
0x10a: {  	[hbm4b:s15+s26] =	stream.strided.scatter [tilespmem:s24], [sflag:$0x7], $0x4000, s28, s26, $0x38;
	[tilespmem:$0x19000] =	vst v63  }
0x10b: {  	_ =	swait.ge [sflag:s3], $0x4000  }
0x10c: {  	[sflag:s3] =	ssyncset.done $0x0  }
0x10d: {  	s16 =	simm.s32 $0x2400;
	[sflag:s3] =	ssyncadd.s32 $0xFFFFC000  }
0x10e: {  	[tilespmem:s23], [sflag:$0x2] =	stream.indirect.gather [spmem:s4], $0x80, s16, s21, $0xb8;
	[tilespmem:$0x19000] =	vst v63  }
0x10f: {  	_ =	swait.ge [sflag:s7], $0x4000  }
0x110: {  	[sflag:s7] =	ssyncset.done $0x0  }
0x111: {  	s10 =	sadd.s32 $0xA900, s10;
	[sflag:s7] =	ssyncadd.s32 $0xFFFFC000  }
0x112: {  	[hbm4b:s10+s26] =	stream.strided.scatter [tilespmem:s29], [sflag:$0x8], $0x4000, s28, s26, $0x38;
	[tilespmem:$0x19000] =	vst v63  }
0x113: {  	_ =	swait.ge [sflag:s19], $0x4000  }
0x114: {  	s11 =	sadd.s32 $0x6000, s1;
	[sflag:s19] =	ssyncset.done $0x0  }
0x115: {  	s12 =	simm.s32 $0x4400;
	s10 =	simm.s32 $0x800;
	[sflag:s19] =	ssyncadd.s32 $0xFFFFC000  }
.LBB2_2:
0x116: {  	[tilespmem:s24], [sflag:$0x3] =	stream.indirect.gather [spmem:s5], $0x80, s12, s21, $0xb8;
	[tilespmem:$0x19000] =	vst v63  }
0x117: {  	_ =	swait.ge [sflag:s25], $0x4000  }
0x118: {  	s13 =	rddreg [dreg:$0x9];
	[sflag:s25] =	ssyncset.done $0x0  }
0x119: {  	[sflag:s25] =	ssyncadd.s32 $0xFFFFC000;
	s13 =	sadd.s32 s11, s13  }
0x11a: {  	[hbm4b:s13+s26] =	stream.strided.scatter [tilespmem:s22], [sflag:$0x5], $0x4000, s28, s26, $0x38;
	[tilespmem:$0x19000] =	vst v63  }
0x11b: {  	s15 =	smov.u32 s10;
	_ =	swait.ge [sflag:s9], $0x4000  }
0x11c: {  	s12 =	sshra.s32 s15, $0x2;
	[sflag:s9] =	ssyncset.done $0x0  }
0x11d: {  	s15 =	sadd.s32 $0x280, s12;
	[sflag:s9] =	ssyncadd.s32 $0xFFFFC000  }
0x11e: {  	[tilespmem:s29], [sflag:$0x4] =	stream.indirect.gather [spmem:s2], $0x80, s15, s21, $0xb8;
	[tilespmem:$0x19000] =	vst v63  }
0x11f: {  	_ =	swait.ge [sflag:s30], $0x4000  }
0x120: {  	[sflag:s30] =	ssyncset.done $0x0  }
0x121: {  	s16 =	sadd.s32 $0x80, s13;
	[sflag:s30] =	ssyncadd.s32 $0xFFFFC000  }
0x122: {  	[hbm4b:s16+s26] =	stream.strided.scatter [tilespmem:s23], [sflag:$0x6], $0x4000, s28, s26, $0x38;
	[tilespmem:$0x19000] =	vst v63  }
0x123: {  	_ =	swait.ge [sflag:s31], $0x4000  }
0x124: {  	[sflag:s31] =	ssyncset.done $0x0  }
0x125: {  	s16 =	sadd.s32 $0x2280, s12;
	[sflag:s31] =	ssyncadd.s32 $0xFFFFC000  }
0x126: {  	[tilespmem:s22], [sflag:$0x1] =	stream.indirect.gather [spmem:s4], $0x80, s16, s21, $0xb8;
	[tilespmem:$0x19000] =	vst v63  }
0x127: {  	_ =	swait.ge [sflag:s0], $0x4000  }
0x128: {  	[sflag:s0] =	ssyncset.done $0x0  }
0x129: {  	s13 =	sadd.s32 $0x100, s13;
	[sflag:s0] =	ssyncadd.s32 $0xFFFFC000  }
0x12a: {  	[hbm4b:s13+s26] =	stream.strided.scatter [tilespmem:s24], [sflag:$0x7], $0x4000, s28, s26, $0x38;
	[tilespmem:$0x19000] =	vst v63  }
0x12b: {  	_ =	swait.ge [sflag:s3], $0x4000  }
0x12c: {  	[sflag:s3] =	ssyncset.done $0x0  }
0x12d: {  	s16 =	sadd.s32 $0x4280, s12;
	[sflag:s3] =	ssyncadd.s32 $0xFFFFC000  }
0x12e: {  	[tilespmem:s23], [sflag:$0x2] =	stream.indirect.gather [spmem:s5], $0x80, s16, s21, $0xb8;
	[tilespmem:$0x19000] =	vst v63  }
0x12f: {  	_ =	swait.ge [sflag:s7], $0x4000  }
0x130: {  	s15 =	rddreg [dreg:$0xa]  }
0x131: {  	[sflag:s7] =	ssyncset.done $0x0;
	s13 =	sadd.s32 s11, s15  }
0x132: {  	[sflag:s7] =	ssyncadd.s32 $0xFFFFC000;
	s16 =	sadd.s32 $0x7800, s13  }
0x133: {  	[hbm4b:s16+s26] =	stream.strided.scatter [tilespmem:s29], [sflag:$0x8], $0x4000, s28, s26, $0x38;
	[tilespmem:$0x19000] =	vst v63  }
0x134: {  	_ =	swait.ge [sflag:s19], $0x4000  }
0x135: {  	[sflag:s19] =	ssyncset.done $0x0  }
0x136: {  	s16 =	sadd.s32 $0x300, s12;
	[sflag:s19] =	ssyncadd.s32 $0xFFFFC000  }
0x137: {  	[tilespmem:s24], [sflag:$0x3] =	stream.indirect.gather [spmem:s2], $0x80, s16, s21, $0xb8;
	[tilespmem:$0x19000] =	vst v63  }
0x138: {  	_ =	swait.ge [sflag:s25], $0x4000  }
0x139: {  	[sflag:s25] =	ssyncset.done $0x0  }
0x13a: {  	s16 =	sadd.s32 $0x7880, s13;
	[sflag:s25] =	ssyncadd.s32 $0xFFFFC000  }
0x13b: {  	[hbm4b:s16+s26] =	stream.strided.scatter [tilespmem:s22], [sflag:$0x5], $0x4000, s28, s26, $0x38;
	[tilespmem:$0x19000] =	vst v63  }
0x13c: {  	_ =	swait.ge [sflag:s9], $0x4000  }
0x13d: {  	[sflag:s9] =	ssyncset.done $0x0  }
0x13e: {  	s16 =	sadd.s32 $0x2300, s12;
	[sflag:s9] =	ssyncadd.s32 $0xFFFFC000  }
0x13f: {  	[tilespmem:s29], [sflag:$0x4] =	stream.indirect.gather [spmem:s4], $0x80, s16, s21, $0xb8;
	[tilespmem:$0x19000] =	vst v63  }
0x140: {  	_ =	swait.ge [sflag:s30], $0x4000  }
0x141: {  	[sflag:s30] =	ssyncset.done $0x0  }
0x142: {  	s16 =	sadd.s32 $0x7900, s13;
	[sflag:s30] =	ssyncadd.s32 $0xFFFFC000  }
0x143: {  	[hbm4b:s16+s26] =	stream.strided.scatter [tilespmem:s23], [sflag:$0x6], $0x4000, s28, s26, $0x38;
	[tilespmem:$0x19000] =	vst v63  }
0x144: {  	_ =	swait.ge [sflag:s31], $0x4000  }
0x145: {  	[sflag:s31] =	ssyncset.done $0x0  }
0x146: {  	s16 =	sadd.s32 $0x4300, s12;
	[sflag:s31] =	ssyncadd.s32 $0xFFFFC000  }
0x147: {  	[tilespmem:s22], [sflag:$0x1] =	stream.indirect.gather [spmem:s5], $0x80, s16, s21, $0xb8;
	[tilespmem:$0x19000] =	vst v63  }
0x148: {  	_ =	swait.ge [sflag:s0], $0x4000  }
0x149: {  	s16 =	rddreg [dreg:$0xb];
	[sflag:s0] =	ssyncset.done $0x0  }
0x14a: {  	[sflag:s0] =	ssyncadd.s32 $0xFFFFC000;
	s15 =	sadd.s32 s11, s16  }
0x14b: {  	[hbm4b:s15+s26] =	stream.strided.scatter [tilespmem:s24], [sflag:$0x7], $0x4000, s28, s26, $0x38;
	[tilespmem:$0x19000] =	vst v63  }
0x14c: {  	_ =	swait.ge [sflag:s3], $0x4000  }
0x14d: {  	[sflag:s3] =	ssyncset.done $0x0  }
0x14e: {  	s16 =	sadd.s32 $0x380, s12;
	[sflag:s3] =	ssyncadd.s32 $0xFFFFC000  }
0x14f: {  	[tilespmem:s23], [sflag:$0x2] =	stream.indirect.gather [spmem:s2], $0x80, s16, s21, $0xb8;
	[tilespmem:$0x19000] =	vst v63  }
0x150: {  	_ =	swait.ge [sflag:s7], $0x4000  }
0x151: {  	[sflag:s7] =	ssyncset.done $0x0  }
0x152: {  	s16 =	sadd.s32 $0x80, s15;
	[sflag:s7] =	ssyncadd.s32 $0xFFFFC000  }
0x153: {  	[hbm4b:s16+s26] =	stream.strided.scatter [tilespmem:s29], [sflag:$0x8], $0x4000, s28, s26, $0x38;
	[tilespmem:$0x19000] =	vst v63  }
0x154: {  	_ =	swait.ge [sflag:s19], $0x4000  }
0x155: {  	[sflag:s19] =	ssyncset.done $0x0  }
0x156: {  	s16 =	sadd.s32 $0x2380, s12;
	[sflag:s19] =	ssyncadd.s32 $0xFFFFC000  }
0x157: {  	[tilespmem:s24], [sflag:$0x3] =	stream.indirect.gather [spmem:s4], $0x80, s16, s21, $0xb8;
	[tilespmem:$0x19000] =	vst v63  }
0x158: {  	_ =	swait.ge [sflag:s25], $0x4000  }
0x159: {  	[sflag:s25] =	ssyncset.done $0x0  }
0x15a: {  	s15 =	sadd.s32 $0x100, s15;
	[sflag:s25] =	ssyncadd.s32 $0xFFFFC000  }
0x15b: {  	[hbm4b:s15+s26] =	stream.strided.scatter [tilespmem:s22], [sflag:$0x5], $0x4000, s28, s26, $0x38;
	[tilespmem:$0x19000] =	vst v63  }
0x15c: {  	_ =	swait.ge [sflag:s9], $0x4000  }
0x15d: {  	[sflag:s9] =	ssyncset.done $0x0  }
0x15e: {  	s16 =	sadd.s32 $0x4380, s12;
	[sflag:s9] =	ssyncadd.s32 $0xFFFFC000  }
0x15f: {  	[tilespmem:s29], [sflag:$0x4] =	stream.indirect.gather [spmem:s5], $0x80, s16, s21, $0xb8;
	[tilespmem:$0x19000] =	vst v63  }
0x160: {  	_ =	swait.ge [sflag:s30], $0x4000  }
0x161: {  	[sflag:s30] =	ssyncset.done $0x0  }
0x162: {  	s16 =	sadd.s32 $0xA800, s13;
	[sflag:s30] =	ssyncadd.s32 $0xFFFFC000  }
0x163: {  	[hbm4b:s16+s26] =	stream.strided.scatter [tilespmem:s23], [sflag:$0x6], $0x4000, s28, s26, $0x38;
	[tilespmem:$0x19000] =	vst v63  }
0x164: {  	_ =	swait.ge [sflag:s31], $0x4000  }
0x165: {  	[sflag:s31] =	ssyncset.done $0x0  }
0x166: {  	s16 =	sadd.s32 $0x400, s12;
	[sflag:s31] =	ssyncadd.s32 $0xFFFFC000  }
0x167: {  	[tilespmem:s22], [sflag:$0x1] =	stream.indirect.gather [spmem:s2], $0x80, s16, s21, $0xb8;
	[tilespmem:$0x19000] =	vst v63  }
0x168: {  	_ =	swait.ge [sflag:s0], $0x4000  }
0x169: {  	[sflag:s0] =	ssyncset.done $0x0  }
0x16a: {  	s16 =	sadd.s32 $0xA880, s13;
	[sflag:s0] =	ssyncadd.s32 $0xFFFFC000  }
0x16b: {  	[hbm4b:s16+s26] =	stream.strided.scatter [tilespmem:s24], [sflag:$0x7], $0x4000, s28, s26, $0x38;
	[tilespmem:$0x19000] =	vst v63  }
0x16c: {  	_ =	swait.ge [sflag:s3], $0x4000  }
0x16d: {  	[sflag:s3] =	ssyncset.done $0x0  }
0x16e: {  	s16 =	sadd.s32 $0x2400, s12;
	[sflag:s3] =	ssyncadd.s32 $0xFFFFC000  }
0x16f: {  	[tilespmem:s23], [sflag:$0x2] =	stream.indirect.gather [spmem:s4], $0x80, s16, s21, $0xb8;
	[tilespmem:$0x19000] =	vst v63  }
0x170: {  	_ =	swait.ge [sflag:s7], $0x4000  }
0x171: {  	p0 =	sne.s32 s10, $0x6800;
	[sflag:s7] =	ssyncset.done $0x0  }
.Ltmp0:
0x172: {  	s13 =	sadd.s32 $0xA900, s13;
	[sflag:s7] =	ssyncadd.s32 $0xFFFFC000;
	(pc) =	sbr.rel @p0 .LBB2_2-.Ltmp0, $4  }
0x173: {  	[hbm4b:s13+s26] =	stream.strided.scatter [tilespmem:s29], [sflag:$0x8], $0x4000, s28, s26, $0x38;
	[tilespmem:$0x19000] =	vst v63  }
0x174: {  	_ =	swait.ge [sflag:s19], $0x4000  }
0x175: {  	s10 =	sadd.s32 $0x800, s10;
	[sflag:s19] =	ssyncset.done $0x0  }
0x176: {  	s11 =	sadd.s32 $0x6000, s11;
	s12 =	sadd.s32 $0x4400, s12;
	[sflag:s19] =	ssyncadd.s32 $0xFFFFC000  }
0x177: {  	[tilespmem:s24], [sflag:$0x3] =	stream.indirect.gather [spmem:s5], $0x80, s12, s21, $0xb8;
	[tilespmem:$0x19000] =	vst v63  }
0x178: {  	_ =	swait.ge [sflag:s25], $0x4000  }
0x179: {  	[sflag:s25] =	ssyncset.done $0x0  }
0x17a: {  	s10 =	rddreg [dreg:$0x1b];
	[sflag:s25] =	ssyncadd.s32 $0xFFFFC000  }
0x17b: {  	[hbm4b:s10+s26] =	stream.strided.scatter [tilespmem:s22], [sflag:$0x5], $0x4000, s28, s26, $0x38;
	[tilespmem:$0x19000] =	vst v63  }
0x17c: {  	_ =	swait.ge [sflag:s9], $0x4000  }
0x17d: {  	[sflag:s9] =	ssyncset.done $0x0  }
0x17e: {  	s16 =	simm.s32 $0x1E80;
	[sflag:s9] =	ssyncadd.s32 $0xFFFFC000  }
0x17f: {  	[tilespmem:s29], [sflag:$0x4] =	stream.indirect.gather [spmem:s2], $0x80, s16, s21, $0xb8;
	[tilespmem:$0x19000] =	vst v63  }
0x180: {  	_ =	swait.ge [sflag:s30], $0x4000  }
0x181: {  	[sflag:s30] =	ssyncset.done $0x0  }
0x182: {  	s11 =	rddreg [dreg:$0x1c];
	[sflag:s30] =	ssyncadd.s32 $0xFFFFC000  }
0x183: {  	[hbm4b:s11+s26] =	stream.strided.scatter [tilespmem:s23], [sflag:$0x6], $0x4000, s28, s26, $0x38;
	[tilespmem:$0x19000] =	vst v63  }
0x184: {  	_ =	swait.ge [sflag:s31], $0x4000  }
0x185: {  	[sflag:s31] =	ssyncset.done $0x0  }
0x186: {  	s12 =	simm.s32 $0x3E80;
	[sflag:s31] =	ssyncadd.s32 $0xFFFFC000  }
0x187: {  	[tilespmem:s22], [sflag:$0x1] =	stream.indirect.gather [spmem:s4], $0x80, s12, s21, $0xb8;
	[tilespmem:$0x19000] =	vst v63  }
0x188: {  	_ =	swait.ge [sflag:s0], $0x4000  }
0x189: {  	[sflag:s0] =	ssyncset.done $0x0  }
0x18a: {  	s13 =	rddreg [dreg:$0x1d];
	[sflag:s0] =	ssyncadd.s32 $0xFFFFC000  }
0x18b: {  	[hbm4b:s13+s26] =	stream.strided.scatter [tilespmem:s24], [sflag:$0x7], $0x4000, s28, s26, $0x38;
	[tilespmem:$0x19000] =	vst v63  }
0x18c: {  	_ =	swait.ge [sflag:s3], $0x4000  }
0x18d: {  	[sflag:s3] =	ssyncset.done $0x0  }
0x18e: {  	s15 =	simm.s32 $0x5E80;
	[sflag:s3] =	ssyncadd.s32 $0xFFFFC000  }
0x18f: {  	[tilespmem:s23], [sflag:$0x2] =	stream.indirect.gather [spmem:s5], $0x80, s15, s21, $0xb8;
	[tilespmem:$0x19000] =	vst v63  }
0x190: {  	_ =	swait.ge [sflag:s7], $0x4000  }
0x191: {  	[sflag:s7] =	ssyncset.done $0x0  }
0x192: {  	s16 =	rddreg [dreg:$0x1e];
	[sflag:s7] =	ssyncadd.s32 $0xFFFFC000  }
0x193: {  	[hbm4b:s16+s26] =	stream.strided.scatter [tilespmem:s29], [sflag:$0x8], $0x4000, s28, s26, $0x38;
	[tilespmem:$0x19000] =	vst v63  }
0x194: {  	_ =	swait.ge [sflag:s19], $0x4000  }
0x195: {  	[sflag:s19] =	ssyncset.done $0x0  }
0x196: {  	s11 =	simm.s32 $0x1F00;
	[sflag:s19] =	ssyncadd.s32 $0xFFFFC000  }
0x197: {  	[tilespmem:s24], [sflag:$0x3] =	stream.indirect.gather [spmem:s2], $0x80, s11, s21, $0xb8;
	[tilespmem:$0x19000] =	vst v63  }
0x198: {  	_ =	swait.ge [sflag:s25], $0x4000  }
0x199: {  	[sflag:s25] =	ssyncset.done $0x0  }
0x19a: {  	s12 =	rddreg [dreg:$0x1f];
	[sflag:s25] =	ssyncadd.s32 $0xFFFFC000  }
0x19b: {  	[hbm4b:s12+s26] =	stream.strided.scatter [tilespmem:s22], [sflag:$0x5], $0x4000, s28, s26, $0x38;
	[tilespmem:$0x19000] =	vst v63  }
0x19c: {  	_ =	swait.ge [sflag:s9], $0x4000  }
0x19d: {  	[sflag:s9] =	ssyncset.done $0x0  }
0x19e: {  	s13 =	simm.s32 $0x3F00;
	[sflag:s9] =	ssyncadd.s32 $0xFFFFC000  }
0x19f: {  	[tilespmem:s29], [sflag:$0x4] =	stream.indirect.gather [spmem:s4], $0x80, s13, s21, $0xb8;
	[tilespmem:$0x19000] =	vst v63  }
0x1a0: {  	_ =	swait.ge [sflag:s30], $0x4000  }
0x1a1: {  	s15 =	sld [smem:$0x7F2]  }
0x1a2: {  	[sflag:s30] =	ssyncset.done $0x0  }
0x1a3: {  	[sflag:s30] =	ssyncadd.s32 $0xFFFFC000  }
0x1a4: {  	[hbm4b:s15+s26] =	stream.strided.scatter [tilespmem:s23], [sflag:$0x6], $0x4000, s28, s26, $0x38;
	[tilespmem:$0x19000] =	vst v63  }
0x1a5: {  	_ =	swait.ge [sflag:s31], $0x4000  }
0x1a6: {  	[sflag:s31] =	ssyncset.done $0x0  }
0x1a7: {  	s16 =	simm.s32 $0x5F00;
	[sflag:s31] =	ssyncadd.s32 $0xFFFFC000  }
0x1a8: {  	[tilespmem:s22], [sflag:$0x1] =	stream.indirect.gather [spmem:s5], $0x80, s16, s21, $0xb8;
	[tilespmem:$0x19000] =	vst v63  }
0x1a9: {  	_ =	swait.ge [sflag:s0], $0x4000  }
0x1aa: {  	s11 =	sld [smem:$0x7F3]  }
0x1ab: {  	[sflag:s0] =	ssyncset.done $0x0  }
0x1ac: {  	[sflag:s0] =	ssyncadd.s32 $0xFFFFC000  }
0x1ad: {  	[hbm4b:s11+s26] =	stream.strided.scatter [tilespmem:s24], [sflag:$0x7], $0x4000, s28, s26, $0x38;
	[tilespmem:$0x19000] =	vst v63  }
0x1ae: {  	_ =	swait.ge [sflag:s3], $0x4000  }
0x1af: {  	[sflag:s3] =	ssyncset.done $0x0  }
0x1b0: {  	s12 =	simm.s32 $0x1F80;
	[sflag:s3] =	ssyncadd.s32 $0xFFFFC000  }
0x1b1: {  	[tilespmem:s23], [sflag:$0x2] =	stream.indirect.gather [spmem:s2], $0x80, s12, s21, $0xb8;
	[tilespmem:$0x19000] =	vst v63  }
0x1b2: {  	_ =	swait.ge [sflag:s7], $0x4000  }
0x1b3: {  	s13 =	sld [smem:$0x7F4]  }
0x1b4: {  	[sflag:s7] =	ssyncset.done $0x0  }
0x1b5: {  	[sflag:s7] =	ssyncadd.s32 $0xFFFFC000  }
0x1b6: {  	[hbm4b:s13+s26] =	stream.strided.scatter [tilespmem:s29], [sflag:$0x8], $0x4000, s28, s26, $0x38;
	[tilespmem:$0x19000] =	vst v63  }
0x1b7: {  	_ =	swait.ge [sflag:s19], $0x4000  }
0x1b8: {  	[sflag:s19] =	ssyncset.done $0x0  }
0x1b9: {  	s15 =	simm.s32 $0x3F80;
	[sflag:s19] =	ssyncadd.s32 $0xFFFFC000  }
0x1ba: {  	[tilespmem:s24], [sflag:$0x3] =	stream.indirect.gather [spmem:s4], $0x80, s15, s21, $0xb8;
	[tilespmem:$0x19000] =	vst v63  }
0x1bb: {  	_ =	swait.ge [sflag:s25], $0x4000  }
0x1bc: {  	s16 =	sld [smem:$0x7F5]  }
0x1bd: {  	[sflag:s25] =	ssyncset.done $0x0  }
0x1be: {  	[sflag:s25] =	ssyncadd.s32 $0xFFFFC000  }
0x1bf: {  	[hbm4b:s16+s26] =	stream.strided.scatter [tilespmem:s22], [sflag:$0x5], $0x4000, s28, s26, $0x38;
	[tilespmem:$0x19000] =	vst v63  }
0x1c0: {  	_ =	swait.ge [sflag:s9], $0x4000  }
0x1c1: {  	[sflag:s9] =	ssyncset.done $0x0  }
0x1c2: {  	s11 =	simm.s32 $0x5F80;
	[sflag:s9] =	ssyncadd.s32 $0xFFFFC000  }
0x1c3: {  	[tilespmem:s29], [sflag:$0x4] =	stream.indirect.gather [spmem:s5], $0x80, s11, s21, $0xb8;
	[tilespmem:$0x19000] =	vst v63  }
0x1c4: {  	_ =	swait.ge [sflag:s30], $0x4000  }
0x1c5: {  	s12 =	sld [smem:$0x7F6]  }
0x1c6: {  	[sflag:s30] =	ssyncset.done $0x0  }
0x1c7: {  	[sflag:s30] =	ssyncadd.s32 $0xFFFFC000  }
0x1c8: {  	[hbm4b:s12+s26] =	stream.strided.scatter [tilespmem:s23], [sflag:$0x6], $0x4000, s28, s26, $0x38;
	[tilespmem:$0x19000] =	vst v63  }
0x1c9: {  	_ =	swait.ge [sflag:s31], $0x4000  }
0x1ca: {  	[sflag:s31] =	ssyncset.done $0x0  }
0x1cb: {  	[sflag:s31] =	ssyncadd.s32 $0xFFFFC000  }
0x1cc: {  	_ =	swait.ge [sflag:s0], $0x4000  }
0x1cd: {  	s13 =	sld [smem:$0x7F7]  }
0x1ce: {  	[sflag:s0] =	ssyncset.done $0x0  }
0x1cf: {  	[sflag:s0] =	ssyncadd.s32 $0xFFFFC000  }
0x1d0: {  	[hbm4b:s13+s26] =	stream.strided.scatter [tilespmem:s24], [sflag:$0x7], $0x4000, s28, s26, $0x38;
	[tilespmem:$0x19000] =	vst v63  }
0x1d1: {  	_ =	swait.ge [sflag:s3], $0x4000  }
0x1d2: {  	[sflag:s3] =	ssyncset.done $0x0  }
0x1d3: {  	[sflag:s3] =	ssyncadd.s32 $0xFFFFC000  }
0x1d4: {  	_ =	swait.ge [sflag:s7], $0x4000  }
0x1d5: {  	s15 =	sld [smem:$0x7F8]  }
0x1d6: {  	[sflag:s7] =	ssyncset.done $0x0  }
0x1d7: {  	[sflag:s7] =	ssyncadd.s32 $0xFFFFC000  }
0x1d8: {  	[hbm4b:s15+s26] =	stream.strided.scatter [tilespmem:s29], [sflag:$0x8], $0x4000, s28, s26, $0x38;
	[tilespmem:$0x19000] =	vst v63  }
0x1d9: {  	_ =	swait.ge [sflag:s19], $0x4000  }
0x1da: {  	[sflag:s19] =	ssyncset.done $0x0  }
0x1db: {  	[sflag:s19] =	ssyncadd.s32 $0xFFFFC000  }
0x1dc: {  	_ =	swait.ge [sflag:s9], $0x4000  }
0x1dd: {  	s16 =	sld [smem:$0x7F9];
	_ =	sdelay $0x1  }
0x1de: {  	s20 =	sadd.s32 $0x1, s20  }
0x1df: {  	p0 =	sne.s32 s20, s16  }
.Ltmp1:
0x1e0: {  	_ = 	snop;
	(pc) =	sbr.rel @p0 .LBB2_1-.Ltmp1, $3  }
0x1e1: {  	_ =	sdelay $0x1  }
0x1e2: {  	[sflag:s9] =	ssyncset.done $0x0  }
0x1e3: {  	[sflag:s9] =	ssyncadd.s32 $0xFFFFC000  }
0x1e4: {  	_ =	sfence.sel $0x180000  }
0x1e5: {  	[bflag:$0x0] =	sbarrier.arrive $0xFFFF  }
0x1e6: {  	_ =	strace $0x90000047  }
0x1e7: {  	s0 =	stileid.u32;
	[bflag:$0x2] =	sbarrier.arrive $0xFFFF  }
0x1e8: {  	p0 =	sne.s32 s0, $0x0;
	s0 =	rddreg [dreg:$0x8]  }
0x1e9: {  	s0 =	sadd.s32 @!p0 $0x100000, s0  }
0x1ea: {  	[sflag:s0] =	ssyncadd.tile.s32 @!p0 $0x1;
	_ =	shalt  }
.Lfunc_end2:
_tile_overlayer_lowered:
.L_overlay_start_2:
0x1eb: {  	(tag) =	ssettag $0x2  }
0x1ec: {  	s0 =	rddreg [dreg:$0x0];
	s2 =	stileid.u32  }
0x1ed: {  	s1 =	rddreg [dreg:$0x1];
	p0 =	sne.s32 s2, $0x0  }
0x1ee: {  	s3 =	rddreg [dreg:$0x2];
	[bflag:$0x3] =	sbarrier.arrive $0xFFFF;
	s2 =	simm.s32 @!p0 $0x1C09  }
0x1ef: {  	[timem:s3], [sflag:s2] =	dma.local @!p0 [hbm:s0], s1  }
0x1f0: {  	s0 =	simm.s32 @!p0 $0x9  }
0x1f1: {  	_ =	swait.ge @!p0 [sflag:s0], s1  }
0x1f2: {  	s1 =	ssub.s32 @!p0 $0x0, s1;
	[sflag:s0] =	ssyncset.done @!p0 $0x0  }
0x1f3: {  	[sflag:s0] =	ssyncadd.s32 @!p0 s1  }
0x1f4: {  	[bflag:$0x3] =	sbarrier.arrive $0xFFFF  }
0x1f5: {  	_ =	shalt  }

</sc_bundles>
